<compile_context>
chip_gen: v7x
topology: tpu7x:2x2x1
jax: 0.10.2.dev20260603
libtpu: 0.0.44.dev20260713+nightly
codegen_flags: <defaults>
</compile_context>

<pallas_src>
import functools

import jax
import jax.numpy as jnp
from jax import lax
from jax.experimental import pallas as pl
from jax.experimental.pallas import tpu as pltpu
from jax.experimental.pallas import tpu_sc as plsc

N = 10000
E = 320000
H = 2
C = 64
HC = 128
G = 64

NC = 2
NS = 16
EW = E // NS
B = 160
KC = 2
MC = 80
NBLK = EW // B
NP = 10240
RPT = NP // NS
DR = 160
QW = 80
AW = 80


def _lperm(v, perm):
    return lax.gather(
        v, perm[:, None],
        lax.GatherDimensionNumbers(offset_dims=(), collapsed_slice_dims=(0,),
                                   start_index_map=(0,)),
        (1,), mode=lax.GatherScatterMode.PROMISE_IN_BOUNDS)


def _prep_call(x, wq, bq, wkv, bkv, ws, bs, blk):

    def body(x_ref, wq_ref, bq_ref, wkv_ref, bkv_ref, ws_ref, bs_ref,
             q_ref, kv_ref, s_ref):
        xb = x_ref[...]
        q_ref[...] = jnp.dot(xb, wq_ref[0],
                             preferred_element_type=jnp.float32) + bq_ref[0]
        kv_ref[...] = jnp.dot(xb, wkv_ref[0],
                              preferred_element_type=jnp.float32) + bkv_ref[0]
        s_ref[...] = jnp.dot(xb, ws_ref[...],
                             preferred_element_type=jnp.float32) + bs_ref[...]

    nblk = N // blk
    return pl.pallas_call(
        body,
        grid=(H, nblk),
        in_specs=[
            pl.BlockSpec((blk, HC), lambda h, i: (i, 0)),
            pl.BlockSpec((1, HC, QW), lambda h, i: (h, 0, 0)),
            pl.BlockSpec((1, 1, QW), lambda h, i: (h, 0, 0)),
            pl.BlockSpec((1, HC, HC), lambda h, i: (h, 0, 0)),
            pl.BlockSpec((1, 1, HC), lambda h, i: (h, 0, 0)),
            pl.BlockSpec((HC, HC), lambda h, i: (0, 0)),
            pl.BlockSpec((1, HC), lambda h, i: (0, 0)),
        ],
        out_specs=[
            pl.BlockSpec((blk, QW), lambda h, i: (h * nblk + i, 0)),
            pl.BlockSpec((blk, HC), lambda h, i: (h * nblk + i, 0)),
            pl.BlockSpec((blk, HC), lambda h, i: (i, 0)),
        ],
        out_shape=[
            jax.ShapeDtypeStruct((H * N, QW), jnp.float32),
            jax.ShapeDtypeStruct((H * N, HC), jnp.float32),
            jax.ShapeDtypeStruct((N, HC), jnp.float32),
        ],
    )(x, wq, bq, wkv, bkv, ws, bs)


def _edge_call(qp, kv, ea16, src, dst):
    mesh = plsc.VectorSubcoreMesh(core_axis_name="c", subcore_axis_name="s")

    @functools.partial(
        pl.kernel,
        out_type=jax.ShapeDtypeStruct((NC * NP, AW), jnp.float32),
        mesh=mesh,
        scratch_types=[
            pltpu.VMEM((KC, MC), jnp.int32),
            pltpu.VMEM((KC, MC), jnp.int32),
            pltpu.VMEM((KC, MC), jnp.int32),
            pltpu.VMEM((B, QW), jnp.float32),
            pltpu.VMEM((B, HC), jnp.float32),
            pltpu.VMEM((B, 16), jnp.float32),
            pltpu.VMEM((B, AW), jnp.float32),
            pltpu.VMEM_SHARED((NP, AW), jnp.float32),
            pltpu.SemaphoreType.DMA,
        ],
        compiler_params=pltpu.CompilerParams(use_tc_tiling_on_sc=False),
    )
    def k(qp_hbm, kv_hbm, ea_hbm, src_hbm, dst_hbm, acc_hbm,
          sidx, didx, didx_raw, qrows, kvrows, earows, outrows,
          acc_sh, sem):
        core = lax.axis_index("c")
        sub = lax.axis_index("s")
        io16 = lax.iota(jnp.int32, 16)
        z16 = jnp.zeros((16,), jnp.float32)
        hoff = core * N

        def zrow(j, carry):
            for c in range(AW // 16):
                outrows[j, pl.ds(c * 16, 16)] = z16
            return carry

        lax.fori_loop(0, B, zrow, 0)
        rbase = sub * RPT
        for p in range(RPT // DR):
            pltpu.sync_copy(outrows.at[pl.ds(0, DR)],
                            acc_sh.at[pl.ds(rbase + p * DR, DR)])
        plsc.subcore_barrier()

        def blk_body(blk, carry):
            base = sub * EW + blk * B
            rowoff = base // MC
            ci = pltpu.async_copy(src_hbm.at[pl.ds(rowoff, KC)], sidx, sem)
            cd = pltpu.async_copy(dst_hbm.at[pl.ds(rowoff, KC)], didx_raw,
                                  sem)
            ce = pltpu.async_copy(ea_hbm.at[pl.ds(base, B)], earows, sem)
            ci.wait()
            cd.wait()
            for r in range(KC):
                for c in range(MC // 16):
                    sidx[r, pl.ds(c * 16, 16)] = (
                        sidx[r, pl.ds(c * 16, 16)] + hoff)
                    didx[r, pl.ds(c * 16, 16)] = (
                        didx_raw[r, pl.ds(c * 16, 16)] + hoff)
            gs = []
            for r in range(KC):
                gs.append(pltpu.async_copy(
                    qp_hbm.at[didx.at[r]],
                    qrows.at[pl.ds(r * MC, MC)], sem))
                gs.append(pltpu.async_copy(
                    kv_hbm.at[sidx.at[r]],
                    kvrows.at[pl.ds(r * MC, MC)], sem))
            ce.wait()
            for g in gs:
                g.wait()

            def edge(i, ecarry):
                a = qrows[i, pl.ds(0, 16)] * kvrows[i, pl.ds(0, 16)]
                for c in range(1, 4):
                    a = a + (qrows[i, pl.ds(c * 16, 16)]
                             * kvrows[i, pl.ds(c * 16, 16)])
                evec = earows[i, :]
                pe = qrows[i, pl.ds(C, 16)] * evec
                a = a + jnp.where(io16 < 4, pe, 0.0)
                for sh in (8, 4, 2, 1):
                    a = a + _lperm(a, io16 ^ sh)
                sv = jnp.exp(a * 0.125)
                for c in range(4):
                    outrows[i, pl.ds(c * 16, 16)] = (
                        sv * kvrows[i, pl.ds(C + c * 16, 16)])
                shead = jnp.where(io16 < 4, sv, 0.0)
                outrows[i, pl.ds(C, 16)] = (evec * shead
                                            + jnp.where(io16 == 8, sv, 0.0))
                return ecarry

            lax.fori_loop(0, B, edge, 0)
            ss = [pltpu.async_copy(outrows.at[pl.ds(r * MC, MC)],
                                   acc_sh.at[didx_raw.at[r]], sem, add=True)
                  for r in range(KC)]
            for s in ss:
                s.wait()
            return carry

        lax.fori_loop(0, NBLK, blk_body, 0)
        plsc.subcore_barrier()

        obase = core * NP + rbase
        for p in range(RPT // DR):
            pltpu.sync_copy(acc_sh.at[pl.ds(rbase + p * DR, DR)],
                            outrows.at[pl.ds(0, DR)])
            pltpu.sync_copy(outrows.at[pl.ds(0, DR)],
                            acc_hbm.at[pl.ds(obase + p * DR, DR)])

    return k(qp, kv, ea16, src.reshape(E // MC, MC),
             dst.reshape(E // MC, MC))


def _combine_call(acc0, acc1, skip, wt0, wt1, relu, blk):

    def body(a0_ref, a1_ref, s_ref, wt0_ref, wt1_ref, o_ref):
        a0 = a0_ref[...]
        a1 = a1_ref[...]
        n0 = a0[:, 0:C] + jnp.dot(a0[:, C:C + 4], wt0_ref[...],
                                  preferred_element_type=jnp.float32)
        n1 = a1[:, 0:C] + jnp.dot(a1[:, C:C + 4], wt1_ref[...],
                                  preferred_element_type=jnp.float32)
        s0 = a0[:, C + 8:C + 9]
        s1 = a1[:, C + 8:C + 9]
        h0 = jnp.where(s0 > 0.0, n0 / s0, 0.0)
        h1 = jnp.where(s1 > 0.0, n1 / s1, 0.0)
        h = jnp.concatenate([h0, h1], axis=1) + s_ref[...]
        if relu:
            h = jnp.maximum(h, 0.0)
        o_ref[...] = h

    return pl.pallas_call(
        body,
        grid=(N // blk,),
        in_specs=[
            pl.BlockSpec((blk, AW), lambda i: (i, 0)),
            pl.BlockSpec((blk, AW), lambda i: (i, 0)),
            pl.BlockSpec((blk, HC), lambda i: (i, 0)),
            pl.BlockSpec((4, C), lambda i: (0, 0)),
            pl.BlockSpec((4, C), lambda i: (0, 0)),
        ],
        out_specs=pl.BlockSpec((blk, HC), lambda i: (i, 0)),
        out_shape=jax.ShapeDtypeStruct((N, HC), jnp.float32),
    )(acc0, acc1, skip, wt0, wt1)


def _pool_call(h, batch3d, blk):

    def body(b_ref, h_ref, sum_ref, cnt_ref):
        @pl.when(pl.program_id(0) == 0)
        def _init():
            sum_ref[...] = jnp.zeros((G, HC), jnp.float32)
            cnt_ref[...] = jnp.zeros((G, HC), jnp.float32)

        oh = (b_ref[0, 0, :][None, :]
              == lax.broadcasted_iota(jnp.int32, (G, blk), 0)
              ).astype(jnp.float32)
        sum_ref[...] += jnp.dot(oh, h_ref[...],
                                preferred_element_type=jnp.float32)
        cnt_ref[...] += jnp.broadcast_to(
            jnp.sum(oh, axis=1, keepdims=True), (G, HC))

    return pl.pallas_call(
        body,
        grid=(N // blk,),
        in_specs=[
            pl.BlockSpec((1, 1, blk), lambda i: (i, 0, 0)),
            pl.BlockSpec((blk, HC), lambda i: (i, 0)),
        ],
        out_specs=[
            pl.BlockSpec((G, HC), lambda i: (0, 0)),
            pl.BlockSpec((G, HC), lambda i: (0, 0)),
        ],
        out_shape=[
            jax.ShapeDtypeStruct((G, HC), jnp.float32),
            jax.ShapeDtypeStruct((G, HC), jnp.float32),
        ],
    )(batch3d, h)


def _mlp_call(sums, cnt, w1, b1, w2, b2, w3, b3):

    def body(s_ref, c_ref, w1_ref, b1_ref, w2_ref, b2_ref, w3_ref, b3_ref,
             o_ref):
        gm = s_ref[...] / jnp.maximum(c_ref[...], 1.0)
        g = jnp.maximum(jnp.dot(gm, w1_ref[...],
                                preferred_element_type=jnp.float32)
                        + b1_ref[...], 0.0)
        g = jnp.maximum(jnp.dot(g, w2_ref[...],
                                preferred_element_type=jnp.float32)
                        + b2_ref[...], 0.0)
        o_ref[...] = jnp.dot(g, w3_ref[...],
                             preferred_element_type=jnp.float32) + b3_ref[...]

    return pl.pallas_call(
        body,
        out_shape=jax.ShapeDtypeStruct((G, 16), jnp.float32),
    )(sums, cnt, w1, b1.reshape(1, -1), w2, b2.reshape(1, -1),
      w3, b3.reshape(1, -1))


def _layer(x_in, src, dst, ea16, wq, bq, wk, bk, wv, bv, we, ws, bs, relu):
    we_h = we.reshape(4, H, C)
    z12 = jnp.zeros((HC, 12), jnp.float32)
    wq_s, bq_s, wkv_s, bkv_s = [], [], [], []
    for h in range(H):
        wqh = wq[:, h * C:(h + 1) * C]
        wp = wqh @ jnp.transpose(we_h[:, h, :])
        wq_s.append(jnp.concatenate([wqh, wp, z12], axis=1))
        bqh = bq[h * C:(h + 1) * C]
        bp = bqh @ jnp.transpose(we_h[:, h, :])
        bq_s.append(jnp.concatenate([bqh, bp, jnp.zeros((12,), jnp.float32)]))
        wkv_s.append(jnp.concatenate(
            [wk[:, h * C:(h + 1) * C], wv[:, h * C:(h + 1) * C]], axis=1))
        bkv_s.append(jnp.concatenate(
            [bk[h * C:(h + 1) * C], bv[h * C:(h + 1) * C]]))
    wq_st = jnp.stack(wq_s)
    bq_st = jnp.stack(bq_s).reshape(H, 1, QW)
    wkv_st = jnp.stack(wkv_s)
    bkv_st = jnp.stack(bkv_s).reshape(H, 1, HC)
    qp, kv, skip = _prep_call(x_in, wq_st, bq_st, wkv_st, bkv_st, ws,
                              bs.reshape(1, HC), 400)
    acc = _edge_call(qp, kv, ea16, src, dst)
    return _combine_call(acc[:N], acc[NP:NP + N],
                         skip, we_h[:, 0, :], we_h[:, 1, :], relu, 1000)


def kernel(x, edge_index, batch, edge_attr,
           l1_Wq, l1_bq, l1_Wk, l1_bk, l1_Wv, l1_bv, l1_We, l1_Ws, l1_bs,
           l2_Wq, l2_bq, l2_Wk, l2_bk, l2_Wv, l2_bv, l2_We, l2_Ws, l2_bs,
           ge_W1, ge_b1, ge_W2, ge_b2, ge_W3, ge_b3):
    src = edge_index[0]
    dst = edge_index[1]
    ea16 = jnp.concatenate(
        [edge_attr, jnp.zeros((E, 12), jnp.float32)], axis=1)
    h = _layer(x, src, dst, ea16, l1_Wq, l1_bq, l1_Wk, l1_bk, l1_Wv, l1_bv,
               l1_We, l1_Ws, l1_bs, True)
    h = _layer(h, src, dst, ea16, l2_Wq, l2_bq, l2_Wk, l2_bk, l2_Wv, l2_bv,
               l2_We, l2_Ws, l2_bs, False)
    sums, cnt = _pool_call(h, batch.reshape(N // 1000, 1, 1000), 1000)
    g = _mlp_call(sums, cnt, ge_W1, ge_b1, ge_W2, ge_b2, ge_W3, ge_b3)
    return (h, g)

# --- scband reference (transcript-rebuilt; emitter-appended) ---
"""Pipeline reference for scband-nmrgraph-encoder-32633161515657 (READ-ONLY COPY).

The authoritative reference and input builder live on the scoring server;
editing this copy changes nothing except your own understanding.
"""

import jax, jax.numpy as jnp
import numpy as np

N = 10000
E = 320000
DIN = 128
H = 2
C = 64
HC = H * C
EDGE_DIM = 4
G = 64


def _lin(k, fan_in, fan_out):
    return jax.random.normal(k, (fan_in, fan_out), jnp.float32) * (1.0 / np.sqrt(fan_in))


def setup_inputs(seed: int = 0) -> dict:
    key = jax.random.key(seed)
    ks = jax.random.split(key, 30)
    inp = {}
    inp["x"] = jax.random.normal(ks[0], (N, DIN), jnp.float32)
    inp["edge_index"] = jax.random.randint(ks[1], (2, E), 0, N, dtype=jnp.int32)
    inp["batch"] = jnp.sort(jax.random.randint(ks[2], (N,), 0, G, dtype=jnp.int32))
    inp["edge_attr"] = jax.random.normal(ks[3], (E, EDGE_DIM), jnp.float32)
    # TransformerConv layer 1: in=128 -> heads*hidden = 128
    inp["l1_Wq"] = _lin(ks[4], DIN, HC); inp["l1_bq"] = jnp.zeros((HC,), jnp.float32)
    inp["l1_Wk"] = _lin(ks[5], DIN, HC); inp["l1_bk"] = jnp.zeros((HC,), jnp.float32)
    inp["l1_Wv"] = _lin(ks[6], DIN, HC); inp["l1_bv"] = jnp.zeros((HC,), jnp.float32)
    inp["l1_We"] = _lin(ks[7], EDGE_DIM, HC)
    inp["l1_Ws"] = _lin(ks[8], DIN, HC); inp["l1_bs"] = jnp.zeros((HC,), jnp.float32)
    # TransformerConv layer 2: in=128 -> 128
    inp["l2_Wq"] = _lin(ks[9], HC, HC); inp["l2_bq"] = jnp.zeros((HC,), jnp.float32)
    inp["l2_Wk"] = _lin(ks[10], HC, HC); inp["l2_bk"] = jnp.zeros((HC,), jnp.float32)
    inp["l2_Wv"] = _lin(ks[11], HC, HC); inp["l2_bv"] = jnp.zeros((HC,), jnp.float32)
    inp["l2_We"] = _lin(ks[12], EDGE_DIM, HC)
    inp["l2_Ws"] = _lin(ks[13], HC, HC); inp["l2_bs"] = jnp.zeros((HC,), jnp.float32)
    # graph encoder MLP: 128 -> 64 -> 32 -> 16
    inp["ge_W1"] = _lin(ks[14], HC, 64); inp["ge_b1"] = jnp.zeros((64,), jnp.float32)
    inp["ge_W2"] = _lin(ks[15], 64, 32); inp["ge_b2"] = jnp.zeros((32,), jnp.float32)
    inp["ge_W3"] = _lin(ks[16], 32, 16); inp["ge_b3"] = jnp.zeros((16,), jnp.float32)
    return inp


def _transformer_conv(x, src, dst, ea, Wq, bq, Wk, bk, Wv, bv, We, Ws, bs):
    n = x.shape[0]
    q = (x @ Wq + bq).reshape(n, H, C)[dst]
    k = (x @ Wk + bk).reshape(n, H, C)[src]
    v = (x @ Wv + bv).reshape(n, H, C)[src]
    e = (ea @ We).reshape(-1, H, C)
    k = k + e
    v = v + e
    alpha = jnp.sum(q * k, axis=-1) / np.sqrt(C)  # [E, H]
    amax = jax.ops.segment_max(alpha, dst, num_segments=n)
    amax = jax.lax.stop_gradient(jnp.where(jnp.isfinite(amax), amax, 0.0))
    ex = jnp.exp(alpha - amax[dst])
    den = jax.ops.segment_sum(ex, dst, num_segments=n)
    a = ex / (den[dst] + 1e-16)
    out = jax.ops.segment_sum(v * a[:, :, None], dst, num_segments=n)
    return out.reshape(n, HC) + x @ Ws + bs


def reference(x, edge_index, batch, edge_attr,
              l1_Wq, l1_bq, l1_Wk, l1_bk, l1_Wv, l1_bv, l1_We, l1_Ws, l1_bs,
              l2_Wq, l2_bq, l2_Wk, l2_bk, l2_Wv, l2_bv, l2_We, l2_Ws, l2_bs,
              ge_W1, ge_b1, ge_W2, ge_b2, ge_W3, ge_b3):
    src, dst = edge_index[0], edge_index[1]
    h = _transformer_conv(x, src, dst, edge_attr, l1_Wq, l1_bq, l1_Wk, l1_bk, l1_Wv, l1_bv, l1_We, l1_Ws, l1_bs)
    h = jax.nn.relu(h)
    h = _transformer_conv(h, src, dst, edge_attr, l2_Wq, l2_bq, l2_Wk, l2_bk, l2_Wv, l2_bv, l2_We, l2_Ws, l2_bs)
    node_embeddings = h
    sums = jax.ops.segment_sum(h, batch, num_segments=G)
    cnt = jax.ops.segment_sum(jnp.ones((h.shape[0], 1), jnp.float32), batch, num_segments=G)
    gm = sums / jnp.clip(cnt, 1.0, None)
    g = jax.nn.relu(gm @ ge_W1 + ge_b1)
    g = jax.nn.relu(g @ ge_W2 + ge_b2)
    g = g @ ge_W3 + ge_b3
    return (node_embeddings, g)

if __name__ == "__main__":
    import jax
    _d = setup_inputs()
    print(jax.jit(kernel)(*tuple(_d.values())))

</pallas_src>

<mosaic_0001>
#map = affine_map<(d0, d1) -> (0, 0)>
module attributes {stable_mosaic.version = 14 : i64} {
  func.func @k(%arg0: i32, %arg1: i32, %arg2: memref<20000x80xf32, #tpu.memory_space<hbm>>, %arg3: memref<20000x128xf32, #tpu.memory_space<hbm>>, %arg4: memref<320000x16xf32, #tpu.memory_space<hbm>>, %arg5: memref<4000x80xi32, #tpu.memory_space<hbm>>, %arg6: memref<4000x80xi32, #tpu.memory_space<hbm>>, %arg7: memref<20480x80xf32, #tpu.memory_space<hbm>>, %arg8: memref<2x80xi32, #tpu.memory_space<vmem>>, %arg9: memref<2x80xi32, #tpu.memory_space<vmem>>, %arg10: memref<2x80xi32, #tpu.memory_space<vmem>>, %arg11: memref<160x80xf32, #tpu.memory_space<vmem>>, %arg12: memref<160x128xf32, #tpu.memory_space<vmem>>, %arg13: memref<160x16xf32, #tpu.memory_space<vmem>>, %arg14: memref<160x80xf32, #tpu.memory_space<vmem>>, %arg15: memref<10240x80xf32, #tpu.memory_space<vmem_shared>>, %arg16: memref<!tpu.dma_semaphore, #tpu.memory_space<semaphore_mem>>) attributes {dimension_semantics = [#tpu.dimension_semantics<core_parallel>, #tpu.dimension_semantics<subcore_parallel>], iteration_bounds = array<i64: 2, 16>, scalar_prefetch = 0 : i64, scratch_operands = 9 : i64, tpu.core_type = #tpu.core_type<sc_vector_subcore>, window_params = [{transform_indices = #map}, {transform_indices = #map}, {transform_indices = #map}, {transform_indices = #map}, {transform_indices = #map}, {transform_indices = #map}]} {
    %iota3A = tpu.iota {dimensions = array<i32: 0>} : vector<16xi32>
    %broadcast_in_dim3A = arith.constant 0.000000e+00 : f32
    %broadcast_in_dim3A_0 = vector.broadcast %broadcast_in_dim3A : f32 to vector<16xf32>
    %mul3A = arith.constant 10000 : i32
    %mul3A_1 = arith.muli %arg0, %mul3A : i32
    %scan3A = arith.constant 0 : i32
    %scan3A_2 = arith.constant 0 : i32
    %scan3A_3 = arith.constant 160 : i32
    %scan3A_4 = arith.addi %scan3A_2, %scan3A_3 : i32
    %scan3A_5 = arith.constant 1 : i32
    scf.for %scan3A_42 = %scan3A_2 to %scan3A_4 step %scan3A_5  : i32 {
      %swap3A = arith.index_cast %scan3A_42 : i32 to index
      %swap3A_43 = arith.constant 0 : index
      %swap3A_44 = tpu.vector_load %arg14[%swap3A, %swap3A_43] {strides = array<i32>} : memref<160x80xf32, #tpu.memory_space<vmem>>, vector<1x16xf32>,
      %swap3A_45 = vector.shape_cast %swap3A_44 : vector<1x16xf32> to vector<16xf32>
      %swap3A_46 = vector.shape_cast %broadcast_in_dim3A_0 : vector<16xf32> to vector<1x16xf32>
      tpu.vector_store %arg14[%swap3A, %swap3A_43], %swap3A_46 {strides = array<i32>} : memref<160x80xf32, #tpu.memory_space<vmem>>, vector<1x16xf32>,
      %swap3A_47 = arith.index_cast %scan3A_42 : i32 to index
      %swap3A_48 = arith.constant 16 : index
      %swap3A_49 = tpu.vector_load %arg14[%swap3A_47, %swap3A_48] {strides = array<i32>} : memref<160x80xf32, #tpu.memory_space<vmem>>, vector<1x16xf32>,
      %swap3A_50 = vector.shape_cast %swap3A_49 : vector<1x16xf32> to vector<16xf32>
      %swap3A_51 = vector.shape_cast %broadcast_in_dim3A_0 : vector<16xf32> to vector<1x16xf32>
      tpu.vector_store %arg14[%swap3A_47, %swap3A_48], %swap3A_51 {strides = array<i32>} : memref<160x80xf32, #tpu.memory_space<vmem>>, vector<1x16xf32>,
      %swap3A_52 = arith.index_cast %scan3A_42 : i32 to index
      %swap3A_53 = arith.constant 32 : index
      %swap3A_54 = tpu.vector_load %arg14[%swap3A_52, %swap3A_53] {strides = array<i32>} : memref<160x80xf32, #tpu.memory_space<vmem>>, vector<1x16xf32>,
      %swap3A_55 = vector.shape_cast %swap3A_54 : vector<1x16xf32> to vector<16xf32>
      %swap3A_56 = vector.shape_cast %broadcast_in_dim3A_0 : vector<16xf32> to vector<1x16xf32>
      tpu.vector_store %arg14[%swap3A_52, %swap3A_53], %swap3A_56 {strides = array<i32>} : memref<160x80xf32, #tpu.memory_space<vmem>>, vector<1x16xf32>,
      %swap3A_57 = arith.index_cast %scan3A_42 : i32 to index
      %swap3A_58 = arith.constant 48 : index
      %swap3A_59 = tpu.vector_load %arg14[%swap3A_57, %swap3A_58] {strides = array<i32>} : memref<160x80xf32, #tpu.memory_space<vmem>>, vector<1x16xf32>,
      %swap3A_60 = vector.shape_cast %swap3A_59 : vector<1x16xf32> to vector<16xf32>
      %swap3A_61 = vector.shape_cast %broadcast_in_dim3A_0 : vector<16xf32> to vector<1x16xf32>
      tpu.vector_store %arg14[%swap3A_57, %swap3A_58], %swap3A_61 {strides = array<i32>} : memref<160x80xf32, #tpu.memory_space<vmem>>, vector<1x16xf32>,
      %swap3A_62 = arith.index_cast %scan3A_42 : i32 to index
      %swap3A_63 = arith.constant 64 : index
      %swap3A_64 = tpu.vector_load %arg14[%swap3A_62, %swap3A_63] {strides = array<i32>} : memref<160x80xf32, #tpu.memory_space<vmem>>, vector<1x16xf32>,
      %swap3A_65 = vector.shape_cast %swap3A_64 : vector<1x16xf32> to vector<16xf32>
      %swap3A_66 = vector.shape_cast %broadcast_in_dim3A_0 : vector<16xf32> to vector<1x16xf32>
      tpu.vector_store %arg14[%swap3A_62, %swap3A_63], %swap3A_66 {strides = array<i32>} : memref<160x80xf32, #tpu.memory_space<vmem>>, vector<1x16xf32>,
    }
    %scan3A_6 = arith.constant 160 : i32
    %mul3A_7 = arith.constant 640 : i32
    %mul3A_8 = arith.muli %arg1, %mul3A_7 : i32
    %add3A = arith.constant 0 : i32
    %add3A_9 = arith.addi %mul3A_8, %add3A : i32
    "tpu.region"() ({
      %run_scoped3A = tpu.sem_alloc : memref<!tpu.dma_semaphore, #tpu.memory_space<semaphore_mem>>
      %dma_start3A = arith.constant 0 : i32
      %dma_start3A_42 = arith.constant 0 : i32
      %dma_start3A_43 = tpu.memref_slice %arg14[%dma_start3A, %dma_start3A_42] : memref<160x80xf32, #tpu.memory_space<vmem>> -> memref<160x80xf32, #tpu.memory_space<vmem>>
      %dma_start3A_44 = arith.constant 0 : i32
      %dma_start3A_45 = tpu.memref_slice %arg15[%add3A_9, %dma_start3A_44] : memref<10240x80xf32, #tpu.memory_space<vmem_shared>> -> memref<160x80xf32, #tpu.memory_space<vmem_shared>>
      %dma_start3A_46 = arith.constant 0 : i32
      %dma_start3A_47 = tpu.memref_slice %arg15[%add3A_9, %dma_start3A_46] : memref<10240x80xf32, #tpu.memory_space<vmem_shared>> -> memref<160x80xf32, #tpu.memory_space<vmem_shared>>
      %dma_start3A_48 = arith.constant 0 : i32
      %dma_start3A_49 = arith.constant 0 : i32
      %dma_start3A_50 = tpu.memref_slice %arg14[%dma_start3A_48, %dma_start3A_49] : memref<160x80xf32, #tpu.memory_space<vmem>> -> memref<160x80xf32, #tpu.memory_space<vmem>>
      tpu.enqueue_dma source(%dma_start3A_50 : memref<160x80xf32, #tpu.memory_space<vmem>>) target(%dma_start3A_47 : memref<160x80xf32, #tpu.memory_space<vmem_shared>>) target_semaphore(%run_scoped3A : memref<!tpu.dma_semaphore, #tpu.memory_space<semaphore_mem>>)
      %dma_wait3A = arith.constant 0 : i32
      %dma_wait3A_51 = arith.constant 0 : i32
      %dma_wait3A_52 = tpu.memref_slice %arg14[%dma_wait3A, %dma_wait3A_51] : memref<160x80xf32, #tpu.memory_space<vmem>> -> memref<160x80xf32, #tpu.memory_space<vmem>>
      %dma_wait3A_53 = arith.constant 0 : i32
      %dma_wait3A_54 = tpu.memref_slice %arg15[%add3A_9, %dma_wait3A_53] : memref<10240x80xf32, #tpu.memory_space<vmem_shared>> -> memref<160x80xf32, #tpu.memory_space<vmem_shared>>
      %dma_wait3A_55 = arith.constant 0 : i32
      %dma_wait3A_56 = tpu.memref_slice %arg15[%add3A_9, %dma_wait3A_55] : memref<10240x80xf32, #tpu.memory_space<vmem_shared>> -> memref<160x80xf32, #tpu.memory_space<vmem_shared>>
      %dma_wait3A_57 = arith.constant 0 : i32
      %dma_wait3A_58 = arith.constant 0 : i32
      %dma_wait3A_59 = tpu.memref_slice %arg14[%dma_wait3A_57, %dma_wait3A_58] : memref<160x80xf32, #tpu.memory_space<vmem>> -> memref<160x80xf32, #tpu.memory_space<vmem>>
      tpu.wait_dma2 semaphore(%run_scoped3A : memref<!tpu.dma_semaphore, #tpu.memory_space<semaphore_mem>>) src(%dma_wait3A_59 : memref<160x80xf32, #tpu.memory_space<vmem>>) dst(%dma_wait3A_56 : memref<160x80xf32, #tpu.memory_space<vmem_shared>>)
      tpu.yield
    }) : () -> ()
    %add3A_10 = arith.constant 160 : i32
    %add3A_11 = arith.addi %mul3A_8, %add3A_10 : i32
    "tpu.region"() ({
      %run_scoped3A = tpu.sem_alloc : memref<!tpu.dma_semaphore, #tpu.memory_space<semaphore_mem>>
      %dma_start3A = arith.constant 0 : i32
      %dma_start3A_42 = arith.constant 0 : i32
      %dma_start3A_43 = tpu.memref_slice %arg14[%dma_start3A, %dma_start3A_42] : memref<160x80xf32, #tpu.memory_space<vmem>> -> memref<160x80xf32, #tpu.memory_space<vmem>>
      %dma_start3A_44 = arith.constant 0 : i32
      %dma_start3A_45 = tpu.memref_slice %arg15[%add3A_11, %dma_start3A_44] : memref<10240x80xf32, #tpu.memory_space<vmem_shared>> -> memref<160x80xf32, #tpu.memory_space<vmem_shared>>
      %dma_start3A_46 = arith.constant 0 : i32
      %dma_start3A_47 = tpu.memref_slice %arg15[%add3A_11, %dma_start3A_46] : memref<10240x80xf32, #tpu.memory_space<vmem_shared>> -> memref<160x80xf32, #tpu.memory_space<vmem_shared>>
      %dma_start3A_48 = arith.constant 0 : i32
      %dma_start3A_49 = arith.constant 0 : i32
      %dma_start3A_50 = tpu.memref_slice %arg14[%dma_start3A_48, %dma_start3A_49] : memref<160x80xf32, #tpu.memory_space<vmem>> -> memref<160x80xf32, #tpu.memory_space<vmem>>
      tpu.enqueue_dma source(%dma_start3A_50 : memref<160x80xf32, #tpu.memory_space<vmem>>) target(%dma_start3A_47 : memref<160x80xf32, #tpu.memory_space<vmem_shared>>) target_semaphore(%run_scoped3A : memref<!tpu.dma_semaphore, #tpu.memory_space<semaphore_mem>>)
      %dma_wait3A = arith.constant 0 : i32
      %dma_wait3A_51 = arith.constant 0 : i32
      %dma_wait3A_52 = tpu.memref_slice %arg14[%dma_wait3A, %dma_wait3A_51] : memref<160x80xf32, #tpu.memory_space<vmem>> -> memref<160x80xf32, #tpu.memory_space<vmem>>
      %dma_wait3A_53 = arith.constant 0 : i32
      %dma_wait3A_54 = tpu.memref_slice %arg15[%add3A_11, %dma_wait3A_53] : memref<10240x80xf32, #tpu.memory_space<vmem_shared>> -> memref<160x80xf32, #tpu.memory_space<vmem_shared>>
      %dma_wait3A_55 = arith.constant 0 : i32
      %dma_wait3A_56 = tpu.memref_slice %arg15[%add3A_11, %dma_wait3A_55] : memref<10240x80xf32, #tpu.memory_space<vmem_shared>> -> memref<160x80xf32, #tpu.memory_space<vmem_shared>>
      %dma_wait3A_57 = arith.constant 0 : i32
      %dma_wait3A_58 = arith.constant 0 : i32
      %dma_wait3A_59 = tpu.memref_slice %arg14[%dma_wait3A_57, %dma_wait3A_58] : memref<160x80xf32, #tpu.memory_space<vmem>> -> memref<160x80xf32, #tpu.memory_space<vmem>>
      tpu.wait_dma2 semaphore(%run_scoped3A : memref<!tpu.dma_semaphore, #tpu.memory_space<semaphore_mem>>) src(%dma_wait3A_59 : memref<160x80xf32, #tpu.memory_space<vmem>>) dst(%dma_wait3A_56 : memref<160x80xf32, #tpu.memory_space<vmem_shared>>)
      tpu.yield
    }) : () -> ()
    %add3A_12 = arith.constant 320 : i32
    %add3A_13 = arith.addi %mul3A_8, %add3A_12 : i32
    "tpu.region"() ({
      %run_scoped3A = tpu.sem_alloc : memref<!tpu.dma_semaphore, #tpu.memory_space<semaphore_mem>>
      %dma_start3A = arith.constant 0 : i32
      %dma_start3A_42 = arith.constant 0 : i32
      %dma_start3A_43 = tpu.memref_slice %arg14[%dma_start3A, %dma_start3A_42] : memref<160x80xf32, #tpu.memory_space<vmem>> -> memref<160x80xf32, #tpu.memory_space<vmem>>
      %dma_start3A_44 = arith.constant 0 : i32
      %dma_start3A_45 = tpu.memref_slice %arg15[%add3A_13, %dma_start3A_44] : memref<10240x80xf32, #tpu.memory_space<vmem_shared>> -> memref<160x80xf32, #tpu.memory_space<vmem_shared>>
      %dma_start3A_46 = arith.constant 0 : i32
      %dma_start3A_47 = tpu.memref_slice %arg15[%add3A_13, %dma_start3A_46] : memref<10240x80xf32, #tpu.memory_space<vmem_shared>> -> memref<160x80xf32, #tpu.memory_space<vmem_shared>>
      %dma_start3A_48 = arith.constant 0 : i32
      %dma_start3A_49 = arith.constant 0 : i32
      %dma_start3A_50 = tpu.memref_slice %arg14[%dma_start3A_48, %dma_start3A_49] : memref<160x80xf32, #tpu.memory_space<vmem>> -> memref<160x80xf32, #tpu.memory_space<vmem>>
      tpu.enqueue_dma source(%dma_start3A_50 : memref<160x80xf32, #tpu.memory_space<vmem>>) target(%dma_start3A_47 : memref<160x80xf32, #tpu.memory_space<vmem_shared>>) target_semaphore(%run_scoped3A : memref<!tpu.dma_semaphore, #tpu.memory_space<semaphore_mem>>)
      %dma_wait3A = arith.constant 0 : i32
      %dma_wait3A_51 = arith.constant 0 : i32
      %dma_wait3A_52 = tpu.memref_slice %arg14[%dma_wait3A, %dma_wait3A_51] : memref<160x80xf32, #tpu.memory_space<vmem>> -> memref<160x80xf32, #tpu.memory_space<vmem>>
      %dma_wait3A_53 = arith.constant 0 : i32
      %dma_wait3A_54 = tpu.memref_slice %arg15[%add3A_13, %dma_wait3A_53] : memref<10240x80xf32, #tpu.memory_space<vmem_shared>> -> memref<160x80xf32, #tpu.memory_space<vmem_shared>>
      %dma_wait3A_55 = arith.constant 0 : i32
      %dma_wait3A_56 = tpu.memref_slice %arg15[%add3A_13, %dma_wait3A_55] : memref<10240x80xf32, #tpu.memory_space<vmem_shared>> -> memref<160x80xf32, #tpu.memory_space<vmem_shared>>
      %dma_wait3A_57 = arith.constant 0 : i32
      %dma_wait3A_58 = arith.constant 0 : i32
      %dma_wait3A_59 = tpu.memref_slice %arg14[%dma_wait3A_57, %dma_wait3A_58] : memref<160x80xf32, #tpu.memory_space<vmem>> -> memref<160x80xf32, #tpu.memory_space<vmem>>
      tpu.wait_dma2 semaphore(%run_scoped3A : memref<!tpu.dma_semaphore, #tpu.memory_space<semaphore_mem>>) src(%dma_wait3A_59 : memref<160x80xf32, #tpu.memory_space<vmem>>) dst(%dma_wait3A_56 : memref<160x80xf32, #tpu.memory_space<vmem_shared>>)
      tpu.yield
    }) : () -> ()
    %add3A_14 = arith.constant 480 : i32
    %add3A_15 = arith.addi %mul3A_8, %add3A_14 : i32
    "tpu.region"() ({
      %run_scoped3A = tpu.sem_alloc : memref<!tpu.dma_semaphore, #tpu.memory_space<semaphore_mem>>
      %dma_start3A = arith.constant 0 : i32
      %dma_start3A_42 = arith.constant 0 : i32
      %dma_start3A_43 = tpu.memref_slice %arg14[%dma_start3A, %dma_start3A_42] : memref<160x80xf32, #tpu.memory_space<vmem>> -> memref<160x80xf32, #tpu.memory_space<vmem>>
      %dma_start3A_44 = arith.constant 0 : i32
      %dma_start3A_45 = tpu.memref_slice %arg15[%add3A_15, %dma_start3A_44] : memref<10240x80xf32, #tpu.memory_space<vmem_shared>> -> memref<160x80xf32, #tpu.memory_space<vmem_shared>>
      %dma_start3A_46 = arith.constant 0 : i32
      %dma_start3A_47 = tpu.memref_slice %arg15[%add3A_15, %dma_start3A_46] : memref<10240x80xf32, #tpu.memory_space<vmem_shared>> -> memref<160x80xf32, #tpu.memory_space<vmem_shared>>
      %dma_start3A_48 = arith.constant 0 : i32
      %dma_start3A_49 = arith.constant 0 : i32
      %dma_start3A_50 = tpu.memref_slice %arg14[%dma_start3A_48, %dma_start3A_49] : memref<160x80xf32, #tpu.memory_space<vmem>> -> memref<160x80xf32, #tpu.memory_space<vmem>>
      tpu.enqueue_dma source(%dma_start3A_50 : memref<160x80xf32, #tpu.memory_space<vmem>>) target(%dma_start3A_47 : memref<160x80xf32, #tpu.memory_space<vmem_shared>>) target_semaphore(%run_scoped3A : memref<!tpu.dma_semaphore, #tpu.memory_space<semaphore_mem>>)
      %dma_wait3A = arith.constant 0 : i32
      %dma_wait3A_51 = arith.constant 0 : i32
      %dma_wait3A_52 = tpu.memref_slice %arg14[%dma_wait3A, %dma_wait3A_51] : memref<160x80xf32, #tpu.memory_space<vmem>> -> memref<160x80xf32, #tpu.memory_space<vmem>>
      %dma_wait3A_53 = arith.constant 0 : i32
      %dma_wait3A_54 = tpu.memref_slice %arg15[%add3A_15, %dma_wait3A_53] : memref<10240x80xf32, #tpu.memory_space<vmem_shared>> -> memref<160x80xf32, #tpu.memory_space<vmem_shared>>
      %dma_wait3A_55 = arith.constant 0 : i32
      %dma_wait3A_56 = tpu.memref_slice %arg15[%add3A_15, %dma_wait3A_55] : memref<10240x80xf32, #tpu.memory_space<vmem_shared>> -> memref<160x80xf32, #tpu.memory_space<vmem_shared>>
      %dma_wait3A_57 = arith.constant 0 : i32
      %dma_wait3A_58 = arith.constant 0 : i32
      %dma_wait3A_59 = tpu.memref_slice %arg14[%dma_wait3A_57, %dma_wait3A_58] : memref<160x80xf32, #tpu.memory_space<vmem>> -> memref<160x80xf32, #tpu.memory_space<vmem>>
      tpu.wait_dma2 semaphore(%run_scoped3A : memref<!tpu.dma_semaphore, #tpu.memory_space<semaphore_mem>>) src(%dma_wait3A_59 : memref<160x80xf32, #tpu.memory_space<vmem>>) dst(%dma_wait3A_56 : memref<160x80xf32, #tpu.memory_space<vmem_shared>>)
      tpu.yield
    }) : () -> ()
    %barrier3A = arith.constant 0 : index
    tpu.barrier barrier_id(%barrier3A)
    %scan3A_16 = arith.constant 0 : i32
    %scan3A_17 = arith.constant 0 : i32
    %scan3A_18 = arith.constant 125 : i32
    %scan3A_19 = arith.addi %scan3A_17, %scan3A_18 : i32
    %scan3A_20 = arith.constant 1 : i32
    scf.for %scan3A_42 = %scan3A_17 to %scan3A_19 step %scan3A_20  : i32 {
      %mul3A_43 = arith.constant 20000 : i32
      %mul3A_44 = arith.muli %arg1, %mul3A_43 : i32
      %mul3A_45 = arith.constant 160 : i32
      %mul3A_46 = arith.muli %scan3A_42, %mul3A_45 : i32
      %add3A_47 = arith.addi %mul3A_44, %mul3A_46 : i32
      %jit3A = arith.constant 80 : i32
      %div3A = arith.divsi %add3A_47, %jit3A : i32
      %sign3A = arith.constant 0 : i32
      %sign3A_48 = arith.cmpi sgt, %add3A_47, %sign3A : i32
      %sign3A_49 = arith.extui %sign3A_48 : i1 to i32
      %sign3A_50 = arith.constant 0 : i32
      %sign3A_51 = arith.cmpi slt, %add3A_47, %sign3A_50 : i32
      %sign3A_52 = arith.extui %sign3A_51 : i1 to i32
      %sign3A_53 = arith.subi %sign3A_49, %sign3A_52 : i32
      %sign3A_54 = arith.constant 0 : i32
      %sign3A_55 = arith.cmpi sgt, %jit3A, %sign3A_54 : i32
      %sign3A_56 = arith.extui %sign3A_55 : i1 to i32
      %sign3A_57 = arith.constant 0 : i32
      %sign3A_58 = arith.cmpi slt, %jit3A, %sign3A_57 : i32
      %sign3A_59 = arith.extui %sign3A_58 : i1 to i32
      %sign3A_60 = arith.subi %sign3A_56, %sign3A_59 : i32
      %ne3A = arith.cmpi ne, %sign3A_53, %sign3A_60 : i32
      %rem3A = arith.remsi %add3A_47, %jit3A : i32
      %ne3A_61 = arith.constant 0 : i32
      %ne3A_62 = arith.cmpi ne, %rem3A, %ne3A_61 : i32
      %and3A = arith.andi %ne3A, %ne3A_62 : i1
      %sub3A = arith.constant 1 : i32
      %sub3A_63 = arith.subi %div3A, %sub3A : i32
      %select_n3A = arith.select %and3A, %sub3A_63, %div3A : i32
      %dma_start3A = arith.constant 0 : i32
      %dma_start3A_64 = tpu.memref_slice %arg5[%select_n3A, %dma_start3A] : memref<4000x80xi32, #tpu.memory_space<hbm>> -> memref<2x80xi32, #tpu.memory_space<hbm>>
      %dma_start3A_65 = arith.constant 0 : i32
      %dma_start3A_66 = tpu.memref_slice %arg5[%select_n3A, %dma_start3A_65] : memref<4000x80xi32, #tpu.memory_space<hbm>> -> memref<2x80xi32, #tpu.memory_space<hbm>>
      tpu.enqueue_dma source(%dma_start3A_66 : memref<2x80xi32, #tpu.memory_space<hbm>>) target(%arg8 : memref<2x80xi32, #tpu.memory_space<vmem>>) target_semaphore(%arg16 : memref<!tpu.dma_semaphore, #tpu.memory_space<semaphore_mem>>)
      %dma_start3A_67 = arith.constant 0 : i32
      %dma_start3A_68 = tpu.memref_slice %arg6[%select_n3A, %dma_start3A_67] : memref<4000x80xi32, #tpu.memory_space<hbm>> -> memref<2x80xi32, #tpu.memory_space<hbm>>
      %dma_start3A_69 = arith.constant 0 : i32
      %dma_start3A_70 = tpu.memref_slice %arg6[%select_n3A, %dma_start3A_69] : memref<4000x80xi32, #tpu.memory_space<hbm>> -> memref<2x80xi32, #tpu.memory_space<hbm>>
      tpu.enqueue_dma source(%dma_start3A_70 : memref<2x80xi32, #tpu.memory_space<hbm>>) target(%arg10 : memref<2x80xi32, #tpu.memory_space<vmem>>) target_semaphore(%arg16 : memref<!tpu.dma_semaphore, #tpu.memory_space<semaphore_mem>>)
      %dma_start3A_71 = arith.constant 0 : i32
      %dma_start3A_72 = tpu.memref_slice %arg4[%add3A_47, %dma_start3A_71] : memref<320000x16xf32, #tpu.memory_space<hbm>> -> memref<160x16xf32, #tpu.memory_space<hbm>>
      %dma_start3A_73 = arith.constant 0 : i32
      %dma_start3A_74 = tpu.memref_slice %arg4[%add3A_47, %dma_start3A_73] : memref<320000x16xf32, #tpu.memory_space<hbm>> -> memref<160x16xf32, #tpu.memory_space<hbm>>
      tpu.enqueue_dma source(%dma_start3A_74 : memref<160x16xf32, #tpu.memory_space<hbm>>) target(%arg13 : memref<160x16xf32, #tpu.memory_space<vmem>>) target_semaphore(%arg16 : memref<!tpu.dma_semaphore, #tpu.memory_space<semaphore_mem>>)
      %dma_wait3A = arith.constant 0 : i32
      %dma_wait3A_75 = tpu.memref_slice %arg5[%select_n3A, %dma_wait3A] : memref<4000x80xi32, #tpu.memory_space<hbm>> -> memref<2x80xi32, #tpu.memory_space<hbm>>
      %dma_wait3A_76 = arith.constant 0 : i32
      %dma_wait3A_77 = tpu.memref_slice %arg5[%select_n3A, %dma_wait3A_76] : memref<4000x80xi32, #tpu.memory_space<hbm>> -> memref<2x80xi32, #tpu.memory_space<hbm>>
      tpu.wait_dma2 semaphore(%arg16 : memref<!tpu.dma_semaphore, #tpu.memory_space<semaphore_mem>>) src(%dma_wait3A_77 : memref<2x80xi32, #tpu.memory_space<hbm>>) dst(%arg8 : memref<2x80xi32, #tpu.memory_space<vmem>>)
      %dma_wait3A_78 = arith.constant 0 : i32
      %dma_wait3A_79 = tpu.memref_slice %arg6[%select_n3A, %dma_wait3A_78] : memref<4000x80xi32, #tpu.memory_space<hbm>> -> memref<2x80xi32, #tpu.memory_space<hbm>>
      %dma_wait3A_80 = arith.constant 0 : i32
      %dma_wait3A_81 = tpu.memref_slice %arg6[%select_n3A, %dma_wait3A_80] : memref<4000x80xi32, #tpu.memory_space<hbm>> -> memref<2x80xi32, #tpu.memory_space<hbm>>
      tpu.wait_dma2 semaphore(%arg16 : memref<!tpu.dma_semaphore, #tpu.memory_space<semaphore_mem>>) src(%dma_wait3A_81 : memref<2x80xi32, #tpu.memory_space<hbm>>) dst(%arg10 : memref<2x80xi32, #tpu.memory_space<vmem>>)
      %get3A = arith.constant 0 : i32
      %get3A_82 = arith.index_cast %get3A : i32 to index
      %get3A_83 = arith.constant 0 : index
      %get3A_84 = tpu.vector_load %arg8[%get3A_82, %get3A_83] {strides = array<i32>} : memref<2x80xi32, #tpu.memory_space<vmem>>, vector<1x16xi32>,
      %get3A_85 = vector.shape_cast %get3A_84 : vector<1x16xi32> to vector<16xi32>
      %add3A_86 = vector.broadcast %mul3A_1 : i32 to vector<16xi32>
      %add3A_87 = arith.addi %get3A_85, %add3A_86 : vector<16xi32>
      %swap3A = arith.constant 0 : i32
      %swap3A_88 = arith.index_cast %swap3A : i32 to index
      %swap3A_89 = arith.constant 0 : index
      %swap3A_90 = tpu.vector_load %arg8[%swap3A_88, %swap3A_89] {strides = array<i32>} : memref<2x80xi32, #tpu.memory_space<vmem>>, vector<1x16xi32>,
      %swap3A_91 = vector.shape_cast %swap3A_90 : vector<1x16xi32> to vector<16xi32>
      %swap3A_92 = vector.shape_cast %add3A_87 : vector<16xi32> to vector<1x16xi32>
      tpu.vector_store %arg8[%swap3A_88, %swap3A_89], %swap3A_92 {strides = array<i32>} : memref<2x80xi32, #tpu.memory_space<vmem>>, vector<1x16xi32>,
      %get3A_93 = arith.constant 0 : i32
      %get3A_94 = arith.index_cast %get3A_93 : i32 to index
      %get3A_95 = arith.constant 0 : index
      %get3A_96 = tpu.vector_load %arg10[%get3A_94, %get3A_95] {strides = array<i32>} : memref<2x80xi32, #tpu.memory_space<vmem>>, vector<1x16xi32>,
      %get3A_97 = vector.shape_cast %get3A_96 : vector<1x16xi32> to vector<16xi32>
      %add3A_98 = vector.broadcast %mul3A_1 : i32 to vector<16xi32>
      %add3A_99 = arith.addi %get3A_97, %add3A_98 : vector<16xi32>
      %swap3A_100 = arith.constant 0 : i32
      %swap3A_101 = arith.index_cast %swap3A_100 : i32 to index
      %swap3A_102 = arith.constant 0 : index
      %swap3A_103 = tpu.vector_load %arg9[%swap3A_101, %swap3A_102] {strides = array<i32>} : memref<2x80xi32, #tpu.memory_space<vmem>>, vector<1x16xi32>,
      %swap3A_104 = vector.shape_cast %swap3A_103 : vector<1x16xi32> to vector<16xi32>
      %swap3A_105 = vector.shape_cast %add3A_99 : vector<16xi32> to vector<1x16xi32>
      tpu.vector_store %arg9[%swap3A_101, %swap3A_102], %swap3A_105 {strides = array<i32>} : memref<2x80xi32, #tpu.memory_space<vmem>>, vector<1x16xi32>,
      %get3A_106 = arith.constant 0 : i32
      %get3A_107 = arith.index_cast %get3A_106 : i32 to index
      %get3A_108 = arith.constant 16 : index
      %get3A_109 = tpu.vector_load %arg8[%get3A_107, %get3A_108] {strides = array<i32>} : memref<2x80xi32, #tpu.memory_space<vmem>>, vector<1x16xi32>,
      %get3A_110 = vector.shape_cast %get3A_109 : vector<1x16xi32> to vector<16xi32>
      %add3A_111 = vector.broadcast %mul3A_1 : i32 to vector<16xi32>
      %add3A_112 = arith.addi %get3A_110, %add3A_111 : vector<16xi32>
      %swap3A_113 = arith.constant 0 : i32
      %swap3A_114 = arith.index_cast %swap3A_113 : i32 to index
      %swap3A_115 = arith.constant 16 : index
      %swap3A_116 = tpu.vector_load %arg8[%swap3A_114, %swap3A_115] {strides = array<i32>} : memref<2x80xi32, #tpu.memory_space<vmem>>, vector<1x16xi32>,
      %swap3A_117 = vector.shape_cast %swap3A_116 : vector<1x16xi32> to vector<16xi32>
      %swap3A_118 = vector.shape_cast %add3A_112 : vector<16xi32> to vector<1x16xi32>
      tpu.vector_store %arg8[%swap3A_114, %swap3A_115], %swap3A_118 {strides = array<i32>} : memref<2x80xi32, #tpu.memory_space<vmem>>, vector<1x16xi32>,
      %get3A_119 = arith.constant 0 : i32
      %get3A_120 = arith.index_cast %get3A_119 : i32 to index
      %get3A_121 = arith.constant 16 : index
      %get3A_122 = tpu.vector_load %arg10[%get3A_120, %get3A_121] {strides = array<i32>} : memref<2x80xi32, #tpu.memory_space<vmem>>, vector<1x16xi32>,
      %get3A_123 = vector.shape_cast %get3A_122 : vector<1x16xi32> to vector<16xi32>
      %add3A_124 = vector.broadcast %mul3A_1 : i32 to vector<16xi32>
      %add3A_125 = arith.addi %get3A_123, %add3A_124 : vector<16xi32>
      %swap3A_126 = arith.constant 0 : i32
      %swap3A_127 = arith.index_cast %swap3A_126 : i32 to index
      %swap3A_128 = arith.constant 16 : index
      %swap3A_129 = tpu.vector_load %arg9[%swap3A_127, %swap3A_128] {strides = array<i32>} : memref<2x80xi32, #tpu.memory_space<vmem>>, vector<1x16xi32>,
      %swap3A_130 = vector.shape_cast %swap3A_129 : vector<1x16xi32> to vector<16xi32>
      %swap3A_131 = vector.shape_cast %add3A_125 : vector<16xi32> to vector<1x16xi32>
      tpu.vector_store %arg9[%swap3A_127, %swap3A_128], %swap3A_131 {strides = array<i32>} : memref<2x80xi32, #tpu.memory_space<vmem>>, vector<1x16xi32>,
      %get3A_132 = arith.constant 0 : i32
      %get3A_133 = arith.index_cast %get3A_132 : i32 to index
      %get3A_134 = arith.constant 32 : index
      %get3A_135 = tpu.vector_load %arg8[%get3A_133, %get3A_134] {strides = array<i32>} : memref<2x80xi32, #tpu.memory_space<vmem>>, vector<1x16xi32>,
      %get3A_136 = vector.shape_cast %get3A_135 : vector<1x16xi32> to vector<16xi32>
      %add3A_137 = vector.broadcast %mul3A_1 : i32 to vector<16xi32>
      %add3A_138 = arith.addi %get3A_136, %add3A_137 : vector<16xi32>
      %swap3A_139 = arith.constant 0 : i32
      %swap3A_140 = arith.index_cast %swap3A_139 : i32 to index
      %swap3A_141 = arith.constant 32 : index
      %swap3A_142 = tpu.vector_load %arg8[%swap3A_140, %swap3A_141] {strides = array<i32>} : memref<2x80xi32, #tpu.memory_space<vmem>>, vector<1x16xi32>,
      %swap3A_143 = vector.shape_cast %swap3A_142 : vector<1x16xi32> to vector<16xi32>
      %swap3A_144 = vector.shape_cast %add3A_138 : vector<16xi32> to vector<1x16xi32>
      tpu.vector_store %arg8[%swap3A_140, %swap3A_141], %swap3A_144 {strides = array<i32>} : memref<2x80xi32, #tpu.memory_space<vmem>>, vector<1x16xi32>,
      %get3A_145 = arith.constant 0 : i32
      %get3A_146 = arith.index_cast %get3A_145 : i32 to index
      %get3A_147 = arith.constant 32 : index
      %get3A_148 = tpu.vector_load %arg10[%get3A_146, %get3A_147] {strides = array<i32>} : memref<2x80xi32, #tpu.memory_space<vmem>>, vector<1x16xi32>,
      %get3A_149 = vector.shape_cast %get3A_148 : vector<1x16xi32> to vector<16xi32>
      %add3A_150 = vector.broadcast %mul3A_1 : i32 to vector<16xi32>
      %add3A_151 = arith.addi %get3A_149, %add3A_150 : vector<16xi32>
      %swap3A_152 = arith.constant 0 : i32
      %swap3A_153 = arith.index_cast %swap3A_152 : i32 to index
      %swap3A_154 = arith.constant 32 : index
      %swap3A_155 = tpu.vector_load %arg9[%swap3A_153, %swap3A_154] {strides = array<i32>} : memref<2x80xi32, #tpu.memory_space<vmem>>, vector<1x16xi32>,
      %swap3A_156 = vector.shape_cast %swap3A_155 : vector<1x16xi32> to vector<16xi32>
      %swap3A_157 = vector.shape_cast %add3A_151 : vector<16xi32> to vector<1x16xi32>
      tpu.vector_store %arg9[%swap3A_153, %swap3A_154], %swap3A_157 {strides = array<i32>} : memref<2x80xi32, #tpu.memory_space<vmem>>, vector<1x16xi32>,
      %get3A_158 = arith.constant 0 : i32
      %get3A_159 = arith.index_cast %get3A_158 : i32 to index
      %get3A_160 = arith.constant 48 : index
      %get3A_161 = tpu.vector_load %arg8[%get3A_159, %get3A_160] {strides = array<i32>} : memref<2x80xi32, #tpu.memory_space<vmem>>, vector<1x16xi32>,
      %get3A_162 = vector.shape_cast %get3A_161 : vector<1x16xi32> to vector<16xi32>
      %add3A_163 = vector.broadcast %mul3A_1 : i32 to vector<16xi32>
      %add3A_164 = arith.addi %get3A_162, %add3A_163 : vector<16xi32>
      %swap3A_165 = arith.constant 0 : i32
      %swap3A_166 = arith.index_cast %swap3A_165 : i32 to index
      %swap3A_167 = arith.constant 48 : index
      %swap3A_168 = tpu.vector_load %arg8[%swap3A_166, %swap3A_167] {strides = array<i32>} : memref<2x80xi32, #tpu.memory_space<vmem>>, vector<1x16xi32>,
      %swap3A_169 = vector.shape_cast %swap3A_168 : vector<1x16xi32> to vector<16xi32>
      %swap3A_170 = vector.shape_cast %add3A_164 : vector<16xi32> to vector<1x16xi32>
      tpu.vector_store %arg8[%swap3A_166, %swap3A_167], %swap3A_170 {strides = array<i32>} : memref<2x80xi32, #tpu.memory_space<vmem>>, vector<1x16xi32>,
      %get3A_171 = arith.constant 0 : i32
      %get3A_172 = arith.index_cast %get3A_171 : i32 to index
      %get3A_173 = arith.constant 48 : index
      %get3A_174 = tpu.vector_load %arg10[%get3A_172, %get3A_173] {strides = array<i32>} : memref<2x80xi32, #tpu.memory_space<vmem>>, vector<1x16xi32>,
      %get3A_175 = vector.shape_cast %get3A_174 : vector<1x16xi32> to vector<16xi32>
      %add3A_176 = vector.broadcast %mul3A_1 : i32 to vector<16xi32>
      %add3A_177 = arith.addi %get3A_175, %add3A_176 : vector<16xi32>
      %swap3A_178 = arith.constant 0 : i32
      %swap3A_179 = arith.index_cast %swap3A_178 : i32 to index
      %swap3A_180 = arith.constant 48 : index
      %swap3A_181 = tpu.vector_load %arg9[%swap3A_179, %swap3A_180] {strides = array<i32>} : memref<2x80xi32, #tpu.memory_space<vmem>>, vector<1x16xi32>,
      %swap3A_182 = vector.shape_cast %swap3A_181 : vector<1x16xi32> to vector<16xi32>
      %swap3A_183 = vector.shape_cast %add3A_177 : vector<16xi32> to vector<1x16xi32>
      tpu.vector_store %arg9[%swap3A_179, %swap3A_180], %swap3A_183 {strides = array<i32>} : memref<2x80xi32, #tpu.memory_space<vmem>>, vector<1x16xi32>,
      %get3A_184 = arith.constant 0 : i32
      %get3A_185 = arith.index_cast %get3A_184 : i32 to index
      %get3A_186 = arith.constant 64 : index
      %get3A_187 = tpu.vector_load %arg8[%get3A_185, %get3A_186] {strides = array<i32>} : memref<2x80xi32, #tpu.memory_space<vmem>>, vector<1x16xi32>,
      %get3A_188 = vector.shape_cast %get3A_187 : vector<1x16xi32> to vector<16xi32>
      %add3A_189 = vector.broadcast %mul3A_1 : i32 to vector<16xi32>
      %add3A_190 = arith.addi %get3A_188, %add3A_189 : vector<16xi32>
      %swap3A_191 = arith.constant 0 : i32
      %swap3A_192 = arith.index_cast %swap3A_191 : i32 to index
      %swap3A_193 = arith.constant 64 : index
      %swap3A_194 = tpu.vector_load %arg8[%swap3A_192, %swap3A_193] {strides = array<i32>} : memref<2x80xi32, #tpu.memory_space<vmem>>, vector<1x16xi32>,
      %swap3A_195 = vector.shape_cast %swap3A_194 : vector<1x16xi32> to vector<16xi32>
      %swap3A_196 = vector.shape_cast %add3A_190 : vector<16xi32> to vector<1x16xi32>
      tpu.vector_store %arg8[%swap3A_192, %swap3A_193], %swap3A_196 {strides = array<i32>} : memref<2x80xi32, #tpu.memory_space<vmem>>, vector<1x16xi32>,
      %get3A_197 = arith.constant 0 : i32
      %get3A_198 = arith.index_cast %get3A_197 : i32 to index
      %get3A_199 = arith.constant 64 : index
      %get3A_200 = tpu.vector_load %arg10[%get3A_198, %get3A_199] {strides = array<i32>} : memref<2x80xi32, #tpu.memory_space<vmem>>, vector<1x16xi32>,
      %get3A_201 = vector.shape_cast %get3A_200 : vector<1x16xi32> to vector<16xi32>
      %add3A_202 = vector.broadcast %mul3A_1 : i32 to vector<16xi32>
      %add3A_203 = arith.addi %get3A_201, %add3A_202 : vector<16xi32>
      %swap3A_204 = arith.constant 0 : i32
      %swap3A_205 = arith.index_cast %swap3A_204 : i32 to index
      %swap3A_206 = arith.constant 64 : index
      %swap3A_207 = tpu.vector_load %arg9[%swap3A_205, %swap3A_206] {strides = array<i32>} : memref<2x80xi32, #tpu.memory_space<vmem>>, vector<1x16xi32>,
      %swap3A_208 = vector.shape_cast %swap3A_207 : vector<1x16xi32> to vector<16xi32>
      %swap3A_209 = vector.shape_cast %add3A_203 : vector<16xi32> to vector<1x16xi32>
      tpu.vector_store %arg9[%swap3A_205, %swap3A_206], %swap3A_209 {strides = array<i32>} : memref<2x80xi32, #tpu.memory_space<vmem>>, vector<1x16xi32>,
      %get3A_210 = arith.constant 1 : i32
      %get3A_211 = arith.index_cast %get3A_210 : i32 to index
      %get3A_212 = arith.constant 0 : index
      %get3A_213 = tpu.vector_load %arg8[%get3A_211, %get3A_212] {strides = array<i32>} : memref<2x80xi32, #tpu.memory_space<vmem>>, vector<1x16xi32>,
      %get3A_214 = vector.shape_cast %get3A_213 : vector<1x16xi32> to vector<16xi32>
      %add3A_215 = vector.broadcast %mul3A_1 : i32 to vector<16xi32>
      %add3A_216 = arith.addi %get3A_214, %add3A_215 : vector<16xi32>
      %swap3A_217 = arith.constant 1 : i32
      %swap3A_218 = arith.index_cast %swap3A_217 : i32 to index
      %swap3A_219 = arith.constant 0 : index
      %swap3A_220 = tpu.vector_load %arg8[%swap3A_218, %swap3A_219] {strides = array<i32>} : memref<2x80xi32, #tpu.memory_space<vmem>>, vector<1x16xi32>,
      %swap3A_221 = vector.shape_cast %swap3A_220 : vector<1x16xi32> to vector<16xi32>
      %swap3A_222 = vector.shape_cast %add3A_216 : vector<16xi32> to vector<1x16xi32>
      tpu.vector_store %arg8[%swap3A_218, %swap3A_219], %swap3A_222 {strides = array<i32>} : memref<2x80xi32, #tpu.memory_space<vmem>>, vector<1x16xi32>,
      %get3A_223 = arith.constant 1 : i32
      %get3A_224 = arith.index_cast %get3A_223 : i32 to index
      %get3A_225 = arith.constant 0 : index
      %get3A_226 = tpu.vector_load %arg10[%get3A_224, %get3A_225] {strides = array<i32>} : memref<2x80xi32, #tpu.memory_space<vmem>>, vector<1x16xi32>,
      %get3A_227 = vector.shape_cast %get3A_226 : vector<1x16xi32> to vector<16xi32>
      %add3A_228 = vector.broadcast %mul3A_1 : i32 to vector<16xi32>
      %add3A_229 = arith.addi %get3A_227, %add3A_228 : vector<16xi32>
      %swap3A_230 = arith.constant 1 : i32
      %swap3A_231 = arith.index_cast %swap3A_230 : i32 to index
      %swap3A_232 = arith.constant 0 : index
      %swap3A_233 = tpu.vector_load %arg9[%swap3A_231, %swap3A_232] {strides = array<i32>} : memref<2x80xi32, #tpu.memory_space<vmem>>, vector<1x16xi32>,
      %swap3A_234 = vector.shape_cast %swap3A_233 : vector<1x16xi32> to vector<16xi32>
      %swap3A_235 = vector.shape_cast %add3A_229 : vector<16xi32> to vector<1x16xi32>
      tpu.vector_store %arg9[%swap3A_231, %swap3A_232], %swap3A_235 {strides = array<i32>} : memref<2x80xi32, #tpu.memory_space<vmem>>, vector<1x16xi32>,
      %get3A_236 = arith.constant 1 : i32
      %get3A_237 = arith.index_cast %get3A_236 : i32 to index
      %get3A_238 = arith.constant 16 : index
      %get3A_239 = tpu.vector_load %arg8[%get3A_237, %get3A_238] {strides = array<i32>} : memref<2x80xi32, #tpu.memory_space<vmem>>, vector<1x16xi32>,
      %get3A_240 = vector.shape_cast %get3A_239 : vector<1x16xi32> to vector<16xi32>
      %add3A_241 = vector.broadcast %mul3A_1 : i32 to vector<16xi32>
      %add3A_242 = arith.addi %get3A_240, %add3A_241 : vector<16xi32>
      %swap3A_243 = arith.constant 1 : i32
      %swap3A_244 = arith.index_cast %swap3A_243 : i32 to index
      %swap3A_245 = arith.constant 16 : index
      %swap3A_246 = tpu.vector_load %arg8[%swap3A_244, %swap3A_245] {strides = array<i32>} : memref<2x80xi32, #tpu.memory_space<vmem>>, vector<1x16xi32>,
      %swap3A_247 = vector.shape_cast %swap3A_246 : vector<1x16xi32> to vector<16xi32>
      %swap3A_248 = vector.shape_cast %add3A_242 : vector<16xi32> to vector<1x16xi32>
      tpu.vector_store %arg8[%swap3A_244, %swap3A_245], %swap3A_248 {strides = array<i32>} : memref<2x80xi32, #tpu.memory_space<vmem>>, vector<1x16xi32>,
      %get3A_249 = arith.constant 1 : i32
      %get3A_250 = arith.index_cast %get3A_249 : i32 to index
      %get3A_251 = arith.constant 16 : index
      %get3A_252 = tpu.vector_load %arg10[%get3A_250, %get3A_251] {strides = array<i32>} : memref<2x80xi32, #tpu.memory_space<vmem>>, vector<1x16xi32>,
      %get3A_253 = vector.shape_cast %get3A_252 : vector<1x16xi32> to vector<16xi32>
      %add3A_254 = vector.broadcast %mul3A_1 : i32 to vector<16xi32>
      %add3A_255 = arith.addi %get3A_253, %add3A_254 : vector<16xi32>
      %swap3A_256 = arith.constant 1 : i32
      %swap3A_257 = arith.index_cast %swap3A_256 : i32 to index
      %swap3A_258 = arith.constant 16 : index
      %swap3A_259 = tpu.vector_load %arg9[%swap3A_257, %swap3A_258] {strides = array<i32>} : memref<2x80xi32, #tpu.memory_space<vmem>>, vector<1x16xi32>,
      %swap3A_260 = vector.shape_cast %swap3A_259 : vector<1x16xi32> to vector<16xi32>
      %swap3A_261 = vector.shape_cast %add3A_255 : vector<16xi32> to vector<1x16xi32>
      tpu.vector_store %arg9[%swap3A_257, %swap3A_258], %swap3A_261 {strides = array<i32>} : memref<2x80xi32, #tpu.memory_space<vmem>>, vector<1x16xi32>,
      %get3A_262 = arith.constant 1 : i32
      %get3A_263 = arith.index_cast %get3A_262 : i32 to index
      %get3A_264 = arith.constant 32 : index
      %get3A_265 = tpu.vector_load %arg8[%get3A_263, %get3A_264] {strides = array<i32>} : memref<2x80xi32, #tpu.memory_space<vmem>>, vector<1x16xi32>,
      %get3A_266 = vector.shape_cast %get3A_265 : vector<1x16xi32> to vector<16xi32>
      %add3A_267 = vector.broadcast %mul3A_1 : i32 to vector<16xi32>
      %add3A_268 = arith.addi %get3A_266, %add3A_267 : vector<16xi32>
      %swap3A_269 = arith.constant 1 : i32
      %swap3A_270 = arith.index_cast %swap3A_269 : i32 to index
      %swap3A_271 = arith.constant 32 : index
      %swap3A_272 = tpu.vector_load %arg8[%swap3A_270, %swap3A_271] {strides = array<i32>} : memref<2x80xi32, #tpu.memory_space<vmem>>, vector<1x16xi32>,
      %swap3A_273 = vector.shape_cast %swap3A_272 : vector<1x16xi32> to vector<16xi32>
      %swap3A_274 = vector.shape_cast %add3A_268 : vector<16xi32> to vector<1x16xi32>
      tpu.vector_store %arg8[%swap3A_270, %swap3A_271], %swap3A_274 {strides = array<i32>} : memref<2x80xi32, #tpu.memory_space<vmem>>, vector<1x16xi32>,
      %get3A_275 = arith.constant 1 : i32
      %get3A_276 = arith.index_cast %get3A_275 : i32 to index
      %get3A_277 = arith.constant 32 : index
      %get3A_278 = tpu.vector_load %arg10[%get3A_276, %get3A_277] {strides = array<i32>} : memref<2x80xi32, #tpu.memory_space<vmem>>, vector<1x16xi32>,
      %get3A_279 = vector.shape_cast %get3A_278 : vector<1x16xi32> to vector<16xi32>
      %add3A_280 = vector.broadcast %mul3A_1 : i32 to vector<16xi32>
      %add3A_281 = arith.addi %get3A_279, %add3A_280 : vector<16xi32>
      %swap3A_282 = arith.constant 1 : i32
      %swap3A_283 = arith.index_cast %swap3A_282 : i32 to index
      %swap3A_284 = arith.constant 32 : index
      %swap3A_285 = tpu.vector_load %arg9[%swap3A_283, %swap3A_284] {strides = array<i32>} : memref<2x80xi32, #tpu.memory_space<vmem>>, vector<1x16xi32>,
      %swap3A_286 = vector.shape_cast %swap3A_285 : vector<1x16xi32> to vector<16xi32>
      %swap3A_287 = vector.shape_cast %add3A_281 : vector<16xi32> to vector<1x16xi32>
      tpu.vector_store %arg9[%swap3A_283, %swap3A_284], %swap3A_287 {strides = array<i32>} : memref<2x80xi32, #tpu.memory_space<vmem>>, vector<1x16xi32>,
      %get3A_288 = arith.constant 1 : i32
      %get3A_289 = arith.index_cast %get3A_288 : i32 to index
      %get3A_290 = arith.constant 48 : index
      %get3A_291 = tpu.vector_load %arg8[%get3A_289, %get3A_290] {strides = array<i32>} : memref<2x80xi32, #tpu.memory_space<vmem>>, vector<1x16xi32>,
      %get3A_292 = vector.shape_cast %get3A_291 : vector<1x16xi32> to vector<16xi32>
      %add3A_293 = vector.broadcast %mul3A_1 : i32 to vector<16xi32>
      %add3A_294 = arith.addi %get3A_292, %add3A_293 : vector<16xi32>
      %swap3A_295 = arith.constant 1 : i32
      %swap3A_296 = arith.index_cast %swap3A_295 : i32 to index
      %swap3A_297 = arith.constant 48 : index
      %swap3A_298 = tpu.vector_load %arg8[%swap3A_296, %swap3A_297] {strides = array<i32>} : memref<2x80xi32, #tpu.memory_space<vmem>>, vector<1x16xi32>,
      %swap3A_299 = vector.shape_cast %swap3A_298 : vector<1x16xi32> to vector<16xi32>
      %swap3A_300 = vector.shape_cast %add3A_294 : vector<16xi32> to vector<1x16xi32>
      tpu.vector_store %arg8[%swap3A_296, %swap3A_297], %swap3A_300 {strides = array<i32>} : memref<2x80xi32, #tpu.memory_space<vmem>>, vector<1x16xi32>,
      %get3A_301 = arith.constant 1 : i32
      %get3A_302 = arith.index_cast %get3A_301 : i32 to index
      %get3A_303 = arith.constant 48 : index
      %get3A_304 = tpu.vector_load %arg10[%get3A_302, %get3A_303] {strides = array<i32>} : memref<2x80xi32, #tpu.memory_space<vmem>>, vector<1x16xi32>,
      %get3A_305 = vector.shape_cast %get3A_304 : vector<1x16xi32> to vector<16xi32>
      %add3A_306 = vector.broadcast %mul3A_1 : i32 to vector<16xi32>
      %add3A_307 = arith.addi %get3A_305, %add3A_306 : vector<16xi32>
      %swap3A_308 = arith.constant 1 : i32
      %swap3A_309 = arith.index_cast %swap3A_308 : i32 to index
      %swap3A_310 = arith.constant 48 : index
      %swap3A_311 = tpu.vector_load %arg9[%swap3A_309, %swap3A_310] {strides = array<i32>} : memref<2x80xi32, #tpu.memory_space<vmem>>, vector<1x16xi32>,
      %swap3A_312 = vector.shape_cast %swap3A_311 : vector<1x16xi32> to vector<16xi32>
      %swap3A_313 = vector.shape_cast %add3A_307 : vector<16xi32> to vector<1x16xi32>
      tpu.vector_store %arg9[%swap3A_309, %swap3A_310], %swap3A_313 {strides = array<i32>} : memref<2x80xi32, #tpu.memory_space<vmem>>, vector<1x16xi32>,
      %get3A_314 = arith.constant 1 : i32
      %get3A_315 = arith.index_cast %get3A_314 : i32 to index
      %get3A_316 = arith.constant 64 : index
      %get3A_317 = tpu.vector_load %arg8[%get3A_315, %get3A_316] {strides = array<i32>} : memref<2x80xi32, #tpu.memory_space<vmem>>, vector<1x16xi32>,
      %get3A_318 = vector.shape_cast %get3A_317 : vector<1x16xi32> to vector<16xi32>
      %add3A_319 = vector.broadcast %mul3A_1 : i32 to vector<16xi32>
      %add3A_320 = arith.addi %get3A_318, %add3A_319 : vector<16xi32>
      %swap3A_321 = arith.constant 1 : i32
      %swap3A_322 = arith.index_cast %swap3A_321 : i32 to index
      %swap3A_323 = arith.constant 64 : index
      %swap3A_324 = tpu.vector_load %arg8[%swap3A_322, %swap3A_323] {strides = array<i32>} : memref<2x80xi32, #tpu.memory_space<vmem>>, vector<1x16xi32>,
      %swap3A_325 = vector.shape_cast %swap3A_324 : vector<1x16xi32> to vector<16xi32>
      %swap3A_326 = vector.shape_cast %add3A_320 : vector<16xi32> to vector<1x16xi32>
      tpu.vector_store %arg8[%swap3A_322, %swap3A_323], %swap3A_326 {strides = array<i32>} : memref<2x80xi32, #tpu.memory_space<vmem>>, vector<1x16xi32>,
      %get3A_327 = arith.constant 1 : i32
      %get3A_328 = arith.index_cast %get3A_327 : i32 to index
      %get3A_329 = arith.constant 64 : index
      %get3A_330 = tpu.vector_load %arg10[%get3A_328, %get3A_329] {strides = array<i32>} : memref<2x80xi32, #tpu.memory_space<vmem>>, vector<1x16xi32>,
      %get3A_331 = vector.shape_cast %get3A_330 : vector<1x16xi32> to vector<16xi32>
      %add3A_332 = vector.broadcast %mul3A_1 : i32 to vector<16xi32>
      %add3A_333 = arith.addi %get3A_331, %add3A_332 : vector<16xi32>
      %swap3A_334 = arith.constant 1 : i32
      %swap3A_335 = arith.index_cast %swap3A_334 : i32 to index
      %swap3A_336 = arith.constant 64 : index
      %swap3A_337 = tpu.vector_load %arg9[%swap3A_335, %swap3A_336] {strides = array<i32>} : memref<2x80xi32, #tpu.memory_space<vmem>>, vector<1x16xi32>,
      %swap3A_338 = vector.shape_cast %swap3A_337 : vector<1x16xi32> to vector<16xi32>
      %swap3A_339 = vector.shape_cast %add3A_333 : vector<16xi32> to vector<1x16xi32>
      tpu.vector_store %arg9[%swap3A_335, %swap3A_336], %swap3A_339 {strides = array<i32>} : memref<2x80xi32, #tpu.memory_space<vmem>>, vector<1x16xi32>,
      %dma_start3A_340 = arith.constant 0 : i32
      %dma_start3A_341 = arith.constant 0 : i32
      %dma_start3A_342 = arith.constant 0 : i32
      %dma_start3A_343 = tpu.memref_slice %arg11[%dma_start3A_341, %dma_start3A_342] : memref<160x80xf32, #tpu.memory_space<vmem>> -> memref<80x80xf32, #tpu.memory_space<vmem>>
      %dma_start3A_344 = arith.constant 0 : i32
      %dma_start3A_345 = tpu.memref_slice %arg9[%dma_start3A_340, %dma_start3A_344] : memref<2x80xi32, #tpu.memory_space<vmem>> -> memref<1x80xi32, #tpu.memory_space<vmem>>
      %dma_start3A_346 = tpu.memref_squeeze %dma_start3A_345 : memref<1x80xi32, #tpu.memory_space<vmem>> -> memref<80xi32, #tpu.memory_space<vmem>>
      %dma_start3A_347 = arith.constant 0 : i32
      %dma_start3A_348 = arith.constant 0 : i32
      %dma_start3A_349 = tpu.memref_slice %arg2[%dma_start3A_347, %dma_start3A_348] : memref<20000x80xf32, #tpu.memory_space<hbm>> -> memref<20000x80xf32, #tpu.memory_space<hbm>>
      tpu.enqueue_indirect_dma source(%dma_start3A_349 : memref<20000x80xf32, #tpu.memory_space<hbm>>) target(%dma_start3A_343 : memref<80x80xf32, #tpu.memory_space<vmem>>) offsets(%dma_start3A_346 : memref<80xi32, #tpu.memory_space<vmem>>) semaphore(%arg16 : memref<!tpu.dma_semaphore, #tpu.memory_space<semaphore_mem>>)
      %dma_start3A_350 = arith.constant 0 : i32
      %dma_start3A_351 = arith.constant 0 : i32
      %dma_start3A_352 = arith.constant 0 : i32
      %dma_start3A_353 = tpu.memref_slice %arg12[%dma_start3A_351, %dma_start3A_352] : memref<160x128xf32, #tpu.memory_space<vmem>> -> memref<80x128xf32, #tpu.memory_space<vmem>>
      %dma_start3A_354 = arith.constant 0 : i32
      %dma_start3A_355 = tpu.memref_slice %arg8[%dma_start3A_350, %dma_start3A_354] : memref<2x80xi32, #tpu.memory_space<vmem>> -> memref<1x80xi32, #tpu.memory_space<vmem>>
      %dma_start3A_356 = tpu.memref_squeeze %dma_start3A_355 : memref<1x80xi32, #tpu.memory_space<vmem>> -> memref<80xi32, #tpu.memory_space<vmem>>
      %dma_start3A_357 = arith.constant 0 : i32
      %dma_start3A_358 = arith.constant 0 : i32
      %dma_start3A_359 = tpu.memref_slice %arg3[%dma_start3A_357, %dma_start3A_358] : memref<20000x128xf32, #tpu.memory_space<hbm>> -> memref<20000x128xf32, #tpu.memory_space<hbm>>
      tpu.enqueue_indirect_dma source(%dma_start3A_359 : memref<20000x128xf32, #tpu.memory_space<hbm>>) target(%dma_start3A_353 : memref<80x128xf32, #tpu.memory_space<vmem>>) offsets(%dma_start3A_356 : memref<80xi32, #tpu.memory_space<vmem>>) semaphore(%arg16 : memref<!tpu.dma_semaphore, #tpu.memory_space<semaphore_mem>>)
      %dma_start3A_360 = arith.constant 1 : i32
      %dma_start3A_361 = arith.constant 80 : i32
      %dma_start3A_362 = arith.constant 0 : i32
      %dma_start3A_363 = tpu.memref_slice %arg11[%dma_start3A_361, %dma_start3A_362] : memref<160x80xf32, #tpu.memory_space<vmem>> -> memref<80x80xf32, #tpu.memory_space<vmem>>
      %dma_start3A_364 = arith.constant 0 : i32
      %dma_start3A_365 = tpu.memref_slice %arg9[%dma_start3A_360, %dma_start3A_364] : memref<2x80xi32, #tpu.memory_space<vmem>> -> memref<1x80xi32, #tpu.memory_space<vmem>>
      %dma_start3A_366 = tpu.memref_squeeze %dma_start3A_365 : memref<1x80xi32, #tpu.memory_space<vmem>> -> memref<80xi32, #tpu.memory_space<vmem>>
      %dma_start3A_367 = arith.constant 0 : i32
      %dma_start3A_368 = arith.constant 0 : i32
      %dma_start3A_369 = tpu.memref_slice %arg2[%dma_start3A_367, %dma_start3A_368] : memref<20000x80xf32, #tpu.memory_space<hbm>> -> memref<20000x80xf32, #tpu.memory_space<hbm>>
      tpu.enqueue_indirect_dma source(%dma_start3A_369 : memref<20000x80xf32, #tpu.memory_space<hbm>>) target(%dma_start3A_363 : memref<80x80xf32, #tpu.memory_space<vmem>>) offsets(%dma_start3A_366 : memref<80xi32, #tpu.memory_space<vmem>>) semaphore(%arg16 : memref<!tpu.dma_semaphore, #tpu.memory_space<semaphore_mem>>)
      %dma_start3A_370 = arith.constant 1 : i32
      %dma_start3A_371 = arith.constant 80 : i32
      %dma_start3A_372 = arith.constant 0 : i32
      %dma_start3A_373 = tpu.memref_slice %arg12[%dma_start3A_371, %dma_start3A_372] : memref<160x128xf32, #tpu.memory_space<vmem>> -> memref<80x128xf32, #tpu.memory_space<vmem>>
      %dma_start3A_374 = arith.constant 0 : i32
      %dma_start3A_375 = tpu.memref_slice %arg8[%dma_start3A_370, %dma_start3A_374] : memref<2x80xi32, #tpu.memory_space<vmem>> -> memref<1x80xi32, #tpu.memory_space<vmem>>
      %dma_start3A_376 = tpu.memref_squeeze %dma_start3A_375 : memref<1x80xi32, #tpu.memory_space<vmem>> -> memref<80xi32, #tpu.memory_space<vmem>>
      %dma_start3A_377 = arith.constant 0 : i32
      %dma_start3A_378 = arith.constant 0 : i32
      %dma_start3A_379 = tpu.memref_slice %arg3[%dma_start3A_377, %dma_start3A_378] : memref<20000x128xf32, #tpu.memory_space<hbm>> -> memref<20000x128xf32, #tpu.memory_space<hbm>>
      tpu.enqueue_indirect_dma source(%dma_start3A_379 : memref<20000x128xf32, #tpu.memory_space<hbm>>) target(%dma_start3A_373 : memref<80x128xf32, #tpu.memory_space<vmem>>) offsets(%dma_start3A_376 : memref<80xi32, #tpu.memory_space<vmem>>) semaphore(%arg16 : memref<!tpu.dma_semaphore, #tpu.memory_space<semaphore_mem>>)
      %dma_wait3A_380 = arith.constant 0 : i32
      %dma_wait3A_381 = tpu.memref_slice %arg4[%add3A_47, %dma_wait3A_380] : memref<320000x16xf32, #tpu.memory_space<hbm>> -> memref<160x16xf32, #tpu.memory_space<hbm>>
      %dma_wait3A_382 = arith.constant 0 : i32
      %dma_wait3A_383 = tpu.memref_slice %arg4[%add3A_47, %dma_wait3A_382] : memref<320000x16xf32, #tpu.memory_space<hbm>> -> memref<160x16xf32, #tpu.memory_space<hbm>>
      tpu.wait_dma2 semaphore(%arg16 : memref<!tpu.dma_semaphore, #tpu.memory_space<semaphore_mem>>) src(%dma_wait3A_383 : memref<160x16xf32, #tpu.memory_space<hbm>>) dst(%arg13 : memref<160x16xf32, #tpu.memory_space<vmem>>)
      %dma_wait3A_384 = arith.constant 0 : i32
      %dma_wait3A_385 = arith.constant 0 : i32
      %dma_wait3A_386 = arith.constant 0 : i32
      %dma_wait3A_387 = tpu.memref_slice %arg11[%dma_wait3A_385, %dma_wait3A_386] : memref<160x80xf32, #tpu.memory_space<vmem>> -> memref<80x80xf32, #tpu.memory_space<vmem>>
      %dma_wait3A_388 = arith.constant 0 : i32
      %dma_wait3A_389 = tpu.memref_slice %arg9[%dma_wait3A_384, %dma_wait3A_388] : memref<2x80xi32, #tpu.memory_space<vmem>> -> memref<1x80xi32, #tpu.memory_space<vmem>>
      %dma_wait3A_390 = tpu.memref_squeeze %dma_wait3A_389 : memref<1x80xi32, #tpu.memory_space<vmem>> -> memref<80xi32, #tpu.memory_space<vmem>>
      %dma_wait3A_391 = arith.constant 0 : i32
      %dma_wait3A_392 = arith.constant 0 : i32
      %dma_wait3A_393 = tpu.memref_slice %arg2[%dma_wait3A_391, %dma_wait3A_392] : memref<20000x80xf32, #tpu.memory_space<hbm>> -> memref<20000x80xf32, #tpu.memory_space<hbm>>
      tpu.wait_indirect_dma semaphore(%arg16 : memref<!tpu.dma_semaphore, #tpu.memory_space<semaphore_mem>>) src(%dma_wait3A_393 : memref<20000x80xf32, #tpu.memory_space<hbm>>) dst(%dma_wait3A_387 : memref<80x80xf32, #tpu.memory_space<vmem>>)
      %dma_wait3A_394 = arith.constant 0 : i32
      %dma_wait3A_395 = arith.constant 0 : i32
      %dma_wait3A_396 = arith.constant 0 : i32
      %dma_wait3A_397 = tpu.memref_slice %arg12[%dma_wait3A_395, %dma_wait3A_396] : memref<160x128xf32, #tpu.memory_space<vmem>> -> memref<80x128xf32, #tpu.memory_space<vmem>>
      %dma_wait3A_398 = arith.constant 0 : i32
      %dma_wait3A_399 = tpu.memref_slice %arg8[%dma_wait3A_394, %dma_wait3A_398] : memref<2x80xi32, #tpu.memory_space<vmem>> -> memref<1x80xi32, #tpu.memory_space<vmem>>
      %dma_wait3A_400 = tpu.memref_squeeze %dma_wait3A_399 : memref<1x80xi32, #tpu.memory_space<vmem>> -> memref<80xi32, #tpu.memory_space<vmem>>
      %dma_wait3A_401 = arith.constant 0 : i32
      %dma_wait3A_402 = arith.constant 0 : i32
      %dma_wait3A_403 = tpu.memref_slice %arg3[%dma_wait3A_401, %dma_wait3A_402] : memref<20000x128xf32, #tpu.memory_space<hbm>> -> memref<20000x128xf32, #tpu.memory_space<hbm>>
      tpu.wait_indirect_dma semaphore(%arg16 : memref<!tpu.dma_semaphore, #tpu.memory_space<semaphore_mem>>) src(%dma_wait3A_403 : memref<20000x128xf32, #tpu.memory_space<hbm>>) dst(%dma_wait3A_397 : memref<80x128xf32, #tpu.memory_space<vmem>>)
      %dma_wait3A_404 = arith.constant 1 : i32
      %dma_wait3A_405 = arith.constant 80 : i32
      %dma_wait3A_406 = arith.constant 0 : i32
      %dma_wait3A_407 = tpu.memref_slice %arg11[%dma_wait3A_405, %dma_wait3A_406] : memref<160x80xf32, #tpu.memory_space<vmem>> -> memref<80x80xf32, #tpu.memory_space<vmem>>
      %dma_wait3A_408 = arith.constant 0 : i32
      %dma_wait3A_409 = tpu.memref_slice %arg9[%dma_wait3A_404, %dma_wait3A_408] : memref<2x80xi32, #tpu.memory_space<vmem>> -> memref<1x80xi32, #tpu.memory_space<vmem>>
      %dma_wait3A_410 = tpu.memref_squeeze %dma_wait3A_409 : memref<1x80xi32, #tpu.memory_space<vmem>> -> memref<80xi32, #tpu.memory_space<vmem>>
      %dma_wait3A_411 = arith.constant 0 : i32
      %dma_wait3A_412 = arith.constant 0 : i32
      %dma_wait3A_413 = tpu.memref_slice %arg2[%dma_wait3A_411, %dma_wait3A_412] : memref<20000x80xf32, #tpu.memory_space<hbm>> -> memref<20000x80xf32, #tpu.memory_space<hbm>>
      tpu.wait_indirect_dma semaphore(%arg16 : memref<!tpu.dma_semaphore, #tpu.memory_space<semaphore_mem>>) src(%dma_wait3A_413 : memref<20000x80xf32, #tpu.memory_space<hbm>>) dst(%dma_wait3A_407 : memref<80x80xf32, #tpu.memory_space<vmem>>)
      %dma_wait3A_414 = arith.constant 1 : i32
      %dma_wait3A_415 = arith.constant 80 : i32
      %dma_wait3A_416 = arith.constant 0 : i32
      %dma_wait3A_417 = tpu.memref_slice %arg12[%dma_wait3A_415, %dma_wait3A_416] : memref<160x128xf32, #tpu.memory_space<vmem>> -> memref<80x128xf32, #tpu.memory_space<vmem>>
      %dma_wait3A_418 = arith.constant 0 : i32
      %dma_wait3A_419 = tpu.memref_slice %arg8[%dma_wait3A_414, %dma_wait3A_418] : memref<2x80xi32, #tpu.memory_space<vmem>> -> memref<1x80xi32, #tpu.memory_space<vmem>>
      %dma_wait3A_420 = tpu.memref_squeeze %dma_wait3A_419 : memref<1x80xi32, #tpu.memory_space<vmem>> -> memref<80xi32, #tpu.memory_space<vmem>>
      %dma_wait3A_421 = arith.constant 0 : i32
      %dma_wait3A_422 = arith.constant 0 : i32
      %dma_wait3A_423 = tpu.memref_slice %arg3[%dma_wait3A_421, %dma_wait3A_422] : memref<20000x128xf32, #tpu.memory_space<hbm>> -> memref<20000x128xf32, #tpu.memory_space<hbm>>
      tpu.wait_indirect_dma semaphore(%arg16 : memref<!tpu.dma_semaphore, #tpu.memory_space<semaphore_mem>>) src(%dma_wait3A_423 : memref<20000x128xf32, #tpu.memory_space<hbm>>) dst(%dma_wait3A_417 : memref<80x128xf32, #tpu.memory_space<vmem>>)
      %scan3A_424 = arith.constant 0 : i32
      %scan3A_425 = arith.constant 0 : i32
      %scan3A_426 = arith.constant 160 : i32
      %scan3A_427 = arith.addi %scan3A_425, %scan3A_426 : i32
      %scan3A_428 = arith.constant 1 : i32
      scf.for %scan3A_470 = %scan3A_425 to %scan3A_427 step %scan3A_428  : i32 {
        %get3A_471 = arith.index_cast %scan3A_470 : i32 to index
        %get3A_472 = arith.constant 0 : index
        %get3A_473 = tpu.vector_load %arg11[%get3A_471, %get3A_472] {strides = array<i32>} : memref<160x80xf32, #tpu.memory_space<vmem>>, vector<1x16xf32>,
        %get3A_474 = vector.shape_cast %get3A_473 : vector<1x16xf32> to vector<16xf32>
        %get3A_475 = arith.index_cast %scan3A_470 : i32 to index
        %get3A_476 = arith.constant 0 : index
        %get3A_477 = tpu.vector_load %arg12[%get3A_475, %get3A_476] {strides = array<i32>} : memref<160x128xf32, #tpu.memory_space<vmem>>, vector<1x16xf32>,
        %get3A_478 = vector.shape_cast %get3A_477 : vector<1x16xf32> to vector<16xf32>
        %mul3A_479 = arith.mulf %get3A_474, %get3A_478 : vector<16xf32>
        %get3A_480 = arith.index_cast %scan3A_470 : i32 to index
        %get3A_481 = arith.constant 16 : index
        %get3A_482 = tpu.vector_load %arg11[%get3A_480, %get3A_481] {strides = array<i32>} : memref<160x80xf32, #tpu.memory_space<vmem>>, vector<1x16xf32>,
        %get3A_483 = vector.shape_cast %get3A_482 : vector<1x16xf32> to vector<16xf32>
        %get3A_484 = arith.index_cast %scan3A_470 : i32 to index
        %get3A_485 = arith.constant 16 : index
        %get3A_486 = tpu.vector_load %arg12[%get3A_484, %get3A_485] {strides = array<i32>} : memref<160x128xf32, #tpu.memory_space<vmem>>, vector<1x16xf32>,
        %get3A_487 = vector.shape_cast %get3A_486 : vector<1x16xf32> to vector<16xf32>
        %mul3A_488 = arith.mulf %get3A_483, %get3A_487 : vector<16xf32>
        %add3A_489 = arith.addf %mul3A_479, %mul3A_488 : vector<16xf32>
        %get3A_490 = arith.index_cast %scan3A_470 : i32 to index
        %get3A_491 = arith.constant 32 : index
        %get3A_492 = tpu.vector_load %arg11[%get3A_490, %get3A_491] {strides = array<i32>} : memref<160x80xf32, #tpu.memory_space<vmem>>, vector<1x16xf32>,
        %get3A_493 = vector.shape_cast %get3A_492 : vector<1x16xf32> to vector<16xf32>
        %get3A_494 = arith.index_cast %scan3A_470 : i32 to index
        %get3A_495 = arith.constant 32 : index
        %get3A_496 = tpu.vector_load %arg12[%get3A_494, %get3A_495] {strides = array<i32>} : memref<160x128xf32, #tpu.memory_space<vmem>>, vector<1x16xf32>,
        %get3A_497 = vector.shape_cast %get3A_496 : vector<1x16xf32> to vector<16xf32>
        %mul3A_498 = arith.mulf %get3A_493, %get3A_497 : vector<16xf32>
        %add3A_499 = arith.addf %add3A_489, %mul3A_498 : vector<16xf32>
        %get3A_500 = arith.index_cast %scan3A_470 : i32 to index
        %get3A_501 = arith.constant 48 : index
        %get3A_502 = tpu.vector_load %arg11[%get3A_500, %get3A_501] {strides = array<i32>} : memref<160x80xf32, #tpu.memory_space<vmem>>, vector<1x16xf32>,
        %get3A_503 = vector.shape_cast %get3A_502 : vector<1x16xf32> to vector<16xf32>
        %get3A_504 = arith.index_cast %scan3A_470 : i32 to index
        %get3A_505 = arith.constant 48 : index
        %get3A_506 = tpu.vector_load %arg12[%get3A_504, %get3A_505] {strides = array<i32>} : memref<160x128xf32, #tpu.memory_space<vmem>>, vector<1x16xf32>,
        %get3A_507 = vector.shape_cast %get3A_506 : vector<1x16xf32> to vector<16xf32>
        %mul3A_508 = arith.mulf %get3A_503, %get3A_507 : vector<16xf32>
        %add3A_509 = arith.addf %add3A_499, %mul3A_508 : vector<16xf32>
        %get3A_510 = arith.index_cast %scan3A_470 : i32 to index
        %get3A_511 = arith.constant 0 : index
        %get3A_512 = tpu.vector_load %arg13[%get3A_510, %get3A_511] {strides = array<i32>} : memref<160x16xf32, #tpu.memory_space<vmem>>, vector<1x16xf32>,
        %get3A_513 = vector.shape_cast %get3A_512 : vector<1x16xf32> to vector<16xf32>
        %get3A_514 = arith.index_cast %scan3A_470 : i32 to index
        %get3A_515 = arith.constant 64 : index
        %get3A_516 = tpu.vector_load %arg11[%get3A_514, %get3A_515] {strides = array<i32>} : memref<160x80xf32, #tpu.memory_space<vmem>>, vector<1x16xf32>,
        %get3A_517 = vector.shape_cast %get3A_516 : vector<1x16xf32> to vector<16xf32>
        %mul3A_518 = arith.mulf %get3A_517, %get3A_513 : vector<16xf32>
        %lt3A = arith.constant 4 : i32
        %lt3A_519 = vector.broadcast %lt3A : i32 to vector<16xi32>
        %lt3A_520 = arith.cmpi slt, %iota3A, %lt3A_519 : vector<16xi32>
        %jit3A_521 = arith.constant 0.000000e+00 : f32
        %broadcast_in_dim3A_522 = vector.broadcast %jit3A_521 : f32 to vector<16xf32>
        %select_n3A_523 = arith.select %lt3A_520, %mul3A_518, %broadcast_in_dim3A_522 : vector<16xi1>, vector<16xf32>
        %add3A_524 = arith.addf %add3A_509, %select_n3A_523 : vector<16xf32>
        %xor3A = arith.constant 8 : i32
        %xor3A_525 = vector.broadcast %xor3A : i32 to vector<16xi32>
        %xor3A_526 = arith.xori %iota3A, %xor3A_525 : vector<16xi32>
        %broadcast_in_dim3A_527 = vector.shape_cast %xor3A_526 : vector<16xi32> to vector<16x1xi32>
        %gather3A = vector.shape_cast %broadcast_in_dim3A_527 : vector<16x1xi32> to vector<16xi32>
        %gather3A_528 = tpu.dynamic_gather %add3A_524[%gather3A] in [0] : vector<16xf32>, vector<16xi32> -> vector<16xf32>
        %add3A_529 = arith.addf %add3A_524, %gather3A_528 : vector<16xf32>
        %xor3A_530 = arith.constant 4 : i32
        %xor3A_531 = vector.broadcast %xor3A_530 : i32 to vector<16xi32>
        %xor3A_532 = arith.xori %iota3A, %xor3A_531 : vector<16xi32>
        %broadcast_in_dim3A_533 = vector.shape_cast %xor3A_532 : vector<16xi32> to vector<16x1xi32>
        %gather3A_534 = vector.shape_cast %broadcast_in_dim3A_533 : vector<16x1xi32> to vector<16xi32>
        %gather3A_535 = tpu.dynamic_gather %add3A_529[%gather3A_534] in [0] : vector<16xf32>, vector<16xi32> -> vector<16xf32>
        %add3A_536 = arith.addf %add3A_529, %gather3A_535 : vector<16xf32>
        %xor3A_537 = arith.constant 2 : i32
        %xor3A_538 = vector.broadcast %xor3A_537 : i32 to vector<16xi32>
        %xor3A_539 = arith.xori %iota3A, %xor3A_538 : vector<16xi32>
        %broadcast_in_dim3A_540 = vector.shape_cast %xor3A_539 : vector<16xi32> to vector<16x1xi32>
        %gather3A_541 = vector.shape_cast %broadcast_in_dim3A_540 : vector<16x1xi32> to vector<16xi32>
        %gather3A_542 = tpu.dynamic_gather %add3A_536[%gather3A_541] in [0] : vector<16xf32>, vector<16xi32> -> vector<16xf32>
        %add3A_543 = arith.addf %add3A_536, %gather3A_542 : vector<16xf32>
        %xor3A_544 = arith.constant 1 : i32
        %xor3A_545 = vector.broadcast %xor3A_544 : i32 to vector<16xi32>
        %xor3A_546 = arith.xori %iota3A, %xor3A_545 : vector<16xi32>
        %broadcast_in_dim3A_547 = vector.shape_cast %xor3A_546 : vector<16xi32> to vector<16x1xi32>
        %gather3A_548 = vector.shape_cast %broadcast_in_dim3A_547 : vector<16x1xi32> to vector<16xi32>
        %gather3A_549 = tpu.dynamic_gather %add3A_543[%gather3A_548] in [0] : vector<16xf32>, vector<16xi32> -> vector<16xf32>
        %add3A_550 = arith.addf %add3A_543, %gather3A_549 : vector<16xf32>
        %mul3A_551 = arith.constant 1.250000e-01 : f32
        %mul3A_552 = vector.broadcast %mul3A_551 : f32 to vector<16xf32>
        %mul3A_553 = arith.mulf %add3A_550, %mul3A_552 : vector<16xf32>
        %exp3A = math.exp %mul3A_553 : vector<16xf32>
        %get3A_554 = arith.index_cast %scan3A_470 : i32 to index
        %get3A_555 = arith.constant 64 : index
        %get3A_556 = tpu.vector_load %arg12[%get3A_554, %get3A_555] {strides = array<i32>} : memref<160x128xf32, #tpu.memory_space<vmem>>, vector<1x16xf32>,
        %get3A_557 = vector.shape_cast %get3A_556 : vector<1x16xf32> to vector<16xf32>
        %mul3A_558 = arith.mulf %exp3A, %get3A_557 : vector<16xf32>
        %swap3A_559 = arith.index_cast %scan3A_470 : i32 to index
        %swap3A_560 = arith.constant 0 : index
        %swap3A_561 = tpu.vector_load %arg14[%swap3A_559, %swap3A_560] {strides = array<i32>} : memref<160x80xf32, #tpu.memory_space<vmem>>, vector<1x16xf32>,
        %swap3A_562 = vector.shape_cast %swap3A_561 : vector<1x16xf32> to vector<16xf32>
        %swap3A_563 = vector.shape_cast %mul3A_558 : vector<16xf32> to vector<1x16xf32>
        tpu.vector_store %arg14[%swap3A_559, %swap3A_560], %swap3A_563 {strides = array<i32>} : memref<160x80xf32, #tpu.memory_space<vmem>>, vector<1x16xf32>,
        %get3A_564 = arith.index_cast %scan3A_470 : i32 to index
        %get3A_565 = arith.constant 80 : index
        %get3A_566 = tpu.vector_load %arg12[%get3A_564, %get3A_565] {strides = array<i32>} : memref<160x128xf32, #tpu.memory_space<vmem>>, vector<1x16xf32>,
        %get3A_567 = vector.shape_cast %get3A_566 : vector<1x16xf32> to vector<16xf32>
        %mul3A_568 = arith.mulf %exp3A, %get3A_567 : vector<16xf32>
        %swap3A_569 = arith.index_cast %scan3A_470 : i32 to index
        %swap3A_570 = arith.constant 16 : index
        %swap3A_571 = tpu.vector_load %arg14[%swap3A_569, %swap3A_570] {strides = array<i32>} : memref<160x80xf32, #tpu.memory_space<vmem>>, vector<1x16xf32>,
        %swap3A_572 = vector.shape_cast %swap3A_571 : vector<1x16xf32> to vector<16xf32>
        %swap3A_573 = vector.shape_cast %mul3A_568 : vector<16xf32> to vector<1x16xf32>
        tpu.vector_store %arg14[%swap3A_569, %swap3A_570], %swap3A_573 {strides = array<i32>} : memref<160x80xf32, #tpu.memory_space<vmem>>, vector<1x16xf32>,
        %get3A_574 = arith.index_cast %scan3A_470 : i32 to index
        %get3A_575 = arith.constant 96 : index
        %get3A_576 = tpu.vector_load %arg12[%get3A_574, %get3A_575] {strides = array<i32>} : memref<160x128xf32, #tpu.memory_space<vmem>>, vector<1x16xf32>,
        %get3A_577 = vector.shape_cast %get3A_576 : vector<1x16xf32> to vector<16xf32>
        %mul3A_578 = arith.mulf %exp3A, %get3A_577 : vector<16xf32>
        %swap3A_579 = arith.index_cast %scan3A_470 : i32 to index
        %swap3A_580 = arith.constant 32 : index
        %swap3A_581 = tpu.vector_load %arg14[%swap3A_579, %swap3A_580] {strides = array<i32>} : memref<160x80xf32, #tpu.memory_space<vmem>>, vector<1x16xf32>,
        %swap3A_582 = vector.shape_cast %swap3A_581 : vector<1x16xf32> to vector<16xf32>
        %swap3A_583 = vector.shape_cast %mul3A_578 : vector<16xf32> to vector<1x16xf32>
        tpu.vector_store %arg14[%swap3A_579, %swap3A_580], %swap3A_583 {strides = array<i32>} : memref<160x80xf32, #tpu.memory_space<vmem>>, vector<1x16xf32>,
        %get3A_584 = arith.index_cast %scan3A_470 : i32 to index
        %get3A_585 = arith.constant 112 : index
        %get3A_586 = tpu.vector_load %arg12[%get3A_584, %get3A_585] {strides = array<i32>} : memref<160x128xf32, #tpu.memory_space<vmem>>, vector<1x16xf32>,
        %get3A_587 = vector.shape_cast %get3A_586 : vector<1x16xf32> to vector<16xf32>
        %mul3A_588 = arith.mulf %exp3A, %get3A_587 : vector<16xf32>
        %swap3A_589 = arith.index_cast %scan3A_470 : i32 to index
        %swap3A_590 = arith.constant 48 : index
        %swap3A_591 = tpu.vector_load %arg14[%swap3A_589, %swap3A_590] {strides = array<i32>} : memref<160x80xf32, #tpu.memory_space<vmem>>, vector<1x16xf32>,
        %swap3A_592 = vector.shape_cast %swap3A_591 : vector<1x16xf32> to vector<16xf32>
        %swap3A_593 = vector.shape_cast %mul3A_588 : vector<16xf32> to vector<1x16xf32>
        tpu.vector_store %arg14[%swap3A_589, %swap3A_590], %swap3A_593 {strides = array<i32>} : memref<160x80xf32, #tpu.memory_space<vmem>>, vector<1x16xf32>,
        %lt3A_594 = arith.constant 4 : i32
        %lt3A_595 = vector.broadcast %lt3A_594 : i32 to vector<16xi32>
        %lt3A_596 = arith.cmpi slt, %iota3A, %lt3A_595 : vector<16xi32>
        %jit3A_597 = arith.constant 0.000000e+00 : f32
        %broadcast_in_dim3A_598 = vector.broadcast %jit3A_597 : f32 to vector<16xf32>
        %select_n3A_599 = arith.select %lt3A_596, %exp3A, %broadcast_in_dim3A_598 : vector<16xi1>, vector<16xf32>
        %mul3A_600 = arith.mulf %get3A_513, %select_n3A_599 : vector<16xf32>
        %eq3A = arith.constant 8 : i32
        %eq3A_601 = vector.broadcast %eq3A : i32 to vector<16xi32>
        %eq3A_602 = arith.cmpi eq, %iota3A, %eq3A_601 : vector<16xi32>
        %jit3A_603 = arith.constant 0.000000e+00 : f32
        %broadcast_in_dim3A_604 = vector.broadcast %jit3A_603 : f32 to vector<16xf32>
        %select_n3A_605 = arith.select %eq3A_602, %exp3A, %broadcast_in_dim3A_604 : vector<16xi1>, vector<16xf32>
        %add3A_606 = arith.addf %mul3A_600, %select_n3A_605 : vector<16xf32>
        %swap3A_607 = arith.index_cast %scan3A_470 : i32 to index
        %swap3A_608 = arith.constant 64 : index
        %swap3A_609 = tpu.vector_load %arg14[%swap3A_607, %swap3A_608] {strides = array<i32>} : memref<160x80xf32, #tpu.memory_space<vmem>>, vector<1x16xf32>,
        %swap3A_610 = vector.shape_cast %swap3A_609 : vector<1x16xf32> to vector<16xf32>
        %swap3A_611 = vector.shape_cast %add3A_606 : vector<16xf32> to vector<1x16xf32>
        tpu.vector_store %arg14[%swap3A_607, %swap3A_608], %swap3A_611 {strides = array<i32>} : memref<160x80xf32, #tpu.memory_space<vmem>>, vector<1x16xf32>,
      }
      %scan3A_429 = arith.constant 160 : i32
      %dma_start3A_430 = arith.constant 0 : i32
      %dma_start3A_431 = arith.constant 0 : i32
      %dma_start3A_432 = arith.constant 0 : i32
      %dma_start3A_433 = tpu.memref_slice %arg14[%dma_start3A_431, %dma_start3A_432] : memref<160x80xf32, #tpu.memory_space<vmem>> -> memref<80x80xf32, #tpu.memory_space<vmem>>
      %dma_start3A_434 = arith.constant 0 : i32
      %dma_start3A_435 = tpu.memref_slice %arg10[%dma_start3A_430, %dma_start3A_434] : memref<2x80xi32, #tpu.memory_space<vmem>> -> memref<1x80xi32, #tpu.memory_space<vmem>>
      %dma_start3A_436 = tpu.memref_squeeze %dma_start3A_435 : memref<1x80xi32, #tpu.memory_space<vmem>> -> memref<80xi32, #tpu.memory_space<vmem>>
      %dma_start3A_437 = arith.constant 0 : i32
      %dma_start3A_438 = arith.constant 0 : i32
      %dma_start3A_439 = tpu.memref_slice %arg15[%dma_start3A_437, %dma_start3A_438] : memref<10240x80xf32, #tpu.memory_space<vmem_shared>> -> memref<10240x80xf32, #tpu.memory_space<vmem_shared>>
      tpu.enqueue_indirect_dma source(%dma_start3A_433 : memref<80x80xf32, #tpu.memory_space<vmem>>) target(%dma_start3A_439 : memref<10240x80xf32, #tpu.memory_space<vmem_shared>>) offsets(%dma_start3A_436 : memref<80xi32, #tpu.memory_space<vmem>>) semaphore(%arg16 : memref<!tpu.dma_semaphore, #tpu.memory_space<semaphore_mem>>) {add = true}
      %dma_start3A_440 = arith.constant 1 : i32
      %dma_start3A_441 = arith.constant 80 : i32
      %dma_start3A_442 = arith.constant 0 : i32
      %dma_start3A_443 = tpu.memref_slice %arg14[%dma_start3A_441, %dma_start3A_442] : memref<160x80xf32, #tpu.memory_space<vmem>> -> memref<80x80xf32, #tpu.memory_space<vmem>>
      %dma_start3A_444 = arith.constant 0 : i32
      %dma_start3A_445 = tpu.memref_slice %arg10[%dma_start3A_440, %dma_start3A_444] : memref<2x80xi32, #tpu.memory_space<vmem>> -> memref<1x80xi32, #tpu.memory_space<vmem>>
      %dma_start3A_446 = tpu.memref_squeeze %dma_start3A_445 : memref<1x80xi32, #tpu.memory_space<vmem>> -> memref<80xi32, #tpu.memory_space<vmem>>
      %dma_start3A_447 = arith.constant 0 : i32
      %dma_start3A_448 = arith.constant 0 : i32
      %dma_start3A_449 = tpu.memref_slice %arg15[%dma_start3A_447, %dma_start3A_448] : memref<10240x80xf32, #tpu.memory_space<vmem_shared>> -> memref<10240x80xf32, #tpu.memory_space<vmem_shared>>
      tpu.enqueue_indirect_dma source(%dma_start3A_443 : memref<80x80xf32, #tpu.memory_space<vmem>>) target(%dma_start3A_449 : memref<10240x80xf32, #tpu.memory_space<vmem_shared>>) offsets(%dma_start3A_446 : memref<80xi32, #tpu.memory_space<vmem>>) semaphore(%arg16 : memref<!tpu.dma_semaphore, #tpu.memory_space<semaphore_mem>>) {add = true}
      %dma_wait3A_450 = arith.constant 0 : i32
      %dma_wait3A_451 = arith.constant 0 : i32
      %dma_wait3A_452 = arith.constant 0 : i32
      %dma_wait3A_453 = tpu.memref_slice %arg14[%dma_wait3A_451, %dma_wait3A_452] : memref<160x80xf32, #tpu.memory_space<vmem>> -> memref<80x80xf32, #tpu.memory_space<vmem>>
      %dma_wait3A_454 = arith.constant 0 : i32
      %dma_wait3A_455 = tpu.memref_slice %arg10[%dma_wait3A_450, %dma_wait3A_454] : memref<2x80xi32, #tpu.memory_space<vmem>> -> memref<1x80xi32, #tpu.memory_space<vmem>>
      %dma_wait3A_456 = tpu.memref_squeeze %dma_wait3A_455 : memref<1x80xi32, #tpu.memory_space<vmem>> -> memref<80xi32, #tpu.memory_space<vmem>>
      %dma_wait3A_457 = arith.constant 0 : i32
      %dma_wait3A_458 = arith.constant 0 : i32
      %dma_wait3A_459 = tpu.memref_slice %arg15[%dma_wait3A_457, %dma_wait3A_458] : memref<10240x80xf32, #tpu.memory_space<vmem_shared>> -> memref<10240x80xf32, #tpu.memory_space<vmem_shared>>
      tpu.wait_indirect_dma semaphore(%arg16 : memref<!tpu.dma_semaphore, #tpu.memory_space<semaphore_mem>>) src(%dma_wait3A_453 : memref<80x80xf32, #tpu.memory_space<vmem>>) dst(%dma_wait3A_459 : memref<10240x80xf32, #tpu.memory_space<vmem_shared>>)
      %dma_wait3A_460 = arith.constant 1 : i32
      %dma_wait3A_461 = arith.constant 80 : i32
      %dma_wait3A_462 = arith.constant 0 : i32
      %dma_wait3A_463 = tpu.memref_slice %arg14[%dma_wait3A_461, %dma_wait3A_462] : memref<160x80xf32, #tpu.memory_space<vmem>> -> memref<80x80xf32, #tpu.memory_space<vmem>>
      %dma_wait3A_464 = arith.constant 0 : i32
      %dma_wait3A_465 = tpu.memref_slice %arg10[%dma_wait3A_460, %dma_wait3A_464] : memref<2x80xi32, #tpu.memory_space<vmem>> -> memref<1x80xi32, #tpu.memory_space<vmem>>
      %dma_wait3A_466 = tpu.memref_squeeze %dma_wait3A_465 : memref<1x80xi32, #tpu.memory_space<vmem>> -> memref<80xi32, #tpu.memory_space<vmem>>
      %dma_wait3A_467 = arith.constant 0 : i32
      %dma_wait3A_468 = arith.constant 0 : i32
      %dma_wait3A_469 = tpu.memref_slice %arg15[%dma_wait3A_467, %dma_wait3A_468] : memref<10240x80xf32, #tpu.memory_space<vmem_shared>> -> memref<10240x80xf32, #tpu.memory_space<vmem_shared>>
      tpu.wait_indirect_dma semaphore(%arg16 : memref<!tpu.dma_semaphore, #tpu.memory_space<semaphore_mem>>) src(%dma_wait3A_463 : memref<80x80xf32, #tpu.memory_space<vmem>>) dst(%dma_wait3A_469 : memref<10240x80xf32, #tpu.memory_space<vmem_shared>>)
    }
    %scan3A_21 = arith.constant 125 : i32
    %barrier3A_22 = arith.constant 0 : index
    tpu.barrier barrier_id(%barrier3A_22)
    %mul3A_23 = arith.constant 10240 : i32
    %mul3A_24 = arith.muli %arg0, %mul3A_23 : i32
    %add3A_25 = arith.addi %mul3A_24, %mul3A_8 : i32
    %add3A_26 = arith.constant 0 : i32
    %add3A_27 = arith.addi %mul3A_8, %add3A_26 : i32
    "tpu.region"() ({
      %run_scoped3A = tpu.sem_alloc : memref<!tpu.dma_semaphore, #tpu.memory_space<semaphore_mem>>
      %dma_start3A = arith.constant 0 : i32
      %dma_start3A_42 = arith.constant 0 : i32
      %dma_start3A_43 = tpu.memref_slice %arg14[%dma_start3A, %dma_start3A_42] : memref<160x80xf32, #tpu.memory_space<vmem>> -> memref<160x80xf32, #tpu.memory_space<vmem>>
      %dma_start3A_44 = arith.constant 0 : i32
      %dma_start3A_45 = tpu.memref_slice %arg15[%add3A_27, %dma_start3A_44] : memref<10240x80xf32, #tpu.memory_space<vmem_shared>> -> memref<160x80xf32, #tpu.memory_space<vmem_shared>>
      %dma_start3A_46 = arith.constant 0 : i32
      %dma_start3A_47 = arith.constant 0 : i32
      %dma_start3A_48 = tpu.memref_slice %arg14[%dma_start3A_46, %dma_start3A_47] : memref<160x80xf32, #tpu.memory_space<vmem>> -> memref<160x80xf32, #tpu.memory_space<vmem>>
      %dma_start3A_49 = arith.constant 0 : i32
      %dma_start3A_50 = tpu.memref_slice %arg15[%add3A_27, %dma_start3A_49] : memref<10240x80xf32, #tpu.memory_space<vmem_shared>> -> memref<160x80xf32, #tpu.memory_space<vmem_shared>>
      tpu.enqueue_dma source(%dma_start3A_50 : memref<160x80xf32, #tpu.memory_space<vmem_shared>>) target(%dma_start3A_48 : memref<160x80xf32, #tpu.memory_space<vmem>>) target_semaphore(%run_scoped3A : memref<!tpu.dma_semaphore, #tpu.memory_space<semaphore_mem>>)
      %dma_wait3A = arith.constant 0 : i32
      %dma_wait3A_51 = arith.constant 0 : i32
      %dma_wait3A_52 = tpu.memref_slice %arg14[%dma_wait3A, %dma_wait3A_51] : memref<160x80xf32, #tpu.memory_space<vmem>> -> memref<160x80xf32, #tpu.memory_space<vmem>>
      %dma_wait3A_53 = arith.constant 0 : i32
      %dma_wait3A_54 = tpu.memref_slice %arg15[%add3A_27, %dma_wait3A_53] : memref<10240x80xf32, #tpu.memory_space<vmem_shared>> -> memref<160x80xf32, #tpu.memory_space<vmem_shared>>
      %dma_wait3A_55 = arith.constant 0 : i32
      %dma_wait3A_56 = arith.constant 0 : i32
      %dma_wait3A_57 = tpu.memref_slice %arg14[%dma_wait3A_55, %dma_wait3A_56] : memref<160x80xf32, #tpu.memory_space<vmem>> -> memref<160x80xf32, #tpu.memory_space<vmem>>
      %dma_wait3A_58 = arith.constant 0 : i32
      %dma_wait3A_59 = tpu.memref_slice %arg15[%add3A_27, %dma_wait3A_58] : memref<10240x80xf32, #tpu.memory_space<vmem_shared>> -> memref<160x80xf32, #tpu.memory_space<vmem_shared>>
      tpu.wait_dma2 semaphore(%run_scoped3A : memref<!tpu.dma_semaphore, #tpu.memory_space<semaphore_mem>>) src(%dma_wait3A_59 : memref<160x80xf32, #tpu.memory_space<vmem_shared>>) dst(%dma_wait3A_57 : memref<160x80xf32, #tpu.memory_space<vmem>>)
      tpu.yield
    }) : () -> ()
    %add3A_28 = arith.constant 0 : i32
    %add3A_29 = arith.addi %add3A_25, %add3A_28 : i32
    "tpu.region"() ({
      %run_scoped3A = tpu.sem_alloc : memref<!tpu.dma_semaphore, #tpu.memory_space<semaphore_mem>>
      %dma_start3A = arith.constant 0 : i32
      %dma_start3A_42 = arith.constant 0 : i32
      %dma_start3A_43 = tpu.memref_slice %arg14[%dma_start3A, %dma_start3A_42] : memref<160x80xf32, #tpu.memory_space<vmem>> -> memref<160x80xf32, #tpu.memory_space<vmem>>
      %dma_start3A_44 = arith.constant 0 : i32
      %dma_start3A_45 = tpu.memref_slice %arg7[%add3A_29, %dma_start3A_44] : memref<20480x80xf32, #tpu.memory_space<hbm>> -> memref<160x80xf32, #tpu.memory_space<hbm>>
      %dma_start3A_46 = arith.constant 0 : i32
      %dma_start3A_47 = tpu.memref_slice %arg7[%add3A_29, %dma_start3A_46] : memref<20480x80xf32, #tpu.memory_space<hbm>> -> memref<160x80xf32, #tpu.memory_space<hbm>>
      %dma_start3A_48 = arith.constant 0 : i32
      %dma_start3A_49 = arith.constant 0 : i32
      %dma_start3A_50 = tpu.memref_slice %arg14[%dma_start3A_48, %dma_start3A_49] : memref<160x80xf32, #tpu.memory_space<vmem>> -> memref<160x80xf32, #tpu.memory_space<vmem>>
      tpu.enqueue_dma source(%dma_start3A_50 : memref<160x80xf32, #tpu.memory_space<vmem>>) target(%dma_start3A_47 : memref<160x80xf32, #tpu.memory_space<hbm>>) target_semaphore(%run_scoped3A : memref<!tpu.dma_semaphore, #tpu.memory_space<semaphore_mem>>)
      %dma_wait3A = arith.constant 0 : i32
      %dma_wait3A_51 = arith.constant 0 : i32
      %dma_wait3A_52 = tpu.memref_slice %arg14[%dma_wait3A, %dma_wait3A_51] : memref<160x80xf32, #tpu.memory_space<vmem>> -> memref<160x80xf32, #tpu.memory_space<vmem>>
      %dma_wait3A_53 = arith.constant 0 : i32
      %dma_wait3A_54 = tpu.memref_slice %arg7[%add3A_29, %dma_wait3A_53] : memref<20480x80xf32, #tpu.memory_space<hbm>> -> memref<160x80xf32, #tpu.memory_space<hbm>>
      %dma_wait3A_55 = arith.constant 0 : i32
      %dma_wait3A_56 = tpu.memref_slice %arg7[%add3A_29, %dma_wait3A_55] : memref<20480x80xf32, #tpu.memory_space<hbm>> -> memref<160x80xf32, #tpu.memory_space<hbm>>
      %dma_wait3A_57 = arith.constant 0 : i32
      %dma_wait3A_58 = arith.constant 0 : i32
      %dma_wait3A_59 = tpu.memref_slice %arg14[%dma_wait3A_57, %dma_wait3A_58] : memref<160x80xf32, #tpu.memory_space<vmem>> -> memref<160x80xf32, #tpu.memory_space<vmem>>
      tpu.wait_dma2 semaphore(%run_scoped3A : memref<!tpu.dma_semaphore, #tpu.memory_space<semaphore_mem>>) src(%dma_wait3A_59 : memref<160x80xf32, #tpu.memory_space<vmem>>) dst(%dma_wait3A_56 : memref<160x80xf32, #tpu.memory_space<hbm>>)
      tpu.yield
    }) : () -> ()
    %add3A_30 = arith.constant 160 : i32
    %add3A_31 = arith.addi %mul3A_8, %add3A_30 : i32
    "tpu.region"() ({
      %run_scoped3A = tpu.sem_alloc : memref<!tpu.dma_semaphore, #tpu.memory_space<semaphore_mem>>
      %dma_start3A = arith.constant 0 : i32
      %dma_start3A_42 = arith.constant 0 : i32
      %dma_start3A_43 = tpu.memref_slice %arg14[%dma_start3A, %dma_start3A_42] : memref<160x80xf32, #tpu.memory_space<vmem>> -> memref<160x80xf32, #tpu.memory_space<vmem>>
      %dma_start3A_44 = arith.constant 0 : i32
      %dma_start3A_45 = tpu.memref_slice %arg15[%add3A_31, %dma_start3A_44] : memref<10240x80xf32, #tpu.memory_space<vmem_shared>> -> memref<160x80xf32, #tpu.memory_space<vmem_shared>>
      %dma_start3A_46 = arith.constant 0 : i32
      %dma_start3A_47 = arith.constant 0 : i32
      %dma_start3A_48 = tpu.memref_slice %arg14[%dma_start3A_46, %dma_start3A_47] : memref<160x80xf32, #tpu.memory_space<vmem>> -> memref<160x80xf32, #tpu.memory_space<vmem>>
      %dma_start3A_49 = arith.constant 0 : i32
      %dma_start3A_50 = tpu.memref_slice %arg15[%add3A_31, %dma_start3A_49] : memref<10240x80xf32, #tpu.memory_space<vmem_shared>> -> memref<160x80xf32, #tpu.memory_space<vmem_shared>>
      tpu.enqueue_dma source(%dma_start3A_50 : memref<160x80xf32, #tpu.memory_space<vmem_shared>>) target(%dma_start3A_48 : memref<160x80xf32, #tpu.memory_space<vmem>>) target_semaphore(%run_scoped3A : memref<!tpu.dma_semaphore, #tpu.memory_space<semaphore_mem>>)
      %dma_wait3A = arith.constant 0 : i32
      %dma_wait3A_51 = arith.constant 0 : i32
      %dma_wait3A_52 = tpu.memref_slice %arg14[%dma_wait3A, %dma_wait3A_51] : memref<160x80xf32, #tpu.memory_space<vmem>> -> memref<160x80xf32, #tpu.memory_space<vmem>>
      %dma_wait3A_53 = arith.constant 0 : i32
      %dma_wait3A_54 = tpu.memref_slice %arg15[%add3A_31, %dma_wait3A_53] : memref<10240x80xf32, #tpu.memory_space<vmem_shared>> -> memref<160x80xf32, #tpu.memory_space<vmem_shared>>
      %dma_wait3A_55 = arith.constant 0 : i32
      %dma_wait3A_56 = arith.constant 0 : i32
      %dma_wait3A_57 = tpu.memref_slice %arg14[%dma_wait3A_55, %dma_wait3A_56] : memref<160x80xf32, #tpu.memory_space<vmem>> -> memref<160x80xf32, #tpu.memory_space<vmem>>
      %dma_wait3A_58 = arith.constant 0 : i32
      %dma_wait3A_59 = tpu.memref_slice %arg15[%add3A_31, %dma_wait3A_58] : memref<10240x80xf32, #tpu.memory_space<vmem_shared>> -> memref<160x80xf32, #tpu.memory_space<vmem_shared>>
      tpu.wait_dma2 semaphore(%run_scoped3A : memref<!tpu.dma_semaphore, #tpu.memory_space<semaphore_mem>>) src(%dma_wait3A_59 : memref<160x80xf32, #tpu.memory_space<vmem_shared>>) dst(%dma_wait3A_57 : memref<160x80xf32, #tpu.memory_space<vmem>>)
      tpu.yield
    }) : () -> ()
    %add3A_32 = arith.constant 160 : i32
    %add3A_33 = arith.addi %add3A_25, %add3A_32 : i32
    "tpu.region"() ({
      %run_scoped3A = tpu.sem_alloc : memref<!tpu.dma_semaphore, #tpu.memory_space<semaphore_mem>>
      %dma_start3A = arith.constant 0 : i32
      %dma_start3A_42 = arith.constant 0 : i32
      %dma_start3A_43 = tpu.memref_slice %arg14[%dma_start3A, %dma_start3A_42] : memref<160x80xf32, #tpu.memory_space<vmem>> -> memref<160x80xf32, #tpu.memory_space<vmem>>
      %dma_start3A_44 = arith.constant 0 : i32
      %dma_start3A_45 = tpu.memref_slice %arg7[%add3A_33, %dma_start3A_44] : memref<20480x80xf32, #tpu.memory_space<hbm>> -> memref<160x80xf32, #tpu.memory_space<hbm>>
      %dma_start3A_46 = arith.constant 0 : i32
      %dma_start3A_47 = tpu.memref_slice %arg7[%add3A_33, %dma_start3A_46] : memref<20480x80xf32, #tpu.memory_space<hbm>> -> memref<160x80xf32, #tpu.memory_space<hbm>>
      %dma_start3A_48 = arith.constant 0 : i32
      %dma_start3A_49 = arith.constant 0 : i32
      %dma_start3A_50 = tpu.memref_slice %arg14[%dma_start3A_48, %dma_start3A_49] : memref<160x80xf32, #tpu.memory_space<vmem>> -> memref<160x80xf32, #tpu.memory_space<vmem>>
      tpu.enqueue_dma source(%dma_start3A_50 : memref<160x80xf32, #tpu.memory_space<vmem>>) target(%dma_start3A_47 : memref<160x80xf32, #tpu.memory_space<hbm>>) target_semaphore(%run_scoped3A : memref<!tpu.dma_semaphore, #tpu.memory_space<semaphore_mem>>)
      %dma_wait3A = arith.constant 0 : i32
      %dma_wait3A_51 = arith.constant 0 : i32
      %dma_wait3A_52 = tpu.memref_slice %arg14[%dma_wait3A, %dma_wait3A_51] : memref<160x80xf32, #tpu.memory_space<vmem>> -> memref<160x80xf32, #tpu.memory_space<vmem>>
      %dma_wait3A_53 = arith.constant 0 : i32
      %dma_wait3A_54 = tpu.memref_slice %arg7[%add3A_33, %dma_wait3A_53] : memref<20480x80xf32, #tpu.memory_space<hbm>> -> memref<160x80xf32, #tpu.memory_space<hbm>>
      %dma_wait3A_55 = arith.constant 0 : i32
      %dma_wait3A_56 = tpu.memref_slice %arg7[%add3A_33, %dma_wait3A_55] : memref<20480x80xf32, #tpu.memory_space<hbm>> -> memref<160x80xf32, #tpu.memory_space<hbm>>
      %dma_wait3A_57 = arith.constant 0 : i32
      %dma_wait3A_58 = arith.constant 0 : i32
      %dma_wait3A_59 = tpu.memref_slice %arg14[%dma_wait3A_57, %dma_wait3A_58] : memref<160x80xf32, #tpu.memory_space<vmem>> -> memref<160x80xf32, #tpu.memory_space<vmem>>
      tpu.wait_dma2 semaphore(%run_scoped3A : memref<!tpu.dma_semaphore, #tpu.memory_space<semaphore_mem>>) src(%dma_wait3A_59 : memref<160x80xf32, #tpu.memory_space<vmem>>) dst(%dma_wait3A_56 : memref<160x80xf32, #tpu.memory_space<hbm>>)
      tpu.yield
    }) : () -> ()
    %add3A_34 = arith.constant 320 : i32
    %add3A_35 = arith.addi %mul3A_8, %add3A_34 : i32
    "tpu.region"() ({
      %run_scoped3A = tpu.sem_alloc : memref<!tpu.dma_semaphore, #tpu.memory_space<semaphore_mem>>
      %dma_start3A = arith.constant 0 : i32
      %dma_start3A_42 = arith.constant 0 : i32
      %dma_start3A_43 = tpu.memref_slice %arg14[%dma_start3A, %dma_start3A_42] : memref<160x80xf32, #tpu.memory_space<vmem>> -> memref<160x80xf32, #tpu.memory_space<vmem>>
      %dma_start3A_44 = arith.constant 0 : i32
      %dma_start3A_45 = tpu.memref_slice %arg15[%add3A_35, %dma_start3A_44] : memref<10240x80xf32, #tpu.memory_space<vmem_shared>> -> memref<160x80xf32, #tpu.memory_space<vmem_shared>>
      %dma_start3A_46 = arith.constant 0 : i32
      %dma_start3A_47 = arith.constant 0 : i32
      %dma_start3A_48 = tpu.memref_slice %arg14[%dma_start3A_46, %dma_start3A_47] : memref<160x80xf32, #tpu.memory_space<vmem>> -> memref<160x80xf32, #tpu.memory_space<vmem>>
      %dma_start3A_49 = arith.constant 0 : i32
      %dma_start3A_50 = tpu.memref_slice %arg15[%add3A_35, %dma_start3A_49] : memref<10240x80xf32, #tpu.memory_space<vmem_shared>> -> memref<160x80xf32, #tpu.memory_space<vmem_shared>>
      tpu.enqueue_dma source(%dma_start3A_50 : memref<160x80xf32, #tpu.memory_space<vmem_shared>>) target(%dma_start3A_48 : memref<160x80xf32, #tpu.memory_space<vmem>>) target_semaphore(%run_scoped3A : memref<!tpu.dma_semaphore, #tpu.memory_space<semaphore_mem>>)
      %dma_wait3A = arith.constant 0 : i32
      %dma_wait3A_51 = arith.constant 0 : i32
      %dma_wait3A_52 = tpu.memref_slice %arg14[%dma_wait3A, %dma_wait3A_51] : memref<160x80xf32, #tpu.memory_space<vmem>> -> memref<160x80xf32, #tpu.memory_space<vmem>>
      %dma_wait3A_53 = arith.constant 0 : i32
      %dma_wait3A_54 = tpu.memref_slice %arg15[%add3A_35, %dma_wait3A_53] : memref<10240x80xf32, #tpu.memory_space<vmem_shared>> -> memref<160x80xf32, #tpu.memory_space<vmem_shared>>
      %dma_wait3A_55 = arith.constant 0 : i32
      %dma_wait3A_56 = arith.constant 0 : i32
      %dma_wait3A_57 = tpu.memref_slice %arg14[%dma_wait3A_55, %dma_wait3A_56] : memref<160x80xf32, #tpu.memory_space<vmem>> -> memref<160x80xf32, #tpu.memory_space<vmem>>
      %dma_wait3A_58 = arith.constant 0 : i32
      %dma_wait3A_59 = tpu.memref_slice %arg15[%add3A_35, %dma_wait3A_58] : memref<10240x80xf32, #tpu.memory_space<vmem_shared>> -> memref<160x80xf32, #tpu.memory_space<vmem_shared>>
      tpu.wait_dma2 semaphore(%run_scoped3A : memref<!tpu.dma_semaphore, #tpu.memory_space<semaphore_mem>>) src(%dma_wait3A_59 : memref<160x80xf32, #tpu.memory_space<vmem_shared>>) dst(%dma_wait3A_57 : memref<160x80xf32, #tpu.memory_space<vmem>>)
      tpu.yield
    }) : () -> ()
    %add3A_36 = arith.constant 320 : i32
    %add3A_37 = arith.addi %add3A_25, %add3A_36 : i32
    "tpu.region"() ({
      %run_scoped3A = tpu.sem_alloc : memref<!tpu.dma_semaphore, #tpu.memory_space<semaphore_mem>>
      %dma_start3A = arith.constant 0 : i32
      %dma_start3A_42 = arith.constant 0 : i32
      %dma_start3A_43 = tpu.memref_slice %arg14[%dma_start3A, %dma_start3A_42] : memref<160x80xf32, #tpu.memory_space<vmem>> -> memref<160x80xf32, #tpu.memory_space<vmem>>
      %dma_start3A_44 = arith.constant 0 : i32
      %dma_start3A_45 = tpu.memref_slice %arg7[%add3A_37, %dma_start3A_44] : memref<20480x80xf32, #tpu.memory_space<hbm>> -> memref<160x80xf32, #tpu.memory_space<hbm>>
      %dma_start3A_46 = arith.constant 0 : i32
      %dma_start3A_47 = tpu.memref_slice %arg7[%add3A_37, %dma_start3A_46] : memref<20480x80xf32, #tpu.memory_space<hbm>> -> memref<160x80xf32, #tpu.memory_space<hbm>>
      %dma_start3A_48 = arith.constant 0 : i32
      %dma_start3A_49 = arith.constant 0 : i32
      %dma_start3A_50 = tpu.memref_slice %arg14[%dma_start3A_48, %dma_start3A_49] : memref<160x80xf32, #tpu.memory_space<vmem>> -> memref<160x80xf32, #tpu.memory_space<vmem>>
      tpu.enqueue_dma source(%dma_start3A_50 : memref<160x80xf32, #tpu.memory_space<vmem>>) target(%dma_start3A_47 : memref<160x80xf32, #tpu.memory_space<hbm>>) target_semaphore(%run_scoped3A : memref<!tpu.dma_semaphore, #tpu.memory_space<semaphore_mem>>)
      %dma_wait3A = arith.constant 0 : i32
      %dma_wait3A_51 = arith.constant 0 : i32
      %dma_wait3A_52 = tpu.memref_slice %arg14[%dma_wait3A, %dma_wait3A_51] : memref<160x80xf32, #tpu.memory_space<vmem>> -> memref<160x80xf32, #tpu.memory_space<vmem>>
      %dma_wait3A_53 = arith.constant 0 : i32
      %dma_wait3A_54 = tpu.memref_slice %arg7[%add3A_37, %dma_wait3A_53] : memref<20480x80xf32, #tpu.memory_space<hbm>> -> memref<160x80xf32, #tpu.memory_space<hbm>>
      %dma_wait3A_55 = arith.constant 0 : i32
      %dma_wait3A_56 = tpu.memref_slice %arg7[%add3A_37, %dma_wait3A_55] : memref<20480x80xf32, #tpu.memory_space<hbm>> -> memref<160x80xf32, #tpu.memory_space<hbm>>
      %dma_wait3A_57 = arith.constant 0 : i32
      %dma_wait3A_58 = arith.constant 0 : i32
      %dma_wait3A_59 = tpu.memref_slice %arg14[%dma_wait3A_57, %dma_wait3A_58] : memref<160x80xf32, #tpu.memory_space<vmem>> -> memref<160x80xf32, #tpu.memory_space<vmem>>
      tpu.wait_dma2 semaphore(%run_scoped3A : memref<!tpu.dma_semaphore, #tpu.memory_space<semaphore_mem>>) src(%dma_wait3A_59 : memref<160x80xf32, #tpu.memory_space<vmem>>) dst(%dma_wait3A_56 : memref<160x80xf32, #tpu.memory_space<hbm>>)
      tpu.yield
    }) : () -> ()
    %add3A_38 = arith.constant 480 : i32
    %add3A_39 = arith.addi %mul3A_8, %add3A_38 : i32
    "tpu.region"() ({
      %run_scoped3A = tpu.sem_alloc : memref<!tpu.dma_semaphore, #tpu.memory_space<semaphore_mem>>
      %dma_start3A = arith.constant 0 : i32
      %dma_start3A_42 = arith.constant 0 : i32
      %dma_start3A_43 = tpu.memref_slice %arg14[%dma_start3A, %dma_start3A_42] : memref<160x80xf32, #tpu.memory_space<vmem>> -> memref<160x80xf32, #tpu.memory_space<vmem>>
      %dma_start3A_44 = arith.constant 0 : i32
      %dma_start3A_45 = tpu.memref_slice %arg15[%add3A_39, %dma_start3A_44] : memref<10240x80xf32, #tpu.memory_space<vmem_shared>> -> memref<160x80xf32, #tpu.memory_space<vmem_shared>>
      %dma_start3A_46 = arith.constant 0 : i32
      %dma_start3A_47 = arith.constant 0 : i32
      %dma_start3A_48 = tpu.memref_slice %arg14[%dma_start3A_46, %dma_start3A_47] : memref<160x80xf32, #tpu.memory_space<vmem>> -> memref<160x80xf32, #tpu.memory_space<vmem>>
      %dma_start3A_49 = arith.constant 0 : i32
      %dma_start3A_50 = tpu.memref_slice %arg15[%add3A_39, %dma_start3A_49] : memref<10240x80xf32, #tpu.memory_space<vmem_shared>> -> memref<160x80xf32, #tpu.memory_space<vmem_shared>>
      tpu.enqueue_dma source(%dma_start3A_50 : memref<160x80xf32, #tpu.memory_space<vmem_shared>>) target(%dma_start3A_48 : memref<160x80xf32, #tpu.memory_space<vmem>>) target_semaphore(%run_scoped3A : memref<!tpu.dma_semaphore, #tpu.memory_space<semaphore_mem>>)
      %dma_wait3A = arith.constant 0 : i32
      %dma_wait3A_51 = arith.constant 0 : i32
      %dma_wait3A_52 = tpu.memref_slice %arg14[%dma_wait3A, %dma_wait3A_51] : memref<160x80xf32, #tpu.memory_space<vmem>> -> memref<160x80xf32, #tpu.memory_space<vmem>>
      %dma_wait3A_53 = arith.constant 0 : i32
      %dma_wait3A_54 = tpu.memref_slice %arg15[%add3A_39, %dma_wait3A_53] : memref<10240x80xf32, #tpu.memory_space<vmem_shared>> -> memref<160x80xf32, #tpu.memory_space<vmem_shared>>
      %dma_wait3A_55 = arith.constant 0 : i32
      %dma_wait3A_56 = arith.constant 0 : i32
      %dma_wait3A_57 = tpu.memref_slice %arg14[%dma_wait3A_55, %dma_wait3A_56] : memref<160x80xf32, #tpu.memory_space<vmem>> -> memref<160x80xf32, #tpu.memory_space<vmem>>
      %dma_wait3A_58 = arith.constant 0 : i32
      %dma_wait3A_59 = tpu.memref_slice %arg15[%add3A_39, %dma_wait3A_58] : memref<10240x80xf32, #tpu.memory_space<vmem_shared>> -> memref<160x80xf32, #tpu.memory_space<vmem_shared>>
      tpu.wait_dma2 semaphore(%run_scoped3A : memref<!tpu.dma_semaphore, #tpu.memory_space<semaphore_mem>>) src(%dma_wait3A_59 : memref<160x80xf32, #tpu.memory_space<vmem_shared>>) dst(%dma_wait3A_57 : memref<160x80xf32, #tpu.memory_space<vmem>>)
      tpu.yield
    }) : () -> ()
    %add3A_40 = arith.constant 480 : i32
    %add3A_41 = arith.addi %add3A_25, %add3A_40 : i32
    "tpu.region"() ({
      %run_scoped3A = tpu.sem_alloc : memref<!tpu.dma_semaphore, #tpu.memory_space<semaphore_mem>>
      %dma_start3A = arith.constant 0 : i32
      %dma_start3A_42 = arith.constant 0 : i32
      %dma_start3A_43 = tpu.memref_slice %arg14[%dma_start3A, %dma_start3A_42] : memref<160x80xf32, #tpu.memory_space<vmem>> -> memref<160x80xf32, #tpu.memory_space<vmem>>
      %dma_start3A_44 = arith.constant 0 : i32
      %dma_start3A_45 = tpu.memref_slice %arg7[%add3A_41, %dma_start3A_44] : memref<20480x80xf32, #tpu.memory_space<hbm>> -> memref<160x80xf32, #tpu.memory_space<hbm>>
      %dma_start3A_46 = arith.constant 0 : i32
      %dma_start3A_47 = tpu.memref_slice %arg7[%add3A_41, %dma_start3A_46] : memref<20480x80xf32, #tpu.memory_space<hbm>> -> memref<160x80xf32, #tpu.memory_space<hbm>>
      %dma_start3A_48 = arith.constant 0 : i32
      %dma_start3A_49 = arith.constant 0 : i32
      %dma_start3A_50 = tpu.memref_slice %arg14[%dma_start3A_48, %dma_start3A_49] : memref<160x80xf32, #tpu.memory_space<vmem>> -> memref<160x80xf32, #tpu.memory_space<vmem>>
      tpu.enqueue_dma source(%dma_start3A_50 : memref<160x80xf32, #tpu.memory_space<vmem>>) target(%dma_start3A_47 : memref<160x80xf32, #tpu.memory_space<hbm>>) target_semaphore(%run_scoped3A : memref<!tpu.dma_semaphore, #tpu.memory_space<semaphore_mem>>)
      %dma_wait3A = arith.constant 0 : i32
      %dma_wait3A_51 = arith.constant 0 : i32
      %dma_wait3A_52 = tpu.memref_slice %arg14[%dma_wait3A, %dma_wait3A_51] : memref<160x80xf32, #tpu.memory_space<vmem>> -> memref<160x80xf32, #tpu.memory_space<vmem>>
      %dma_wait3A_53 = arith.constant 0 : i32
      %dma_wait3A_54 = tpu.memref_slice %arg7[%add3A_41, %dma_wait3A_53] : memref<20480x80xf32, #tpu.memory_space<hbm>> -> memref<160x80xf32, #tpu.memory_space<hbm>>
      %dma_wait3A_55 = arith.constant 0 : i32
      %dma_wait3A_56 = tpu.memref_slice %arg7[%add3A_41, %dma_wait3A_55] : memref<20480x80xf32, #tpu.memory_space<hbm>> -> memref<160x80xf32, #tpu.memory_space<hbm>>
      %dma_wait3A_57 = arith.constant 0 : i32
      %dma_wait3A_58 = arith.constant 0 : i32
      %dma_wait3A_59 = tpu.memref_slice %arg14[%dma_wait3A_57, %dma_wait3A_58] : memref<160x80xf32, #tpu.memory_space<vmem>> -> memref<160x80xf32, #tpu.memory_space<vmem>>
      tpu.wait_dma2 semaphore(%run_scoped3A : memref<!tpu.dma_semaphore, #tpu.memory_space<semaphore_mem>>) src(%dma_wait3A_59 : memref<160x80xf32, #tpu.memory_space<vmem>>) dst(%dma_wait3A_56 : memref<160x80xf32, #tpu.memory_space<hbm>>)
      tpu.yield
    }) : () -> ()
    return
  }
}

#map = affine_map<(d0, d1) -> (0, 0)>
module attributes {stable_mosaic.version = 14 : i64} {
  func.func @k(%arg0: i32, %arg1: i32, %arg2: memref<20000x80xf32, #tpu.memory_space<hbm>>, %arg3: memref<20000x128xf32, #tpu.memory_space<hbm>>, %arg4: memref<320000x16xf32, #tpu.memory_space<hbm>>, %arg5: memref<4000x80xi32, #tpu.memory_space<hbm>>, %arg6: memref<4000x80xi32, #tpu.memory_space<hbm>>, %arg7: memref<20480x80xf32, #tpu.memory_space<hbm>>, %arg8: memref<2x80xi32, #tpu.memory_space<vmem>>, %arg9: memref<2x80xi32, #tpu.memory_space<vmem>>, %arg10: memref<2x80xi32, #tpu.memory_space<vmem>>, %arg11: memref<160x80xf32, #tpu.memory_space<vmem>>, %arg12: memref<160x128xf32, #tpu.memory_space<vmem>>, %arg13: memref<160x16xf32, #tpu.memory_space<vmem>>, %arg14: memref<160x80xf32, #tpu.memory_space<vmem>>, %arg15: memref<10240x80xf32, #tpu.memory_space<vmem_shared>>, %arg16: memref<!tpu.dma_semaphore, #tpu.memory_space<semaphore_mem>>) attributes {dimension_semantics = [#tpu.dimension_semantics<core_parallel>, #tpu.dimension_semantics<subcore_parallel>], iteration_bounds = array<i64: 2, 16>, scalar_prefetch = 0 : i64, scratch_operands = 9 : i64, tpu.core_type = #tpu.core_type<sc_vector_subcore>, window_params = [{transform_indices = #map}, {transform_indices = #map}, {transform_indices = #map}, {transform_indices = #map}, {transform_indices = #map}, {transform_indices = #map}]} {
    %iota3A = tpu.iota {dimensions = array<i32: 0>} : vector<16xi32>
    %broadcast_in_dim3A = arith.constant 0.000000e+00 : f32
    %broadcast_in_dim3A_0 = vector.broadcast %broadcast_in_dim3A : f32 to vector<16xf32>
    %mul3A = arith.constant 10000 : i32
    %mul3A_1 = arith.muli %arg0, %mul3A : i32
    %scan3A = arith.constant 0 : i32
    %scan3A_2 = arith.constant 0 : i32
    %scan3A_3 = arith.constant 160 : i32
    %scan3A_4 = arith.addi %scan3A_2, %scan3A_3 : i32
    %scan3A_5 = arith.constant 1 : i32
    scf.for %scan3A_42 = %scan3A_2 to %scan3A_4 step %scan3A_5  : i32 {
      %swap3A = arith.index_cast %scan3A_42 : i32 to index
      %swap3A_43 = arith.constant 0 : index
      %swap3A_44 = tpu.vector_load %arg14[%swap3A, %swap3A_43] {strides = array<i32>} : memref<160x80xf32, #tpu.memory_space<vmem>>, vector<1x16xf32>,
      %swap3A_45 = vector.shape_cast %swap3A_44 : vector<1x16xf32> to vector<16xf32>
      %swap3A_46 = vector.shape_cast %broadcast_in_dim3A_0 : vector<16xf32> to vector<1x16xf32>
      tpu.vector_store %arg14[%swap3A, %swap3A_43], %swap3A_46 {strides = array<i32>} : memref<160x80xf32, #tpu.memory_space<vmem>>, vector<1x16xf32>,
      %swap3A_47 = arith.index_cast %scan3A_42 : i32 to index
      %swap3A_48 = arith.constant 16 : index
      %swap3A_49 = tpu.vector_load %arg14[%swap3A_47, %swap3A_48] {strides = array<i32>} : memref<160x80xf32, #tpu.memory_space<vmem>>, vector<1x16xf32>,
      %swap3A_50 = vector.shape_cast %swap3A_49 : vector<1x16xf32> to vector<16xf32>
      %swap3A_51 = vector.shape_cast %broadcast_in_dim3A_0 : vector<16xf32> to vector<1x16xf32>
      tpu.vector_store %arg14[%swap3A_47, %swap3A_48], %swap3A_51 {strides = array<i32>} : memref<160x80xf32, #tpu.memory_space<vmem>>, vector<1x16xf32>,
      %swap3A_52 = arith.index_cast %scan3A_42 : i32 to index
      %swap3A_53 = arith.constant 32 : index
      %swap3A_54 = tpu.vector_load %arg14[%swap3A_52, %swap3A_53] {strides = array<i32>} : memref<160x80xf32, #tpu.memory_space<vmem>>, vector<1x16xf32>,
      %swap3A_55 = vector.shape_cast %swap3A_54 : vector<1x16xf32> to vector<16xf32>
      %swap3A_56 = vector.shape_cast %broadcast_in_dim3A_0 : vector<16xf32> to vector<1x16xf32>
      tpu.vector_store %arg14[%swap3A_52, %swap3A_53], %swap3A_56 {strides = array<i32>} : memref<160x80xf32, #tpu.memory_space<vmem>>, vector<1x16xf32>,
      %swap3A_57 = arith.index_cast %scan3A_42 : i32 to index
      %swap3A_58 = arith.constant 48 : index
      %swap3A_59 = tpu.vector_load %arg14[%swap3A_57, %swap3A_58] {strides = array<i32>} : memref<160x80xf32, #tpu.memory_space<vmem>>, vector<1x16xf32>,
      %swap3A_60 = vector.shape_cast %swap3A_59 : vector<1x16xf32> to vector<16xf32>
      %swap3A_61 = vector.shape_cast %broadcast_in_dim3A_0 : vector<16xf32> to vector<1x16xf32>
      tpu.vector_store %arg14[%swap3A_57, %swap3A_58], %swap3A_61 {strides = array<i32>} : memref<160x80xf32, #tpu.memory_space<vmem>>, vector<1x16xf32>,
      %swap3A_62 = arith.index_cast %scan3A_42 : i32 to index
      %swap3A_63 = arith.constant 64 : index
      %swap3A_64 = tpu.vector_load %arg14[%swap3A_62, %swap3A_63] {strides = array<i32>} : memref<160x80xf32, #tpu.memory_space<vmem>>, vector<1x16xf32>,
      %swap3A_65 = vector.shape_cast %swap3A_64 : vector<1x16xf32> to vector<16xf32>
      %swap3A_66 = vector.shape_cast %broadcast_in_dim3A_0 : vector<16xf32> to vector<1x16xf32>
      tpu.vector_store %arg14[%swap3A_62, %swap3A_63], %swap3A_66 {strides = array<i32>} : memref<160x80xf32, #tpu.memory_space<vmem>>, vector<1x16xf32>,
    }
    %scan3A_6 = arith.constant 160 : i32
    %mul3A_7 = arith.constant 640 : i32
    %mul3A_8 = arith.muli %arg1, %mul3A_7 : i32
    %add3A = arith.constant 0 : i32
    %add3A_9 = arith.addi %mul3A_8, %add3A : i32
    "tpu.region"() ({
      %run_scoped3A = tpu.sem_alloc : memref<!tpu.dma_semaphore, #tpu.memory_space<semaphore_mem>>
      %dma_start3A = arith.constant 0 : i32
      %dma_start3A_42 = arith.constant 0 : i32
      %dma_start3A_43 = tpu.memref_slice %arg14[%dma_start3A, %dma_start3A_42] : memref<160x80xf32, #tpu.memory_space<vmem>> -> memref<160x80xf32, #tpu.memory_space<vmem>>
      %dma_start3A_44 = arith.constant 0 : i32
      %dma_start3A_45 = tpu.memref_slice %arg15[%add3A_9, %dma_start3A_44] : memref<10240x80xf32, #tpu.memory_space<vmem_shared>> -> memref<160x80xf32, #tpu.memory_space<vmem_shared>>
      %dma_start3A_46 = arith.constant 0 : i32
      %dma_start3A_47 = tpu.memref_slice %arg15[%add3A_9, %dma_start3A_46] : memref<10240x80xf32, #tpu.memory_space<vmem_shared>> -> memref<160x80xf32, #tpu.memory_space<vmem_shared>>
      %dma_start3A_48 = arith.constant 0 : i32
      %dma_start3A_49 = arith.constant 0 : i32
      %dma_start3A_50 = tpu.memref_slice %arg14[%dma_start3A_48, %dma_start3A_49] : memref<160x80xf32, #tpu.memory_space<vmem>> -> memref<160x80xf32, #tpu.memory_space<vmem>>
      tpu.enqueue_dma source(%dma_start3A_50 : memref<160x80xf32, #tpu.memory_space<vmem>>) target(%dma_start3A_47 : memref<160x80xf32, #tpu.memory_space<vmem_shared>>) target_semaphore(%run_scoped3A : memref<!tpu.dma_semaphore, #tpu.memory_space<semaphore_mem>>)
      %dma_wait3A = arith.constant 0 : i32
      %dma_wait3A_51 = arith.constant 0 : i32
      %dma_wait3A_52 = tpu.memref_slice %arg14[%dma_wait3A, %dma_wait3A_51] : memref<160x80xf32, #tpu.memory_space<vmem>> -> memref<160x80xf32, #tpu.memory_space<vmem>>
      %dma_wait3A_53 = arith.constant 0 : i32
      %dma_wait3A_54 = tpu.memref_slice %arg15[%add3A_9, %dma_wait3A_53] : memref<10240x80xf32, #tpu.memory_space<vmem_shared>> -> memref<160x80xf32, #tpu.memory_space<vmem_shared>>
      %dma_wait3A_55 = arith.constant 0 : i32
      %dma_wait3A_56 = tpu.memref_slice %arg15[%add3A_9, %dma_wait3A_55] : memref<10240x80xf32, #tpu.memory_space<vmem_shared>> -> memref<160x80xf32, #tpu.memory_space<vmem_shared>>
      %dma_wait3A_57 = arith.constant 0 : i32
      %dma_wait3A_58 = arith.constant 0 : i32
      %dma_wait3A_59 = tpu.memref_slice %arg14[%dma_wait3A_57, %dma_wait3A_58] : memref<160x80xf32, #tpu.memory_space<vmem>> -> memref<160x80xf32, #tpu.memory_space<vmem>>
      tpu.wait_dma2 semaphore(%run_scoped3A : memref<!tpu.dma_semaphore, #tpu.memory_space<semaphore_mem>>) src(%dma_wait3A_59 : memref<160x80xf32, #tpu.memory_space<vmem>>) dst(%dma_wait3A_56 : memref<160x80xf32, #tpu.memory_space<vmem_shared>>)
      tpu.yield
    }) : () -> ()
    %add3A_10 = arith.constant 160 : i32
    %add3A_11 = arith.addi %mul3A_8, %add3A_10 : i32
    "tpu.region"() ({
      %run_scoped3A = tpu.sem_alloc : memref<!tpu.dma_semaphore, #tpu.memory_space<semaphore_mem>>
      %dma_start3A = arith.constant 0 : i32
      %dma_start3A_42 = arith.constant 0 : i32
      %dma_start3A_43 = tpu.memref_slice %arg14[%dma_start3A, %dma_start3A_42] : memref<160x80xf32, #tpu.memory_space<vmem>> -> memref<160x80xf32, #tpu.memory_space<vmem>>
      %dma_start3A_44 = arith.constant 0 : i32
      %dma_start3A_45 = tpu.memref_slice %arg15[%add3A_11, %dma_start3A_44] : memref<10240x80xf32, #tpu.memory_space<vmem_shared>> -> memref<160x80xf32, #tpu.memory_space<vmem_shared>>
      %dma_start3A_46 = arith.constant 0 : i32
      %dma_start3A_47 = tpu.memref_slice %arg15[%add3A_11, %dma_start3A_46] : memref<10240x80xf32, #tpu.memory_space<vmem_shared>> -> memref<160x80xf32, #tpu.memory_space<vmem_shared>>
      %dma_start3A_48 = arith.constant 0 : i32
      %dma_start3A_49 = arith.constant 0 : i32
      %dma_start3A_50 = tpu.memref_slice %arg14[%dma_start3A_48, %dma_start3A_49] : memref<160x80xf32, #tpu.memory_space<vmem>> -> memref<160x80xf32, #tpu.memory_space<vmem>>
      tpu.enqueue_dma source(%dma_start3A_50 : memref<160x80xf32, #tpu.memory_space<vmem>>) target(%dma_start3A_47 : memref<160x80xf32, #tpu.memory_space<vmem_shared>>) target_semaphore(%run_scoped3A : memref<!tpu.dma_semaphore, #tpu.memory_space<semaphore_mem>>)
      %dma_wait3A = arith.constant 0 : i32
      %dma_wait3A_51 = arith.constant 0 : i32
      %dma_wait3A_52 = tpu.memref_slice %arg14[%dma_wait3A, %dma_wait3A_51] : memref<160x80xf32, #tpu.memory_space<vmem>> -> memref<160x80xf32, #tpu.memory_space<vmem>>
      %dma_wait3A_53 = arith.constant 0 : i32
      %dma_wait3A_54 = tpu.memref_slice %arg15[%add3A_11, %dma_wait3A_53] : memref<10240x80xf32, #tpu.memory_space<vmem_shared>> -> memref<160x80xf32, #tpu.memory_space<vmem_shared>>
      %dma_wait3A_55 = arith.constant 0 : i32
      %dma_wait3A_56 = tpu.memref_slice %arg15[%add3A_11, %dma_wait3A_55] : memref<10240x80xf32, #tpu.memory_space<vmem_shared>> -> memref<160x80xf32, #tpu.memory_space<vmem_shared>>
      %dma_wait3A_57 = arith.constant 0 : i32
      %dma_wait3A_58 = arith.constant 0 : i32
      %dma_wait3A_59 = tpu.memref_slice %arg14[%dma_wait3A_57, %dma_wait3A_58] : memref<160x80xf32, #tpu.memory_space<vmem>> -> memref<160x80xf32, #tpu.memory_space<vmem>>
      tpu.wait_dma2 semaphore(%run_scoped3A : memref<!tpu.dma_semaphore, #tpu.memory_space<semaphore_mem>>) src(%dma_wait3A_59 : memref<160x80xf32, #tpu.memory_space<vmem>>) dst(%dma_wait3A_56 : memref<160x80xf32, #tpu.memory_space<vmem_shared>>)
      tpu.yield
    }) : () -> ()
    %add3A_12 = arith.constant 320 : i32
    %add3A_13 = arith.addi %mul3A_8, %add3A_12 : i32
    "tpu.region"() ({
      %run_scoped3A = tpu.sem_alloc : memref<!tpu.dma_semaphore, #tpu.memory_space<semaphore_mem>>
      %dma_start3A = arith.constant 0 : i32
      %dma_start3A_42 = arith.constant 0 : i32
      %dma_start3A_43 = tpu.memref_slice %arg14[%dma_start3A, %dma_start3A_42] : memref<160x80xf32, #tpu.memory_space<vmem>> -> memref<160x80xf32, #tpu.memory_space<vmem>>
      %dma_start3A_44 = arith.constant 0 : i32
      %dma_start3A_45 = tpu.memref_slice %arg15[%add3A_13, %dma_start3A_44] : memref<10240x80xf32, #tpu.memory_space<vmem_shared>> -> memref<160x80xf32, #tpu.memory_space<vmem_shared>>
      %dma_start3A_46 = arith.constant 0 : i32
      %dma_start3A_47 = tpu.memref_slice %arg15[%add3A_13, %dma_start3A_46] : memref<10240x80xf32, #tpu.memory_space<vmem_shared>> -> memref<160x80xf32, #tpu.memory_space<vmem_shared>>
      %dma_start3A_48 = arith.constant 0 : i32
      %dma_start3A_49 = arith.constant 0 : i32
      %dma_start3A_50 = tpu.memref_slice %arg14[%dma_start3A_48, %dma_start3A_49] : memref<160x80xf32, #tpu.memory_space<vmem>> -> memref<160x80xf32, #tpu.memory_space<vmem>>
      tpu.enqueue_dma source(%dma_start3A_50 : memref<160x80xf32, #tpu.memory_space<vmem>>) target(%dma_start3A_47 : memref<160x80xf32, #tpu.memory_space<vmem_shared>>) target_semaphore(%run_scoped3A : memref<!tpu.dma_semaphore, #tpu.memory_space<semaphore_mem>>)
      %dma_wait3A = arith.constant 0 : i32
      %dma_wait3A_51 = arith.constant 0 : i32
      %dma_wait3A_52 = tpu.memref_slice %arg14[%dma_wait3A, %dma_wait3A_51] : memref<160x80xf32, #tpu.memory_space<vmem>> -> memref<160x80xf32, #tpu.memory_space<vmem>>
      %dma_wait3A_53 = arith.constant 0 : i32
      %dma_wait3A_54 = tpu.memref_slice %arg15[%add3A_13, %dma_wait3A_53] : memref<10240x80xf32, #tpu.memory_space<vmem_shared>> -> memref<160x80xf32, #tpu.memory_space<vmem_shared>>
      %dma_wait3A_55 = arith.constant 0 : i32
      %dma_wait3A_56 = tpu.memref_slice %arg15[%add3A_13, %dma_wait3A_55] : memref<10240x80xf32, #tpu.memory_space<vmem_shared>> -> memref<160x80xf32, #tpu.memory_space<vmem_shared>>
      %dma_wait3A_57 = arith.constant 0 : i32
      %dma_wait3A_58 = arith.constant 0 : i32
      %dma_wait3A_59 = tpu.memref_slice %arg14[%dma_wait3A_57, %dma_wait3A_58] : memref<160x80xf32, #tpu.memory_space<vmem>> -> memref<160x80xf32, #tpu.memory_space<vmem>>
      tpu.wait_dma2 semaphore(%run_scoped3A : memref<!tpu.dma_semaphore, #tpu.memory_space<semaphore_mem>>) src(%dma_wait3A_59 : memref<160x80xf32, #tpu.memory_space<vmem>>) dst(%dma_wait3A_56 : memref<160x80xf32, #tpu.memory_space<vmem_shared>>)
      tpu.yield
    }) : () -> ()
    %add3A_14 = arith.constant 480 : i32
    %add3A_15 = arith.addi %mul3A_8, %add3A_14 : i32
    "tpu.region"() ({
      %run_scoped3A = tpu.sem_alloc : memref<!tpu.dma_semaphore, #tpu.memory_space<semaphore_mem>>
      %dma_start3A = arith.constant 0 : i32
      %dma_start3A_42 = arith.constant 0 : i32
      %dma_start3A_43 = tpu.memref_slice %arg14[%dma_start3A, %dma_start3A_42] : memref<160x80xf32, #tpu.memory_space<vmem>> -> memref<160x80xf32, #tpu.memory_space<vmem>>
      %dma_start3A_44 = arith.constant 0 : i32
      %dma_start3A_45 = tpu.memref_slice %arg15[%add3A_15, %dma_start3A_44] : memref<10240x80xf32, #tpu.memory_space<vmem_shared>> -> memref<160x80xf32, #tpu.memory_space<vmem_shared>>
      %dma_start3A_46 = arith.constant 0 : i32
      %dma_start3A_47 = tpu.memref_slice %arg15[%add3A_15, %dma_start3A_46] : memref<10240x80xf32, #tpu.memory_space<vmem_shared>> -> memref<160x80xf32, #tpu.memory_space<vmem_shared>>
      %dma_start3A_48 = arith.constant 0 : i32
      %dma_start3A_49 = arith.constant 0 : i32
      %dma_start3A_50 = tpu.memref_slice %arg14[%dma_start3A_48, %dma_start3A_49] : memref<160x80xf32, #tpu.memory_space<vmem>> -> memref<160x80xf32, #tpu.memory_space<vmem>>
      tpu.enqueue_dma source(%dma_start3A_50 : memref<160x80xf32, #tpu.memory_space<vmem>>) target(%dma_start3A_47 : memref<160x80xf32, #tpu.memory_space<vmem_shared>>) target_semaphore(%run_scoped3A : memref<!tpu.dma_semaphore, #tpu.memory_space<semaphore_mem>>)
      %dma_wait3A = arith.constant 0 : i32
      %dma_wait3A_51 = arith.constant 0 : i32
      %dma_wait3A_52 = tpu.memref_slice %arg14[%dma_wait3A, %dma_wait3A_51] : memref<160x80xf32, #tpu.memory_space<vmem>> -> memref<160x80xf32, #tpu.memory_space<vmem>>
      %dma_wait3A_53 = arith.constant 0 : i32
      %dma_wait3A_54 = tpu.memref_slice %arg15[%add3A_15, %dma_wait3A_53] : memref<10240x80xf32, #tpu.memory_space<vmem_shared>> -> memref<160x80xf32, #tpu.memory_space<vmem_shared>>
      %dma_wait3A_55 = arith.constant 0 : i32
      %dma_wait3A_56 = tpu.memref_slice %arg15[%add3A_15, %dma_wait3A_55] : memref<10240x80xf32, #tpu.memory_space<vmem_shared>> -> memref<160x80xf32, #tpu.memory_space<vmem_shared>>
      %dma_wait3A_57 = arith.constant 0 : i32
      %dma_wait3A_58 = arith.constant 0 : i32
      %dma_wait3A_59 = tpu.memref_slice %arg14[%dma_wait3A_57, %dma_wait3A_58] : memref<160x80xf32, #tpu.memory_space<vmem>> -> memref<160x80xf32, #tpu.memory_space<vmem>>
      tpu.wait_dma2 semaphore(%run_scoped3A : memref<!tpu.dma_semaphore, #tpu.memory_space<semaphore_mem>>) src(%dma_wait3A_59 : memref<160x80xf32, #tpu.memory_space<vmem>>) dst(%dma_wait3A_56 : memref<160x80xf32, #tpu.memory_space<vmem_shared>>)
      tpu.yield
    }) : () -> ()
    %barrier3A = arith.constant 0 : index
    tpu.barrier barrier_id(%barrier3A)
    %scan3A_16 = arith.constant 0 : i32
    %scan3A_17 = arith.constant 0 : i32
    %scan3A_18 = arith.constant 125 : i32
    %scan3A_19 = arith.addi %scan3A_17, %scan3A_18 : i32
    %scan3A_20 = arith.constant 1 : i32
    scf.for %scan3A_42 = %scan3A_17 to %scan3A_19 step %scan3A_20  : i32 {
      %mul3A_43 = arith.constant 20000 : i32
      %mul3A_44 = arith.muli %arg1, %mul3A_43 : i32
      %mul3A_45 = arith.constant 160 : i32
      %mul3A_46 = arith.muli %scan3A_42, %mul3A_45 : i32
      %add3A_47 = arith.addi %mul3A_44, %mul3A_46 : i32
      %jit3A = arith.constant 80 : i32
      %div3A = arith.divsi %add3A_47, %jit3A : i32
      %sign3A = arith.constant 0 : i32
      %sign3A_48 = arith.cmpi sgt, %add3A_47, %sign3A : i32
      %sign3A_49 = arith.extui %sign3A_48 : i1 to i32
      %sign3A_50 = arith.constant 0 : i32
      %sign3A_51 = arith.cmpi slt, %add3A_47, %sign3A_50 : i32
      %sign3A_52 = arith.extui %sign3A_51 : i1 to i32
      %sign3A_53 = arith.subi %sign3A_49, %sign3A_52 : i32
      %sign3A_54 = arith.constant 0 : i32
      %sign3A_55 = arith.cmpi sgt, %jit3A, %sign3A_54 : i32
      %sign3A_56 = arith.extui %sign3A_55 : i1 to i32
      %sign3A_57 = arith.constant 0 : i32
      %sign3A_58 = arith.cmpi slt, %jit3A, %sign3A_57 : i32
      %sign3A_59 = arith.extui %sign3A_58 : i1 to i32
      %sign3A_60 = arith.subi %sign3A_56, %sign3A_59 : i32
      %ne3A = arith.cmpi ne, %sign3A_53, %sign3A_60 : i32
      %rem3A = arith.remsi %add3A_47, %jit3A : i32
      %ne3A_61 = arith.constant 0 : i32
      %ne3A_62 = arith.cmpi ne, %rem3A, %ne3A_61 : i32
      %and3A = arith.andi %ne3A, %ne3A_62 : i1
      %sub3A = arith.constant 1 : i32
      %sub3A_63 = arith.subi %div3A, %sub3A : i32
      %select_n3A = arith.select %and3A, %sub3A_63, %div3A : i32
      %dma_start3A = arith.constant 0 : i32
      %dma_start3A_64 = tpu.memref_slice %arg5[%select_n3A, %dma_start3A] : memref<4000x80xi32, #tpu.memory_space<hbm>> -> memref<2x80xi32, #tpu.memory_space<hbm>>
      %dma_start3A_65 = arith.constant 0 : i32
      %dma_start3A_66 = tpu.memref_slice %arg5[%select_n3A, %dma_start3A_65] : memref<4000x80xi32, #tpu.memory_space<hbm>> -> memref<2x80xi32, #tpu.memory_space<hbm>>
      tpu.enqueue_dma source(%dma_start3A_66 : memref<2x80xi32, #tpu.memory_space<hbm>>) target(%arg8 : memref<2x80xi32, #tpu.memory_space<vmem>>) target_semaphore(%arg16 : memref<!tpu.dma_semaphore, #tpu.memory_space<semaphore_mem>>)
      %dma_start3A_67 = arith.constant 0 : i32
      %dma_start3A_68 = tpu.memref_slice %arg6[%select_n3A, %dma_start3A_67] : memref<4000x80xi32, #tpu.memory_space<hbm>> -> memref<2x80xi32, #tpu.memory_space<hbm>>
      %dma_start3A_69 = arith.constant 0 : i32
      %dma_start3A_70 = tpu.memref_slice %arg6[%select_n3A, %dma_start3A_69] : memref<4000x80xi32, #tpu.memory_space<hbm>> -> memref<2x80xi32, #tpu.memory_space<hbm>>
      tpu.enqueue_dma source(%dma_start3A_70 : memref<2x80xi32, #tpu.memory_space<hbm>>) target(%arg10 : memref<2x80xi32, #tpu.memory_space<vmem>>) target_semaphore(%arg16 : memref<!tpu.dma_semaphore, #tpu.memory_space<semaphore_mem>>)
      %dma_start3A_71 = arith.constant 0 : i32
      %dma_start3A_72 = tpu.memref_slice %arg4[%add3A_47, %dma_start3A_71] : memref<320000x16xf32, #tpu.memory_space<hbm>> -> memref<160x16xf32, #tpu.memory_space<hbm>>
      %dma_start3A_73 = arith.constant 0 : i32
      %dma_start3A_74 = tpu.memref_slice %arg4[%add3A_47, %dma_start3A_73] : memref<320000x16xf32, #tpu.memory_space<hbm>> -> memref<160x16xf32, #tpu.memory_space<hbm>>
      tpu.enqueue_dma source(%dma_start3A_74 : memref<160x16xf32, #tpu.memory_space<hbm>>) target(%arg13 : memref<160x16xf32, #tpu.memory_space<vmem>>) target_semaphore(%arg16 : memref<!tpu.dma_semaphore, #tpu.memory_space<semaphore_mem>>)
      %dma_wait3A = arith.constant 0 : i32
      %dma_wait3A_75 = tpu.memref_slice %arg5[%select_n3A, %dma_wait3A] : memref<4000x80xi32, #tpu.memory_space<hbm>> -> memref<2x80xi32, #tpu.memory_space<hbm>>
      %dma_wait3A_76 = arith.constant 0 : i32
      %dma_wait3A_77 = tpu.memref_slice %arg5[%select_n3A, %dma_wait3A_76] : memref<4000x80xi32, #tpu.memory_space<hbm>> -> memref<2x80xi32, #tpu.memory_space<hbm>>
      tpu.wait_dma2 semaphore(%arg16 : memref<!tpu.dma_semaphore, #tpu.memory_space<semaphore_mem>>) src(%dma_wait3A_77 : memref<2x80xi32, #tpu.memory_space<hbm>>) dst(%arg8 : memref<2x80xi32, #tpu.memory_space<vmem>>)
      %dma_wait3A_78 = arith.constant 0 : i32
      %dma_wait3A_79 = tpu.memref_slice %arg6[%select_n3A, %dma_wait3A_78] : memref<4000x80xi32, #tpu.memory_space<hbm>> -> memref<2x80xi32, #tpu.memory_space<hbm>>
      %dma_wait3A_80 = arith.constant 0 : i32
      %dma_wait3A_81 = tpu.memref_slice %arg6[%select_n3A, %dma_wait3A_80] : memref<4000x80xi32, #tpu.memory_space<hbm>> -> memref<2x80xi32, #tpu.memory_space<hbm>>
      tpu.wait_dma2 semaphore(%arg16 : memref<!tpu.dma_semaphore, #tpu.memory_space<semaphore_mem>>) src(%dma_wait3A_81 : memref<2x80xi32, #tpu.memory_space<hbm>>) dst(%arg10 : memref<2x80xi32, #tpu.memory_space<vmem>>)
      %get3A = arith.constant 0 : i32
      %get3A_82 = arith.index_cast %get3A : i32 to index
      %get3A_83 = arith.constant 0 : index
      %get3A_84 = tpu.vector_load %arg8[%get3A_82, %get3A_83] {strides = array<i32>} : memref<2x80xi32, #tpu.memory_space<vmem>>, vector<1x16xi32>,
      %get3A_85 = vector.shape_cast %get3A_84 : vector<1x16xi32> to vector<16xi32>
      %add3A_86 = vector.broadcast %mul3A_1 : i32 to vector<16xi32>
      %add3A_87 = arith.addi %get3A_85, %add3A_86 : vector<16xi32>
      %swap3A = arith.constant 0 : i32
      %swap3A_88 = arith.index_cast %swap3A : i32 to index
      %swap3A_89 = arith.constant 0 : index
      %swap3A_90 = tpu.vector_load %arg8[%swap3A_88, %swap3A_89] {strides = array<i32>} : memref<2x80xi32, #tpu.memory_space<vmem>>, vector<1x16xi32>,
      %swap3A_91 = vector.shape_cast %swap3A_90 : vector<1x16xi32> to vector<16xi32>
      %swap3A_92 = vector.shape_cast %add3A_87 : vector<16xi32> to vector<1x16xi32>
      tpu.vector_store %arg8[%swap3A_88, %swap3A_89], %swap3A_92 {strides = array<i32>} : memref<2x80xi32, #tpu.memory_space<vmem>>, vector<1x16xi32>,
      %get3A_93 = arith.constant 0 : i32
      %get3A_94 = arith.index_cast %get3A_93 : i32 to index
      %get3A_95 = arith.constant 0 : index
      %get3A_96 = tpu.vector_load %arg10[%get3A_94, %get3A_95] {strides = array<i32>} : memref<2x80xi32, #tpu.memory_space<vmem>>, vector<1x16xi32>,
      %get3A_97 = vector.shape_cast %get3A_96 : vector<1x16xi32> to vector<16xi32>
      %add3A_98 = vector.broadcast %mul3A_1 : i32 to vector<16xi32>
      %add3A_99 = arith.addi %get3A_97, %add3A_98 : vector<16xi32>
      %swap3A_100 = arith.constant 0 : i32
      %swap3A_101 = arith.index_cast %swap3A_100 : i32 to index
      %swap3A_102 = arith.constant 0 : index
      %swap3A_103 = tpu.vector_load %arg9[%swap3A_101, %swap3A_102] {strides = array<i32>} : memref<2x80xi32, #tpu.memory_space<vmem>>, vector<1x16xi32>,
      %swap3A_104 = vector.shape_cast %swap3A_103 : vector<1x16xi32> to vector<16xi32>
      %swap3A_105 = vector.shape_cast %add3A_99 : vector<16xi32> to vector<1x16xi32>
      tpu.vector_store %arg9[%swap3A_101, %swap3A_102], %swap3A_105 {strides = array<i32>} : memref<2x80xi32, #tpu.memory_space<vmem>>, vector<1x16xi32>,
      %get3A_106 = arith.constant 0 : i32
      %get3A_107 = arith.index_cast %get3A_106 : i32 to index
      %get3A_108 = arith.constant 16 : index
      %get3A_109 = tpu.vector_load %arg8[%get3A_107, %get3A_108] {strides = array<i32>} : memref<2x80xi32, #tpu.memory_space<vmem>>, vector<1x16xi32>,
      %get3A_110 = vector.shape_cast %get3A_109 : vector<1x16xi32> to vector<16xi32>
      %add3A_111 = vector.broadcast %mul3A_1 : i32 to vector<16xi32>
      %add3A_112 = arith.addi %get3A_110, %add3A_111 : vector<16xi32>
      %swap3A_113 = arith.constant 0 : i32
      %swap3A_114 = arith.index_cast %swap3A_113 : i32 to index
      %swap3A_115 = arith.constant 16 : index
      %swap3A_116 = tpu.vector_load %arg8[%swap3A_114, %swap3A_115] {strides = array<i32>} : memref<2x80xi32, #tpu.memory_space<vmem>>, vector<1x16xi32>,
      %swap3A_117 = vector.shape_cast %swap3A_116 : vector<1x16xi32> to vector<16xi32>
      %swap3A_118 = vector.shape_cast %add3A_112 : vector<16xi32> to vector<1x16xi32>
      tpu.vector_store %arg8[%swap3A_114, %swap3A_115], %swap3A_118 {strides = array<i32>} : memref<2x80xi32, #tpu.memory_space<vmem>>, vector<1x16xi32>,
      %get3A_119 = arith.constant 0 : i32
      %get3A_120 = arith.index_cast %get3A_119 : i32 to index
      %get3A_121 = arith.constant 16 : index
      %get3A_122 = tpu.vector_load %arg10[%get3A_120, %get3A_121] {strides = array<i32>} : memref<2x80xi32, #tpu.memory_space<vmem>>, vector<1x16xi32>,
      %get3A_123 = vector.shape_cast %get3A_122 : vector<1x16xi32> to vector<16xi32>
      %add3A_124 = vector.broadcast %mul3A_1 : i32 to vector<16xi32>
      %add3A_125 = arith.addi %get3A_123, %add3A_124 : vector<16xi32>
      %swap3A_126 = arith.constant 0 : i32
      %swap3A_127 = arith.index_cast %swap3A_126 : i32 to index
      %swap3A_128 = arith.constant 16 : index
      %swap3A_129 = tpu.vector_load %arg9[%swap3A_127, %swap3A_128] {strides = array<i32>} : memref<2x80xi32, #tpu.memory_space<vmem>>, vector<1x16xi32>,
      %swap3A_130 = vector.shape_cast %swap3A_129 : vector<1x16xi32> to vector<16xi32>
      %swap3A_131 = vector.shape_cast %add3A_125 : vector<16xi32> to vector<1x16xi32>
      tpu.vector_store %arg9[%swap3A_127, %swap3A_128], %swap3A_131 {strides = array<i32>} : memref<2x80xi32, #tpu.memory_space<vmem>>, vector<1x16xi32>,
      %get3A_132 = arith.constant 0 : i32
      %get3A_133 = arith.index_cast %get3A_132 : i32 to index
      %get3A_134 = arith.constant 32 : index
      %get3A_135 = tpu.vector_load %arg8[%get3A_133, %get3A_134] {strides = array<i32>} : memref<2x80xi32, #tpu.memory_space<vmem>>, vector<1x16xi32>,
      %get3A_136 = vector.shape_cast %get3A_135 : vector<1x16xi32> to vector<16xi32>
      %add3A_137 = vector.broadcast %mul3A_1 : i32 to vector<16xi32>
      %add3A_138 = arith.addi %get3A_136, %add3A_137 : vector<16xi32>
      %swap3A_139 = arith.constant 0 : i32
      %swap3A_140 = arith.index_cast %swap3A_139 : i32 to index
      %swap3A_141 = arith.constant 32 : index
      %swap3A_142 = tpu.vector_load %arg8[%swap3A_140, %swap3A_141] {strides = array<i32>} : memref<2x80xi32, #tpu.memory_space<vmem>>, vector<1x16xi32>,
      %swap3A_143 = vector.shape_cast %swap3A_142 : vector<1x16xi32> to vector<16xi32>
      %swap3A_144 = vector.shape_cast %add3A_138 : vector<16xi32> to vector<1x16xi32>
      tpu.vector_store %arg8[%swap3A_140, %swap3A_141], %swap3A_144 {strides = array<i32>} : memref<2x80xi32, #tpu.memory_space<vmem>>, vector<1x16xi32>,
      %get3A_145 = arith.constant 0 : i32
      %get3A_146 = arith.index_cast %get3A_145 : i32 to index
      %get3A_147 = arith.constant 32 : index
      %get3A_148 = tpu.vector_load %arg10[%get3A_146, %get3A_147] {strides = array<i32>} : memref<2x80xi32, #tpu.memory_space<vmem>>, vector<1x16xi32>,
      %get3A_149 = vector.shape_cast %get3A_148 : vector<1x16xi32> to vector<16xi32>
      %add3A_150 = vector.broadcast %mul3A_1 : i32 to vector<16xi32>
      %add3A_151 = arith.addi %get3A_149, %add3A_150 : vector<16xi32>
      %swap3A_152 = arith.constant 0 : i32
      %swap3A_153 = arith.index_cast %swap3A_152 : i32 to index
      %swap3A_154 = arith.constant 32 : index
      %swap3A_155 = tpu.vector_load %arg9[%swap3A_153, %swap3A_154] {strides = array<i32>} : memref<2x80xi32, #tpu.memory_space<vmem>>, vector<1x16xi32>,
      %swap3A_156 = vector.shape_cast %swap3A_155 : vector<1x16xi32> to vector<16xi32>
      %swap3A_157 = vector.shape_cast %add3A_151 : vector<16xi32> to vector<1x16xi32>
      tpu.vector_store %arg9[%swap3A_153, %swap3A_154], %swap3A_157 {strides = array<i32>} : memref<2x80xi32, #tpu.memory_space<vmem>>, vector<1x16xi32>,
      %get3A_158 = arith.constant 0 : i32
      %get3A_159 = arith.index_cast %get3A_158 : i32 to index
      %get3A_160 = arith.constant 48 : index
      %get3A_161 = tpu.vector_load %arg8[%get3A_159, %get3A_160] {strides = array<i32>} : memref<2x80xi32, #tpu.memory_space<vmem>>, vector<1x16xi32>,
      %get3A_162 = vector.shape_cast %get3A_161 : vector<1x16xi32> to vector<16xi32>
      %add3A_163 = vector.broadcast %mul3A_1 : i32 to vector<16xi32>
      %add3A_164 = arith.addi %get3A_162, %add3A_163 : vector<16xi32>
      %swap3A_165 = arith.constant 0 : i32
      %swap3A_166 = arith.index_cast %swap3A_165 : i32 to index
      %swap3A_167 = arith.constant 48 : index
      %swap3A_168 = tpu.vector_load %arg8[%swap3A_166, %swap3A_167] {strides = array<i32>} : memref<2x80xi32, #tpu.memory_space<vmem>>, vector<1x16xi32>,
      %swap3A_169 = vector.shape_cast %swap3A_168 : vector<1x16xi32> to vector<16xi32>
      %swap3A_170 = vector.shape_cast %add3A_164 : vector<16xi32> to vector<1x16xi32>
      tpu.vector_store %arg8[%swap3A_166, %swap3A_167], %swap3A_170 {strides = array<i32>} : memref<2x80xi32, #tpu.memory_space<vmem>>, vector<1x16xi32>,
      %get3A_171 = arith.constant 0 : i32
      %get3A_172 = arith.index_cast %get3A_171 : i32 to index
      %get3A_173 = arith.constant 48 : index
      %get3A_174 = tpu.vector_load %arg10[%get3A_172, %get3A_173] {strides = array<i32>} : memref<2x80xi32, #tpu.memory_space<vmem>>, vector<1x16xi32>,
      %get3A_175 = vector.shape_cast %get3A_174 : vector<1x16xi32> to vector<16xi32>
      %add3A_176 = vector.broadcast %mul3A_1 : i32 to vector<16xi32>
      %add3A_177 = arith.addi %get3A_175, %add3A_176 : vector<16xi32>
      %swap3A_178 = arith.constant 0 : i32
      %swap3A_179 = arith.index_cast %swap3A_178 : i32 to index
      %swap3A_180 = arith.constant 48 : index
      %swap3A_181 = tpu.vector_load %arg9[%swap3A_179, %swap3A_180] {strides = array<i32>} : memref<2x80xi32, #tpu.memory_space<vmem>>, vector<1x16xi32>,
      %swap3A_182 = vector.shape_cast %swap3A_181 : vector<1x16xi32> to vector<16xi32>
      %swap3A_183 = vector.shape_cast %add3A_177 : vector<16xi32> to vector<1x16xi32>
      tpu.vector_store %arg9[%swap3A_179, %swap3A_180], %swap3A_183 {strides = array<i32>} : memref<2x80xi32, #tpu.memory_space<vmem>>, vector<1x16xi32>,
      %get3A_184 = arith.constant 0 : i32
      %get3A_185 = arith.index_cast %get3A_184 : i32 to index
      %get3A_186 = arith.constant 64 : index
      %get3A_187 = tpu.vector_load %arg8[%get3A_185, %get3A_186] {strides = array<i32>} : memref<2x80xi32, #tpu.memory_space<vmem>>, vector<1x16xi32>,
      %get3A_188 = vector.shape_cast %get3A_187 : vector<1x16xi32> to vector<16xi32>
      %add3A_189 = vector.broadcast %mul3A_1 : i32 to vector<16xi32>
      %add3A_190 = arith.addi %get3A_188, %add3A_189 : vector<16xi32>
      %swap3A_191 = arith.constant 0 : i32
      %swap3A_192 = arith.index_cast %swap3A_191 : i32 to index
      %swap3A_193 = arith.constant 64 : index
      %swap3A_194 = tpu.vector_load %arg8[%swap3A_192, %swap3A_193] {strides = array<i32>} : memref<2x80xi32, #tpu.memory_space<vmem>>, vector<1x16xi32>,
      %swap3A_195 = vector.shape_cast %swap3A_194 : vector<1x16xi32> to vector<16xi32>
      %swap3A_196 = vector.shape_cast %add3A_190 : vector<16xi32> to vector<1x16xi32>
      tpu.vector_store %arg8[%swap3A_192, %swap3A_193], %swap3A_196 {strides = array<i32>} : memref<2x80xi32, #tpu.memory_space<vmem>>, vector<1x16xi32>,
      %get3A_197 = arith.constant 0 : i32
      %get3A_198 = arith.index_cast %get3A_197 : i32 to index
      %get3A_199 = arith.constant 64 : index
      %get3A_200 = tpu.vector_load %arg10[%get3A_198, %get3A_199] {strides = array<i32>} : memref<2x80xi32, #tpu.memory_space<vmem>>, vector<1x16xi32>,
      %get3A_201 = vector.shape_cast %get3A_200 : vector<1x16xi32> to vector<16xi32>
      %add3A_202 = vector.broadcast %mul3A_1 : i32 to vector<16xi32>
      %add3A_203 = arith.addi %get3A_201, %add3A_202 : vector<16xi32>
      %swap3A_204 = arith.constant 0 : i32
      %swap3A_205 = arith.index_cast %swap3A_204 : i32 to index
      %swap3A_206 = arith.constant 64 : index
      %swap3A_207 = tpu.vector_load %arg9[%swap3A_205, %swap3A_206] {strides = array<i32>} : memref<2x80xi32, #tpu.memory_space<vmem>>, vector<1x16xi32>,
      %swap3A_208 = vector.shape_cast %swap3A_207 : vector<1x16xi32> to vector<16xi32>
      %swap3A_209 = vector.shape_cast %add3A_203 : vector<16xi32> to vector<1x16xi32>
      tpu.vector_store %arg9[%swap3A_205, %swap3A_206], %swap3A_209 {strides = array<i32>} : memref<2x80xi32, #tpu.memory_space<vmem>>, vector<1x16xi32>,
      %get3A_210 = arith.constant 1 : i32
      %get3A_211 = arith.index_cast %get3A_210 : i32 to index
      %get3A_212 = arith.constant 0 : index
      %get3A_213 = tpu.vector_load %arg8[%get3A_211, %get3A_212] {strides = array<i32>} : memref<2x80xi32, #tpu.memory_space<vmem>>, vector<1x16xi32>,
      %get3A_214 = vector.shape_cast %get3A_213 : vector<1x16xi32> to vector<16xi32>
      %add3A_215 = vector.broadcast %mul3A_1 : i32 to vector<16xi32>
      %add3A_216 = arith.addi %get3A_214, %add3A_215 : vector<16xi32>
      %swap3A_217 = arith.constant 1 : i32
      %swap3A_218 = arith.index_cast %swap3A_217 : i32 to index
      %swap3A_219 = arith.constant 0 : index
      %swap3A_220 = tpu.vector_load %arg8[%swap3A_218, %swap3A_219] {strides = array<i32>} : memref<2x80xi32, #tpu.memory_space<vmem>>, vector<1x16xi32>,
      %swap3A_221 = vector.shape_cast %swap3A_220 : vector<1x16xi32> to vector<16xi32>
      %swap3A_222 = vector.shape_cast %add3A_216 : vector<16xi32> to vector<1x16xi32>
      tpu.vector_store %arg8[%swap3A_218, %swap3A_219], %swap3A_222 {strides = array<i32>} : memref<2x80xi32, #tpu.memory_space<vmem>>, vector<1x16xi32>,
      %get3A_223 = arith.constant 1 : i32
      %get3A_224 = arith.index_cast %get3A_223 : i32 to index
      %get3A_225 = arith.constant 0 : index
      %get3A_226 = tpu.vector_load %arg10[%get3A_224, %get3A_225] {strides = array<i32>} : memref<2x80xi32, #tpu.memory_space<vmem>>, vector<1x16xi32>,
      %get3A_227 = vector.shape_cast %get3A_226 : vector<1x16xi32> to vector<16xi32>
      %add3A_228 = vector.broadcast %mul3A_1 : i32 to vector<16xi32>
      %add3A_229 = arith.addi %get3A_227, %add3A_228 : vector<16xi32>
      %swap3A_230 = arith.constant 1 : i32
      %swap3A_231 = arith.index_cast %swap3A_230 : i32 to index
      %swap3A_232 = arith.constant 0 : index
      %swap3A_233 = tpu.vector_load %arg9[%swap3A_231, %swap3A_232] {strides = array<i32>} : memref<2x80xi32, #tpu.memory_space<vmem>>, vector<1x16xi32>,
      %swap3A_234 = vector.shape_cast %swap3A_233 : vector<1x16xi32> to vector<16xi32>
      %swap3A_235 = vector.shape_cast %add3A_229 : vector<16xi32> to vector<1x16xi32>
      tpu.vector_store %arg9[%swap3A_231, %swap3A_232], %swap3A_235 {strides = array<i32>} : memref<2x80xi32, #tpu.memory_space<vmem>>, vector<1x16xi32>,
      %get3A_236 = arith.constant 1 : i32
      %get3A_237 = arith.index_cast %get3A_236 : i32 to index
      %get3A_238 = arith.constant 16 : index
      %get3A_239 = tpu.vector_load %arg8[%get3A_237, %get3A_238] {strides = array<i32>} : memref<2x80xi32, #tpu.memory_space<vmem>>, vector<1x16xi32>,
      %get3A_240 = vector.shape_cast %get3A_239 : vector<1x16xi32> to vector<16xi32>
      %add3A_241 = vector.broadcast %mul3A_1 : i32 to vector<16xi32>
      %add3A_242 = arith.addi %get3A_240, %add3A_241 : vector<16xi32>
      %swap3A_243 = arith.constant 1 : i32
      %swap3A_244 = arith.index_cast %swap3A_243 : i32 to index
      %swap3A_245 = arith.constant 16 : index
      %swap3A_246 = tpu.vector_load %arg8[%swap3A_244, %swap3A_245] {strides = array<i32>} : memref<2x80xi32, #tpu.memory_space<vmem>>, vector<1x16xi32>,
      %swap3A_247 = vector.shape_cast %swap3A_246 : vector<1x16xi32> to vector<16xi32>
      %swap3A_248 = vector.shape_cast %add3A_242 : vector<16xi32> to vector<1x16xi32>
      tpu.vector_store %arg8[%swap3A_244, %swap3A_245], %swap3A_248 {strides = array<i32>} : memref<2x80xi32, #tpu.memory_space<vmem>>, vector<1x16xi32>,
      %get3A_249 = arith.constant 1 : i32
      %get3A_250 = arith.index_cast %get3A_249 : i32 to index
      %get3A_251 = arith.constant 16 : index
      %get3A_252 = tpu.vector_load %arg10[%get3A_250, %get3A_251] {strides = array<i32>} : memref<2x80xi32, #tpu.memory_space<vmem>>, vector<1x16xi32>,
      %get3A_253 = vector.shape_cast %get3A_252 : vector<1x16xi32> to vector<16xi32>
      %add3A_254 = vector.broadcast %mul3A_1 : i32 to vector<16xi32>
      %add3A_255 = arith.addi %get3A_253, %add3A_254 : vector<16xi32>
      %swap3A_256 = arith.constant 1 : i32
      %swap3A_257 = arith.index_cast %swap3A_256 : i32 to index
      %swap3A_258 = arith.constant 16 : index
      %swap3A_259 = tpu.vector_load %arg9[%swap3A_257, %swap3A_258] {strides = array<i32>} : memref<2x80xi32, #tpu.memory_space<vmem>>, vector<1x16xi32>,
      %swap3A_260 = vector.shape_cast %swap3A_259 : vector<1x16xi32> to vector<16xi32>
      %swap3A_261 = vector.shape_cast %add3A_255 : vector<16xi32> to vector<1x16xi32>
      tpu.vector_store %arg9[%swap3A_257, %swap3A_258], %swap3A_261 {strides = array<i32>} : memref<2x80xi32, #tpu.memory_space<vmem>>, vector<1x16xi32>,
      %get3A_262 = arith.constant 1 : i32
      %get3A_263 = arith.index_cast %get3A_262 : i32 to index
      %get3A_264 = arith.constant 32 : index
      %get3A_265 = tpu.vector_load %arg8[%get3A_263, %get3A_264] {strides = array<i32>} : memref<2x80xi32, #tpu.memory_space<vmem>>, vector<1x16xi32>,
      %get3A_266 = vector.shape_cast %get3A_265 : vector<1x16xi32> to vector<16xi32>
      %add3A_267 = vector.broadcast %mul3A_1 : i32 to vector<16xi32>
      %add3A_268 = arith.addi %get3A_266, %add3A_267 : vector<16xi32>
      %swap3A_269 = arith.constant 1 : i32
      %swap3A_270 = arith.index_cast %swap3A_269 : i32 to index
      %swap3A_271 = arith.constant 32 : index
      %swap3A_272 = tpu.vector_load %arg8[%swap3A_270, %swap3A_271] {strides = array<i32>} : memref<2x80xi32, #tpu.memory_space<vmem>>, vector<1x16xi32>,
      %swap3A_273 = vector.shape_cast %swap3A_272 : vector<1x16xi32> to vector<16xi32>
      %swap3A_274 = vector.shape_cast %add3A_268 : vector<16xi32> to vector<1x16xi32>
      tpu.vector_store %arg8[%swap3A_270, %swap3A_271], %swap3A_274 {strides = array<i32>} : memref<2x80xi32, #tpu.memory_space<vmem>>, vector<1x16xi32>,
      %get3A_275 = arith.constant 1 : i32
      %get3A_276 = arith.index_cast %get3A_275 : i32 to index
      %get3A_277 = arith.constant 32 : index
      %get3A_278 = tpu.vector_load %arg10[%get3A_276, %get3A_277] {strides = array<i32>} : memref<2x80xi32, #tpu.memory_space<vmem>>, vector<1x16xi32>,
      %get3A_279 = vector.shape_cast %get3A_278 : vector<1x16xi32> to vector<16xi32>
      %add3A_280 = vector.broadcast %mul3A_1 : i32 to vector<16xi32>
      %add3A_281 = arith.addi %get3A_279, %add3A_280 : vector<16xi32>
      %swap3A_282 = arith.constant 1 : i32
      %swap3A_283 = arith.index_cast %swap3A_282 : i32 to index
      %swap3A_284 = arith.constant 32 : index
      %swap3A_285 = tpu.vector_load %arg9[%swap3A_283, %swap3A_284] {strides = array<i32>} : memref<2x80xi32, #tpu.memory_space<vmem>>, vector<1x16xi32>,
      %swap3A_286 = vector.shape_cast %swap3A_285 : vector<1x16xi32> to vector<16xi32>
      %swap3A_287 = vector.shape_cast %add3A_281 : vector<16xi32> to vector<1x16xi32>
      tpu.vector_store %arg9[%swap3A_283, %swap3A_284], %swap3A_287 {strides = array<i32>} : memref<2x80xi32, #tpu.memory_space<vmem>>, vector<1x16xi32>,
      %get3A_288 = arith.constant 1 : i32
      %get3A_289 = arith.index_cast %get3A_288 : i32 to index
      %get3A_290 = arith.constant 48 : index
      %get3A_291 = tpu.vector_load %arg8[%get3A_289, %get3A_290] {strides = array<i32>} : memref<2x80xi32, #tpu.memory_space<vmem>>, vector<1x16xi32>,
      %get3A_292 = vector.shape_cast %get3A_291 : vector<1x16xi32> to vector<16xi32>
      %add3A_293 = vector.broadcast %mul3A_1 : i32 to vector<16xi32>
      %add3A_294 = arith.addi %get3A_292, %add3A_293 : vector<16xi32>
      %swap3A_295 = arith.constant 1 : i32
      %swap3A_296 = arith.index_cast %swap3A_295 : i32 to index
      %swap3A_297 = arith.constant 48 : index
      %swap3A_298 = tpu.vector_load %arg8[%swap3A_296, %swap3A_297] {strides = array<i32>} : memref<2x80xi32, #tpu.memory_space<vmem>>, vector<1x16xi32>,
      %swap3A_299 = vector.shape_cast %swap3A_298 : vector<1x16xi32> to vector<16xi32>
      %swap3A_300 = vector.shape_cast %add3A_294 : vector<16xi32> to vector<1x16xi32>
      tpu.vector_store %arg8[%swap3A_296, %swap3A_297], %swap3A_300 {strides = array<i32>} : memref<2x80xi32, #tpu.memory_space<vmem>>, vector<1x16xi32>,
      %get3A_301 = arith.constant 1 : i32
      %get3A_302 = arith.index_cast %get3A_301 : i32 to index
      %get3A_303 = arith.constant 48 : index
      %get3A_304 = tpu.vector_load %arg10[%get3A_302, %get3A_303] {strides = array<i32>} : memref<2x80xi32, #tpu.memory_space<vmem>>, vector<1x16xi32>,
      %get3A_305 = vector.shape_cast %get3A_304 : vector<1x16xi32> to vector<16xi32>
      %add3A_306 = vector.broadcast %mul3A_1 : i32 to vector<16xi32>
      %add3A_307 = arith.addi %get3A_305, %add3A_306 : vector<16xi32>
      %swap3A_308 = arith.constant 1 : i32
      %swap3A_309 = arith.index_cast %swap3A_308 : i32 to index
      %swap3A_310 = arith.constant 48 : index
      %swap3A_311 = tpu.vector_load %arg9[%swap3A_309, %swap3A_310] {strides = array<i32>} : memref<2x80xi32, #tpu.memory_space<vmem>>, vector<1x16xi32>,
      %swap3A_312 = vector.shape_cast %swap3A_311 : vector<1x16xi32> to vector<16xi32>
      %swap3A_313 = vector.shape_cast %add3A_307 : vector<16xi32> to vector<1x16xi32>
      tpu.vector_store %arg9[%swap3A_309, %swap3A_310], %swap3A_313 {strides = array<i32>} : memref<2x80xi32, #tpu.memory_space<vmem>>, vector<1x16xi32>,
      %get3A_314 = arith.constant 1 : i32
      %get3A_315 = arith.index_cast %get3A_314 : i32 to index
      %get3A_316 = arith.constant 64 : index
      %get3A_317 = tpu.vector_load %arg8[%get3A_315, %get3A_316] {strides = array<i32>} : memref<2x80xi32, #tpu.memory_space<vmem>>, vector<1x16xi32>,
      %get3A_318 = vector.shape_cast %get3A_317 : vector<1x16xi32> to vector<16xi32>
      %add3A_319 = vector.broadcast %mul3A_1 : i32 to vector<16xi32>
      %add3A_320 = arith.addi %get3A_318, %add3A_319 : vector<16xi32>
      %swap3A_321 = arith.constant 1 : i32
      %swap3A_322 = arith.index_cast %swap3A_321 : i32 to index
      %swap3A_323 = arith.constant 64 : index
      %swap3A_324 = tpu.vector_load %arg8[%swap3A_322, %swap3A_323] {strides = array<i32>} : memref<2x80xi32, #tpu.memory_space<vmem>>, vector<1x16xi32>,
      %swap3A_325 = vector.shape_cast %swap3A_324 : vector<1x16xi32> to vector<16xi32>
      %swap3A_326 = vector.shape_cast %add3A_320 : vector<16xi32> to vector<1x16xi32>
      tpu.vector_store %arg8[%swap3A_322, %swap3A_323], %swap3A_326 {strides = array<i32>} : memref<2x80xi32, #tpu.memory_space<vmem>>, vector<1x16xi32>,
      %get3A_327 = arith.constant 1 : i32
      %get3A_328 = arith.index_cast %get3A_327 : i32 to index
      %get3A_329 = arith.constant 64 : index
      %get3A_330 = tpu.vector_load %arg10[%get3A_328, %get3A_329] {strides = array<i32>} : memref<2x80xi32, #tpu.memory_space<vmem>>, vector<1x16xi32>,
      %get3A_331 = vector.shape_cast %get3A_330 : vector<1x16xi32> to vector<16xi32>
      %add3A_332 = vector.broadcast %mul3A_1 : i32 to vector<16xi32>
      %add3A_333 = arith.addi %get3A_331, %add3A_332 : vector<16xi32>
      %swap3A_334 = arith.constant 1 : i32
      %swap3A_335 = arith.index_cast %swap3A_334 : i32 to index
      %swap3A_336 = arith.constant 64 : index
      %swap3A_337 = tpu.vector_load %arg9[%swap3A_335, %swap3A_336] {strides = array<i32>} : memref<2x80xi32, #tpu.memory_space<vmem>>, vector<1x16xi32>,
      %swap3A_338 = vector.shape_cast %swap3A_337 : vector<1x16xi32> to vector<16xi32>
      %swap3A_339 = vector.shape_cast %add3A_333 : vector<16xi32> to vector<1x16xi32>
      tpu.vector_store %arg9[%swap3A_335, %swap3A_336], %swap3A_339 {strides = array<i32>} : memref<2x80xi32, #tpu.memory_space<vmem>>, vector<1x16xi32>,
      %dma_start3A_340 = arith.constant 0 : i32
      %dma_start3A_341 = arith.constant 0 : i32
      %dma_start3A_342 = arith.constant 0 : i32
      %dma_start3A_343 = tpu.memref_slice %arg11[%dma_start3A_341, %dma_start3A_342] : memref<160x80xf32, #tpu.memory_space<vmem>> -> memref<80x80xf32, #tpu.memory_space<vmem>>
      %dma_start3A_344 = arith.constant 0 : i32
      %dma_start3A_345 = tpu.memref_slice %arg9[%dma_start3A_340, %dma_start3A_344] : memref<2x80xi32, #tpu.memory_space<vmem>> -> memref<1x80xi32, #tpu.memory_space<vmem>>
      %dma_start3A_346 = tpu.memref_squeeze %dma_start3A_345 : memref<1x80xi32, #tpu.memory_space<vmem>> -> memref<80xi32, #tpu.memory_space<vmem>>
      %dma_start3A_347 = arith.constant 0 : i32
      %dma_start3A_348 = arith.constant 0 : i32
      %dma_start3A_349 = tpu.memref_slice %arg2[%dma_start3A_347, %dma_start3A_348] : memref<20000x80xf32, #tpu.memory_space<hbm>> -> memref<20000x80xf32, #tpu.memory_space<hbm>>
      tpu.enqueue_indirect_dma source(%dma_start3A_349 : memref<20000x80xf32, #tpu.memory_space<hbm>>) target(%dma_start3A_343 : memref<80x80xf32, #tpu.memory_space<vmem>>) offsets(%dma_start3A_346 : memref<80xi32, #tpu.memory_space<vmem>>) semaphore(%arg16 : memref<!tpu.dma_semaphore, #tpu.memory_space<semaphore_mem>>)
      %dma_start3A_350 = arith.constant 0 : i32
      %dma_start3A_351 = arith.constant 0 : i32
      %dma_start3A_352 = arith.constant 0 : i32
      %dma_start3A_353 = tpu.memref_slice %arg12[%dma_start3A_351, %dma_start3A_352] : memref<160x128xf32, #tpu.memory_space<vmem>> -> memref<80x128xf32, #tpu.memory_space<vmem>>
      %dma_start3A_354 = arith.constant 0 : i32
      %dma_start3A_355 = tpu.memref_slice %arg8[%dma_start3A_350, %dma_start3A_354] : memref<2x80xi32, #tpu.memory_space<vmem>> -> memref<1x80xi32, #tpu.memory_space<vmem>>
      %dma_start3A_356 = tpu.memref_squeeze %dma_start3A_355 : memref<1x80xi32, #tpu.memory_space<vmem>> -> memref<80xi32, #tpu.memory_space<vmem>>
      %dma_start3A_357 = arith.constant 0 : i32
      %dma_start3A_358 = arith.constant 0 : i32
      %dma_start3A_359 = tpu.memref_slice %arg3[%dma_start3A_357, %dma_start3A_358] : memref<20000x128xf32, #tpu.memory_space<hbm>> -> memref<20000x128xf32, #tpu.memory_space<hbm>>
      tpu.enqueue_indirect_dma source(%dma_start3A_359 : memref<20000x128xf32, #tpu.memory_space<hbm>>) target(%dma_start3A_353 : memref<80x128xf32, #tpu.memory_space<vmem>>) offsets(%dma_start3A_356 : memref<80xi32, #tpu.memory_space<vmem>>) semaphore(%arg16 : memref<!tpu.dma_semaphore, #tpu.memory_space<semaphore_mem>>)
      %dma_start3A_360 = arith.constant 1 : i32
      %dma_start3A_361 = arith.constant 80 : i32
      %dma_start3A_362 = arith.constant 0 : i32
      %dma_start3A_363 = tpu.memref_slice %arg11[%dma_start3A_361, %dma_start3A_362] : memref<160x80xf32, #tpu.memory_space<vmem>> -> memref<80x80xf32, #tpu.memory_space<vmem>>
      %dma_start3A_364 = arith.constant 0 : i32
      %dma_start3A_365 = tpu.memref_slice %arg9[%dma_start3A_360, %dma_start3A_364] : memref<2x80xi32, #tpu.memory_space<vmem>> -> memref<1x80xi32, #tpu.memory_space<vmem>>
      %dma_start3A_366 = tpu.memref_squeeze %dma_start3A_365 : memref<1x80xi32, #tpu.memory_space<vmem>> -> memref<80xi32, #tpu.memory_space<vmem>>
      %dma_start3A_367 = arith.constant 0 : i32
      %dma_start3A_368 = arith.constant 0 : i32
      %dma_start3A_369 = tpu.memref_slice %arg2[%dma_start3A_367, %dma_start3A_368] : memref<20000x80xf32, #tpu.memory_space<hbm>> -> memref<20000x80xf32, #tpu.memory_space<hbm>>
      tpu.enqueue_indirect_dma source(%dma_start3A_369 : memref<20000x80xf32, #tpu.memory_space<hbm>>) target(%dma_start3A_363 : memref<80x80xf32, #tpu.memory_space<vmem>>) offsets(%dma_start3A_366 : memref<80xi32, #tpu.memory_space<vmem>>) semaphore(%arg16 : memref<!tpu.dma_semaphore, #tpu.memory_space<semaphore_mem>>)
      %dma_start3A_370 = arith.constant 1 : i32
      %dma_start3A_371 = arith.constant 80 : i32
      %dma_start3A_372 = arith.constant 0 : i32
      %dma_start3A_373 = tpu.memref_slice %arg12[%dma_start3A_371, %dma_start3A_372] : memref<160x128xf32, #tpu.memory_space<vmem>> -> memref<80x128xf32, #tpu.memory_space<vmem>>
      %dma_start3A_374 = arith.constant 0 : i32
      %dma_start3A_375 = tpu.memref_slice %arg8[%dma_start3A_370, %dma_start3A_374] : memref<2x80xi32, #tpu.memory_space<vmem>> -> memref<1x80xi32, #tpu.memory_space<vmem>>
      %dma_start3A_376 = tpu.memref_squeeze %dma_start3A_375 : memref<1x80xi32, #tpu.memory_space<vmem>> -> memref<80xi32, #tpu.memory_space<vmem>>
      %dma_start3A_377 = arith.constant 0 : i32
      %dma_start3A_378 = arith.constant 0 : i32
      %dma_start3A_379 = tpu.memref_slice %arg3[%dma_start3A_377, %dma_start3A_378] : memref<20000x128xf32, #tpu.memory_space<hbm>> -> memref<20000x128xf32, #tpu.memory_space<hbm>>
      tpu.enqueue_indirect_dma source(%dma_start3A_379 : memref<20000x128xf32, #tpu.memory_space<hbm>>) target(%dma_start3A_373 : memref<80x128xf32, #tpu.memory_space<vmem>>) offsets(%dma_start3A_376 : memref<80xi32, #tpu.memory_space<vmem>>) semaphore(%arg16 : memref<!tpu.dma_semaphore, #tpu.memory_space<semaphore_mem>>)
      %dma_wait3A_380 = arith.constant 0 : i32
      %dma_wait3A_381 = tpu.memref_slice %arg4[%add3A_47, %dma_wait3A_380] : memref<320000x16xf32, #tpu.memory_space<hbm>> -> memref<160x16xf32, #tpu.memory_space<hbm>>
      %dma_wait3A_382 = arith.constant 0 : i32
      %dma_wait3A_383 = tpu.memref_slice %arg4[%add3A_47, %dma_wait3A_382] : memref<320000x16xf32, #tpu.memory_space<hbm>> -> memref<160x16xf32, #tpu.memory_space<hbm>>
      tpu.wait_dma2 semaphore(%arg16 : memref<!tpu.dma_semaphore, #tpu.memory_space<semaphore_mem>>) src(%dma_wait3A_383 : memref<160x16xf32, #tpu.memory_space<hbm>>) dst(%arg13 : memref<160x16xf32, #tpu.memory_space<vmem>>)
      %dma_wait3A_384 = arith.constant 0 : i32
      %dma_wait3A_385 = arith.constant 0 : i32
      %dma_wait3A_386 = arith.constant 0 : i32
      %dma_wait3A_387 = tpu.memref_slice %arg11[%dma_wait3A_385, %dma_wait3A_386] : memref<160x80xf32, #tpu.memory_space<vmem>> -> memref<80x80xf32, #tpu.memory_space<vmem>>
      %dma_wait3A_388 = arith.constant 0 : i32
      %dma_wait3A_389 = tpu.memref_slice %arg9[%dma_wait3A_384, %dma_wait3A_388] : memref<2x80xi32, #tpu.memory_space<vmem>> -> memref<1x80xi32, #tpu.memory_space<vmem>>
      %dma_wait3A_390 = tpu.memref_squeeze %dma_wait3A_389 : memref<1x80xi32, #tpu.memory_space<vmem>> -> memref<80xi32, #tpu.memory_space<vmem>>
      %dma_wait3A_391 = arith.constant 0 : i32
      %dma_wait3A_392 = arith.constant 0 : i32
      %dma_wait3A_393 = tpu.memref_slice %arg2[%dma_wait3A_391, %dma_wait3A_392] : memref<20000x80xf32, #tpu.memory_space<hbm>> -> memref<20000x80xf32, #tpu.memory_space<hbm>>
      tpu.wait_indirect_dma semaphore(%arg16 : memref<!tpu.dma_semaphore, #tpu.memory_space<semaphore_mem>>) src(%dma_wait3A_393 : memref<20000x80xf32, #tpu.memory_space<hbm>>) dst(%dma_wait3A_387 : memref<80x80xf32, #tpu.memory_space<vmem>>)
      %dma_wait3A_394 = arith.constant 0 : i32
      %dma_wait3A_395 = arith.constant 0 : i32
      %dma_wait3A_396 = arith.constant 0 : i32
      %dma_wait3A_397 = tpu.memref_slice %arg12[%dma_wait3A_395, %dma_wait3A_396] : memref<160x128xf32, #tpu.memory_space<vmem>> -> memref<80x128xf32, #tpu.memory_space<vmem>>
      %dma_wait3A_398 = arith.constant 0 : i32
      %dma_wait3A_399 = tpu.memref_slice %arg8[%dma_wait3A_394, %dma_wait3A_398] : memref<2x80xi32, #tpu.memory_space<vmem>> -> memref<1x80xi32, #tpu.memory_space<vmem>>
      %dma_wait3A_400 = tpu.memref_squeeze %dma_wait3A_399 : memref<1x80xi32, #tpu.memory_space<vmem>> -> memref<80xi32, #tpu.memory_space<vmem>>
      %dma_wait3A_401 = arith.constant 0 : i32
      %dma_wait3A_402 = arith.constant 0 : i32
      %dma_wait3A_403 = tpu.memref_slice %arg3[%dma_wait3A_401, %dma_wait3A_402] : memref<20000x128xf32, #tpu.memory_space<hbm>> -> memref<20000x128xf32, #tpu.memory_space<hbm>>
      tpu.wait_indirect_dma semaphore(%arg16 : memref<!tpu.dma_semaphore, #tpu.memory_space<semaphore_mem>>) src(%dma_wait3A_403 : memref<20000x128xf32, #tpu.memory_space<hbm>>) dst(%dma_wait3A_397 : memref<80x128xf32, #tpu.memory_space<vmem>>)
      %dma_wait3A_404 = arith.constant 1 : i32
      %dma_wait3A_405 = arith.constant 80 : i32
      %dma_wait3A_406 = arith.constant 0 : i32
      %dma_wait3A_407 = tpu.memref_slice %arg11[%dma_wait3A_405, %dma_wait3A_406] : memref<160x80xf32, #tpu.memory_space<vmem>> -> memref<80x80xf32, #tpu.memory_space<vmem>>
      %dma_wait3A_408 = arith.constant 0 : i32
      %dma_wait3A_409 = tpu.memref_slice %arg9[%dma_wait3A_404, %dma_wait3A_408] : memref<2x80xi32, #tpu.memory_space<vmem>> -> memref<1x80xi32, #tpu.memory_space<vmem>>
      %dma_wait3A_410 = tpu.memref_squeeze %dma_wait3A_409 : memref<1x80xi32, #tpu.memory_space<vmem>> -> memref<80xi32, #tpu.memory_space<vmem>>
      %dma_wait3A_411 = arith.constant 0 : i32
      %dma_wait3A_412 = arith.constant 0 : i32
      %dma_wait3A_413 = tpu.memref_slice %arg2[%dma_wait3A_411, %dma_wait3A_412] : memref<20000x80xf32, #tpu.memory_space<hbm>> -> memref<20000x80xf32, #tpu.memory_space<hbm>>
      tpu.wait_indirect_dma semaphore(%arg16 : memref<!tpu.dma_semaphore, #tpu.memory_space<semaphore_mem>>) src(%dma_wait3A_413 : memref<20000x80xf32, #tpu.memory_space<hbm>>) dst(%dma_wait3A_407 : memref<80x80xf32, #tpu.memory_space<vmem>>)
      %dma_wait3A_414 = arith.constant 1 : i32
      %dma_wait3A_415 = arith.constant 80 : i32
      %dma_wait3A_416 = arith.constant 0 : i32
      %dma_wait3A_417 = tpu.memref_slice %arg12[%dma_wait3A_415, %dma_wait3A_416] : memref<160x128xf32, #tpu.memory_space<vmem>> -> memref<80x128xf32, #tpu.memory_space<vmem>>
      %dma_wait3A_418 = arith.constant 0 : i32
      %dma_wait3A_419 = tpu.memref_slice %arg8[%dma_wait3A_414, %dma_wait3A_418] : memref<2x80xi32, #tpu.memory_space<vmem>> -> memref<1x80xi32, #tpu.memory_space<vmem>>
      %dma_wait3A_420 = tpu.memref_squeeze %dma_wait3A_419 : memref<1x80xi32, #tpu.memory_space<vmem>> -> memref<80xi32, #tpu.memory_space<vmem>>
      %dma_wait3A_421 = arith.constant 0 : i32
      %dma_wait3A_422 = arith.constant 0 : i32
      %dma_wait3A_423 = tpu.memref_slice %arg3[%dma_wait3A_421, %dma_wait3A_422] : memref<20000x128xf32, #tpu.memory_space<hbm>> -> memref<20000x128xf32, #tpu.memory_space<hbm>>
      tpu.wait_indirect_dma semaphore(%arg16 : memref<!tpu.dma_semaphore, #tpu.memory_space<semaphore_mem>>) src(%dma_wait3A_423 : memref<20000x128xf32, #tpu.memory_space<hbm>>) dst(%dma_wait3A_417 : memref<80x128xf32, #tpu.memory_space<vmem>>)
      %scan3A_424 = arith.constant 0 : i32
      %scan3A_425 = arith.constant 0 : i32
      %scan3A_426 = arith.constant 160 : i32
      %scan3A_427 = arith.addi %scan3A_425, %scan3A_426 : i32
      %scan3A_428 = arith.constant 1 : i32
      scf.for %scan3A_470 = %scan3A_425 to %scan3A_427 step %scan3A_428  : i32 {
        %get3A_471 = arith.index_cast %scan3A_470 : i32 to index
        %get3A_472 = arith.constant 0 : index
        %get3A_473 = tpu.vector_load %arg11[%get3A_471, %get3A_472] {strides = array<i32>} : memref<160x80xf32, #tpu.memory_space<vmem>>, vector<1x16xf32>,
        %get3A_474 = vector.shape_cast %get3A_473 : vector<1x16xf32> to vector<16xf32>
        %get3A_475 = arith.index_cast %scan3A_470 : i32 to index
        %get3A_476 = arith.constant 0 : index
        %get3A_477 = tpu.vector_load %arg12[%get3A_475, %get3A_476] {strides = array<i32>} : memref<160x128xf32, #tpu.memory_space<vmem>>, vector<1x16xf32>,
        %get3A_478 = vector.shape_cast %get3A_477 : vector<1x16xf32> to vector<16xf32>
        %mul3A_479 = arith.mulf %get3A_474, %get3A_478 : vector<16xf32>
        %get3A_480 = arith.index_cast %scan3A_470 : i32 to index
        %get3A_481 = arith.constant 16 : index
        %get3A_482 = tpu.vector_load %arg11[%get3A_480, %get3A_481] {strides = array<i32>} : memref<160x80xf32, #tpu.memory_space<vmem>>, vector<1x16xf32>,
        %get3A_483 = vector.shape_cast %get3A_482 : vector<1x16xf32> to vector<16xf32>
        %get3A_484 = arith.index_cast %scan3A_470 : i32 to index
        %get3A_485 = arith.constant 16 : index
        %get3A_486 = tpu.vector_load %arg12[%get3A_484, %get3A_485] {strides = array<i32>} : memref<160x128xf32, #tpu.memory_space<vmem>>, vector<1x16xf32>,
        %get3A_487 = vector.shape_cast %get3A_486 : vector<1x16xf32> to vector<16xf32>
        %mul3A_488 = arith.mulf %get3A_483, %get3A_487 : vector<16xf32>
        %add3A_489 = arith.addf %mul3A_479, %mul3A_488 : vector<16xf32>
        %get3A_490 = arith.index_cast %scan3A_470 : i32 to index
        %get3A_491 = arith.constant 32 : index
        %get3A_492 = tpu.vector_load %arg11[%get3A_490, %get3A_491] {strides = array<i32>} : memref<160x80xf32, #tpu.memory_space<vmem>>, vector<1x16xf32>,
        %get3A_493 = vector.shape_cast %get3A_492 : vector<1x16xf32> to vector<16xf32>
        %get3A_494 = arith.index_cast %scan3A_470 : i32 to index
        %get3A_495 = arith.constant 32 : index
        %get3A_496 = tpu.vector_load %arg12[%get3A_494, %get3A_495] {strides = array<i32>} : memref<160x128xf32, #tpu.memory_space<vmem>>, vector<1x16xf32>,
        %get3A_497 = vector.shape_cast %get3A_496 : vector<1x16xf32> to vector<16xf32>
        %mul3A_498 = arith.mulf %get3A_493, %get3A_497 : vector<16xf32>
        %add3A_499 = arith.addf %add3A_489, %mul3A_498 : vector<16xf32>
        %get3A_500 = arith.index_cast %scan3A_470 : i32 to index
        %get3A_501 = arith.constant 48 : index
        %get3A_502 = tpu.vector_load %arg11[%get3A_500, %get3A_501] {strides = array<i32>} : memref<160x80xf32, #tpu.memory_space<vmem>>, vector<1x16xf32>,
        %get3A_503 = vector.shape_cast %get3A_502 : vector<1x16xf32> to vector<16xf32>
        %get3A_504 = arith.index_cast %scan3A_470 : i32 to index
        %get3A_505 = arith.constant 48 : index
        %get3A_506 = tpu.vector_load %arg12[%get3A_504, %get3A_505] {strides = array<i32>} : memref<160x128xf32, #tpu.memory_space<vmem>>, vector<1x16xf32>,
        %get3A_507 = vector.shape_cast %get3A_506 : vector<1x16xf32> to vector<16xf32>
        %mul3A_508 = arith.mulf %get3A_503, %get3A_507 : vector<16xf32>
        %add3A_509 = arith.addf %add3A_499, %mul3A_508 : vector<16xf32>
        %get3A_510 = arith.index_cast %scan3A_470 : i32 to index
        %get3A_511 = arith.constant 0 : index
        %get3A_512 = tpu.vector_load %arg13[%get3A_510, %get3A_511] {strides = array<i32>} : memref<160x16xf32, #tpu.memory_space<vmem>>, vector<1x16xf32>,
        %get3A_513 = vector.shape_cast %get3A_512 : vector<1x16xf32> to vector<16xf32>
        %get3A_514 = arith.index_cast %scan3A_470 : i32 to index
        %get3A_515 = arith.constant 64 : index
        %get3A_516 = tpu.vector_load %arg11[%get3A_514, %get3A_515] {strides = array<i32>} : memref<160x80xf32, #tpu.memory_space<vmem>>, vector<1x16xf32>,
        %get3A_517 = vector.shape_cast %get3A_516 : vector<1x16xf32> to vector<16xf32>
        %mul3A_518 = arith.mulf %get3A_517, %get3A_513 : vector<16xf32>
        %lt3A = arith.constant 4 : i32
        %lt3A_519 = vector.broadcast %lt3A : i32 to vector<16xi32>
        %lt3A_520 = arith.cmpi slt, %iota3A, %lt3A_519 : vector<16xi32>
        %jit3A_521 = arith.constant 0.000000e+00 : f32
        %broadcast_in_dim3A_522 = vector.broadcast %jit3A_521 : f32 to vector<16xf32>
        %select_n3A_523 = arith.select %lt3A_520, %mul3A_518, %broadcast_in_dim3A_522 : vector<16xi1>, vector<16xf32>
        %add3A_524 = arith.addf %add3A_509, %select_n3A_523 : vector<16xf32>
        %xor3A = arith.constant 8 : i32
        %xor3A_525 = vector.broadcast %xor3A : i32 to vector<16xi32>
        %xor3A_526 = arith.xori %iota3A, %xor3A_525 : vector<16xi32>
        %broadcast_in_dim3A_527 = vector.shape_cast %xor3A_526 : vector<16xi32> to vector<16x1xi32>
        %gather3A = vector.shape_cast %broadcast_in_dim3A_527 : vector<16x1xi32> to vector<16xi32>
        %gather3A_528 = tpu.dynamic_gather %add3A_524[%gather3A] in [0] : vector<16xf32>, vector<16xi32> -> vector<16xf32>
        %add3A_529 = arith.addf %add3A_524, %gather3A_528 : vector<16xf32>
        %xor3A_530 = arith.constant 4 : i32
        %xor3A_531 = vector.broadcast %xor3A_530 : i32 to vector<16xi32>
        %xor3A_532 = arith.xori %iota3A, %xor3A_531 : vector<16xi32>
        %broadcast_in_dim3A_533 = vector.shape_cast %xor3A_532 : vector<16xi32> to vector<16x1xi32>
        %gather3A_534 = vector.shape_cast %broadcast_in_dim3A_533 : vector<16x1xi32> to vector<16xi32>
        %gather3A_535 = tpu.dynamic_gather %add3A_529[%gather3A_534] in [0] : vector<16xf32>, vector<16xi32> -> vector<16xf32>
        %add3A_536 = arith.addf %add3A_529, %gather3A_535 : vector<16xf32>
        %xor3A_537 = arith.constant 2 : i32
        %xor3A_538 = vector.broadcast %xor3A_537 : i32 to vector<16xi32>
        %xor3A_539 = arith.xori %iota3A, %xor3A_538 : vector<16xi32>
        %broadcast_in_dim3A_540 = vector.shape_cast %xor3A_539 : vector<16xi32> to vector<16x1xi32>
        %gather3A_541 = vector.shape_cast %broadcast_in_dim3A_540 : vector<16x1xi32> to vector<16xi32>
        %gather3A_542 = tpu.dynamic_gather %add3A_536[%gather3A_541] in [0] : vector<16xf32>, vector<16xi32> -> vector<16xf32>
        %add3A_543 = arith.addf %add3A_536, %gather3A_542 : vector<16xf32>
        %xor3A_544 = arith.constant 1 : i32
        %xor3A_545 = vector.broadcast %xor3A_544 : i32 to vector<16xi32>
        %xor3A_546 = arith.xori %iota3A, %xor3A_545 : vector<16xi32>
        %broadcast_in_dim3A_547 = vector.shape_cast %xor3A_546 : vector<16xi32> to vector<16x1xi32>
        %gather3A_548 = vector.shape_cast %broadcast_in_dim3A_547 : vector<16x1xi32> to vector<16xi32>
        %gather3A_549 = tpu.dynamic_gather %add3A_543[%gather3A_548] in [0] : vector<16xf32>, vector<16xi32> -> vector<16xf32>
        %add3A_550 = arith.addf %add3A_543, %gather3A_549 : vector<16xf32>
        %mul3A_551 = arith.constant 1.250000e-01 : f32
        %mul3A_552 = vector.broadcast %mul3A_551 : f32 to vector<16xf32>
        %mul3A_553 = arith.mulf %add3A_550, %mul3A_552 : vector<16xf32>
        %exp3A = math.exp %mul3A_553 : vector<16xf32>
        %get3A_554 = arith.index_cast %scan3A_470 : i32 to index
        %get3A_555 = arith.constant 64 : index
        %get3A_556 = tpu.vector_load %arg12[%get3A_554, %get3A_555] {strides = array<i32>} : memref<160x128xf32, #tpu.memory_space<vmem>>, vector<1x16xf32>,
        %get3A_557 = vector.shape_cast %get3A_556 : vector<1x16xf32> to vector<16xf32>
        %mul3A_558 = arith.mulf %exp3A, %get3A_557 : vector<16xf32>
        %swap3A_559 = arith.index_cast %scan3A_470 : i32 to index
        %swap3A_560 = arith.constant 0 : index
        %swap3A_561 = tpu.vector_load %arg14[%swap3A_559, %swap3A_560] {strides = array<i32>} : memref<160x80xf32, #tpu.memory_space<vmem>>, vector<1x16xf32>,
        %swap3A_562 = vector.shape_cast %swap3A_561 : vector<1x16xf32> to vector<16xf32>
        %swap3A_563 = vector.shape_cast %mul3A_558 : vector<16xf32> to vector<1x16xf32>
        tpu.vector_store %arg14[%swap3A_559, %swap3A_560], %swap3A_563 {strides = array<i32>} : memref<160x80xf32, #tpu.memory_space<vmem>>, vector<1x16xf32>,
        %get3A_564 = arith.index_cast %scan3A_470 : i32 to index
        %get3A_565 = arith.constant 80 : index
        %get3A_566 = tpu.vector_load %arg12[%get3A_564, %get3A_565] {strides = array<i32>} : memref<160x128xf32, #tpu.memory_space<vmem>>, vector<1x16xf32>,
        %get3A_567 = vector.shape_cast %get3A_566 : vector<1x16xf32> to vector<16xf32>
        %mul3A_568 = arith.mulf %exp3A, %get3A_567 : vector<16xf32>
        %swap3A_569 = arith.index_cast %scan3A_470 : i32 to index
        %swap3A_570 = arith.constant 16 : index
        %swap3A_571 = tpu.vector_load %arg14[%swap3A_569, %swap3A_570] {strides = array<i32>} : memref<160x80xf32, #tpu.memory_space<vmem>>, vector<1x16xf32>,
        %swap3A_572 = vector.shape_cast %swap3A_571 : vector<1x16xf32> to vector<16xf32>
        %swap3A_573 = vector.shape_cast %mul3A_568 : vector<16xf32> to vector<1x16xf32>
        tpu.vector_store %arg14[%swap3A_569, %swap3A_570], %swap3A_573 {strides = array<i32>} : memref<160x80xf32, #tpu.memory_space<vmem>>, vector<1x16xf32>,
        %get3A_574 = arith.index_cast %scan3A_470 : i32 to index
        %get3A_575 = arith.constant 96 : index
        %get3A_576 = tpu.vector_load %arg12[%get3A_574, %get3A_575] {strides = array<i32>} : memref<160x128xf32, #tpu.memory_space<vmem>>, vector<1x16xf32>,
        %get3A_577 = vector.shape_cast %get3A_576 : vector<1x16xf32> to vector<16xf32>
        %mul3A_578 = arith.mulf %exp3A, %get3A_577 : vector<16xf32>
        %swap3A_579 = arith.index_cast %scan3A_470 : i32 to index
        %swap3A_580 = arith.constant 32 : index
        %swap3A_581 = tpu.vector_load %arg14[%swap3A_579, %swap3A_580] {strides = array<i32>} : memref<160x80xf32, #tpu.memory_space<vmem>>, vector<1x16xf32>,
        %swap3A_582 = vector.shape_cast %swap3A_581 : vector<1x16xf32> to vector<16xf32>
        %swap3A_583 = vector.shape_cast %mul3A_578 : vector<16xf32> to vector<1x16xf32>
        tpu.vector_store %arg14[%swap3A_579, %swap3A_580], %swap3A_583 {strides = array<i32>} : memref<160x80xf32, #tpu.memory_space<vmem>>, vector<1x16xf32>,
        %get3A_584 = arith.index_cast %scan3A_470 : i32 to index
        %get3A_585 = arith.constant 112 : index
        %get3A_586 = tpu.vector_load %arg12[%get3A_584, %get3A_585] {strides = array<i32>} : memref<160x128xf32, #tpu.memory_space<vmem>>, vector<1x16xf32>,
        %get3A_587 = vector.shape_cast %get3A_586 : vector<1x16xf32> to vector<16xf32>
        %mul3A_588 = arith.mulf %exp3A, %get3A_587 : vector<16xf32>
        %swap3A_589 = arith.index_cast %scan3A_470 : i32 to index
        %swap3A_590 = arith.constant 48 : index
        %swap3A_591 = tpu.vector_load %arg14[%swap3A_589, %swap3A_590] {strides = array<i32>} : memref<160x80xf32, #tpu.memory_space<vmem>>, vector<1x16xf32>,
        %swap3A_592 = vector.shape_cast %swap3A_591 : vector<1x16xf32> to vector<16xf32>
        %swap3A_593 = vector.shape_cast %mul3A_588 : vector<16xf32> to vector<1x16xf32>
        tpu.vector_store %arg14[%swap3A_589, %swap3A_590], %swap3A_593 {strides = array<i32>} : memref<160x80xf32, #tpu.memory_space<vmem>>, vector<1x16xf32>,
        %lt3A_594 = arith.constant 4 : i32
        %lt3A_595 = vector.broadcast %lt3A_594 : i32 to vector<16xi32>
        %lt3A_596 = arith.cmpi slt, %iota3A, %lt3A_595 : vector<16xi32>
        %jit3A_597 = arith.constant 0.000000e+00 : f32
        %broadcast_in_dim3A_598 = vector.broadcast %jit3A_597 : f32 to vector<16xf32>
        %select_n3A_599 = arith.select %lt3A_596, %exp3A, %broadcast_in_dim3A_598 : vector<16xi1>, vector<16xf32>
        %mul3A_600 = arith.mulf %get3A_513, %select_n3A_599 : vector<16xf32>
        %eq3A = arith.constant 8 : i32
        %eq3A_601 = vector.broadcast %eq3A : i32 to vector<16xi32>
        %eq3A_602 = arith.cmpi eq, %iota3A, %eq3A_601 : vector<16xi32>
        %jit3A_603 = arith.constant 0.000000e+00 : f32
        %broadcast_in_dim3A_604 = vector.broadcast %jit3A_603 : f32 to vector<16xf32>
        %select_n3A_605 = arith.select %eq3A_602, %exp3A, %broadcast_in_dim3A_604 : vector<16xi1>, vector<16xf32>
        %add3A_606 = arith.addf %mul3A_600, %select_n3A_605 : vector<16xf32>
        %swap3A_607 = arith.index_cast %scan3A_470 : i32 to index
        %swap3A_608 = arith.constant 64 : index
        %swap3A_609 = tpu.vector_load %arg14[%swap3A_607, %swap3A_608] {strides = array<i32>} : memref<160x80xf32, #tpu.memory_space<vmem>>, vector<1x16xf32>,
        %swap3A_610 = vector.shape_cast %swap3A_609 : vector<1x16xf32> to vector<16xf32>
        %swap3A_611 = vector.shape_cast %add3A_606 : vector<16xf32> to vector<1x16xf32>
        tpu.vector_store %arg14[%swap3A_607, %swap3A_608], %swap3A_611 {strides = array<i32>} : memref<160x80xf32, #tpu.memory_space<vmem>>, vector<1x16xf32>,
      }
      %scan3A_429 = arith.constant 160 : i32
      %dma_start3A_430 = arith.constant 0 : i32
      %dma_start3A_431 = arith.constant 0 : i32
      %dma_start3A_432 = arith.constant 0 : i32
      %dma_start3A_433 = tpu.memref_slice %arg14[%dma_start3A_431, %dma_start3A_432] : memref<160x80xf32, #tpu.memory_space<vmem>> -> memref<80x80xf32, #tpu.memory_space<vmem>>
      %dma_start3A_434 = arith.constant 0 : i32
      %dma_start3A_435 = tpu.memref_slice %arg10[%dma_start3A_430, %dma_start3A_434] : memref<2x80xi32, #tpu.memory_space<vmem>> -> memref<1x80xi32, #tpu.memory_space<vmem>>
      %dma_start3A_436 = tpu.memref_squeeze %dma_start3A_435 : memref<1x80xi32, #tpu.memory_space<vmem>> -> memref<80xi32, #tpu.memory_space<vmem>>
      %dma_start3A_437 = arith.constant 0 : i32
      %dma_start3A_438 = arith.constant 0 : i32
      %dma_start3A_439 = tpu.memref_slice %arg15[%dma_start3A_437, %dma_start3A_438] : memref<10240x80xf32, #tpu.memory_space<vmem_shared>> -> memref<10240x80xf32, #tpu.memory_space<vmem_shared>>
      tpu.enqueue_indirect_dma source(%dma_start3A_433 : memref<80x80xf32, #tpu.memory_space<vmem>>) target(%dma_start3A_439 : memref<10240x80xf32, #tpu.memory_space<vmem_shared>>) offsets(%dma_start3A_436 : memref<80xi32, #tpu.memory_space<vmem>>) semaphore(%arg16 : memref<!tpu.dma_semaphore, #tpu.memory_space<semaphore_mem>>) {add = true}
      %dma_start3A_440 = arith.constant 1 : i32
      %dma_start3A_441 = arith.constant 80 : i32
      %dma_start3A_442 = arith.constant 0 : i32
      %dma_start3A_443 = tpu.memref_slice %arg14[%dma_start3A_441, %dma_start3A_442] : memref<160x80xf32, #tpu.memory_space<vmem>> -> memref<80x80xf32, #tpu.memory_space<vmem>>
      %dma_start3A_444 = arith.constant 0 : i32
      %dma_start3A_445 = tpu.memref_slice %arg10[%dma_start3A_440, %dma_start3A_444] : memref<2x80xi32, #tpu.memory_space<vmem>> -> memref<1x80xi32, #tpu.memory_space<vmem>>
      %dma_start3A_446 = tpu.memref_squeeze %dma_start3A_445 : memref<1x80xi32, #tpu.memory_space<vmem>> -> memref<80xi32, #tpu.memory_space<vmem>>
      %dma_start3A_447 = arith.constant 0 : i32
      %dma_start3A_448 = arith.constant 0 : i32
      %dma_start3A_449 = tpu.memref_slice %arg15[%dma_start3A_447, %dma_start3A_448] : memref<10240x80xf32, #tpu.memory_space<vmem_shared>> -> memref<10240x80xf32, #tpu.memory_space<vmem_shared>>
      tpu.enqueue_indirect_dma source(%dma_start3A_443 : memref<80x80xf32, #tpu.memory_space<vmem>>) target(%dma_start3A_449 : memref<10240x80xf32, #tpu.memory_space<vmem_shared>>) offsets(%dma_start3A_446 : memref<80xi32, #tpu.memory_space<vmem>>) semaphore(%arg16 : memref<!tpu.dma_semaphore, #tpu.memory_space<semaphore_mem>>) {add = true}
      %dma_wait3A_450 = arith.constant 0 : i32
      %dma_wait3A_451 = arith.constant 0 : i32
      %dma_wait3A_452 = arith.constant 0 : i32
      %dma_wait3A_453 = tpu.memref_slice %arg14[%dma_wait3A_451, %dma_wait3A_452] : memref<160x80xf32, #tpu.memory_space<vmem>> -> memref<80x80xf32, #tpu.memory_space<vmem>>
      %dma_wait3A_454 = arith.constant 0 : i32
      %dma_wait3A_455 = tpu.memref_slice %arg10[%dma_wait3A_450, %dma_wait3A_454] : memref<2x80xi32, #tpu.memory_space<vmem>> -> memref<1x80xi32, #tpu.memory_space<vmem>>
      %dma_wait3A_456 = tpu.memref_squeeze %dma_wait3A_455 : memref<1x80xi32, #tpu.memory_space<vmem>> -> memref<80xi32, #tpu.memory_space<vmem>>
      %dma_wait3A_457 = arith.constant 0 : i32
      %dma_wait3A_458 = arith.constant 0 : i32
      %dma_wait3A_459 = tpu.memref_slice %arg15[%dma_wait3A_457, %dma_wait3A_458] : memref<10240x80xf32, #tpu.memory_space<vmem_shared>> -> memref<10240x80xf32, #tpu.memory_space<vmem_shared>>
      tpu.wait_indirect_dma semaphore(%arg16 : memref<!tpu.dma_semaphore, #tpu.memory_space<semaphore_mem>>) src(%dma_wait3A_453 : memref<80x80xf32, #tpu.memory_space<vmem>>) dst(%dma_wait3A_459 : memref<10240x80xf32, #tpu.memory_space<vmem_shared>>)
      %dma_wait3A_460 = arith.constant 1 : i32
      %dma_wait3A_461 = arith.constant 80 : i32
      %dma_wait3A_462 = arith.constant 0 : i32
      %dma_wait3A_463 = tpu.memref_slice %arg14[%dma_wait3A_461, %dma_wait3A_462] : memref<160x80xf32, #tpu.memory_space<vmem>> -> memref<80x80xf32, #tpu.memory_space<vmem>>
      %dma_wait3A_464 = arith.constant 0 : i32
      %dma_wait3A_465 = tpu.memref_slice %arg10[%dma_wait3A_460, %dma_wait3A_464] : memref<2x80xi32, #tpu.memory_space<vmem>> -> memref<1x80xi32, #tpu.memory_space<vmem>>
      %dma_wait3A_466 = tpu.memref_squeeze %dma_wait3A_465 : memref<1x80xi32, #tpu.memory_space<vmem>> -> memref<80xi32, #tpu.memory_space<vmem>>
      %dma_wait3A_467 = arith.constant 0 : i32
      %dma_wait3A_468 = arith.constant 0 : i32
      %dma_wait3A_469 = tpu.memref_slice %arg15[%dma_wait3A_467, %dma_wait3A_468] : memref<10240x80xf32, #tpu.memory_space<vmem_shared>> -> memref<10240x80xf32, #tpu.memory_space<vmem_shared>>
      tpu.wait_indirect_dma semaphore(%arg16 : memref<!tpu.dma_semaphore, #tpu.memory_space<semaphore_mem>>) src(%dma_wait3A_463 : memref<80x80xf32, #tpu.memory_space<vmem>>) dst(%dma_wait3A_469 : memref<10240x80xf32, #tpu.memory_space<vmem_shared>>)
    }
    %scan3A_21 = arith.constant 125 : i32
    %barrier3A_22 = arith.constant 0 : index
    tpu.barrier barrier_id(%barrier3A_22)
    %mul3A_23 = arith.constant 10240 : i32
    %mul3A_24 = arith.muli %arg0, %mul3A_23 : i32
    %add3A_25 = arith.addi %mul3A_24, %mul3A_8 : i32
    %add3A_26 = arith.constant 0 : i32
    %add3A_27 = arith.addi %mul3A_8, %add3A_26 : i32
    "tpu.region"() ({
      %run_scoped3A = tpu.sem_alloc : memref<!tpu.dma_semaphore, #tpu.memory_space<semaphore_mem>>
      %dma_start3A = arith.constant 0 : i32
      %dma_start3A_42 = arith.constant 0 : i32
      %dma_start3A_43 = tpu.memref_slice %arg14[%dma_start3A, %dma_start3A_42] : memref<160x80xf32, #tpu.memory_space<vmem>> -> memref<160x80xf32, #tpu.memory_space<vmem>>
      %dma_start3A_44 = arith.constant 0 : i32
      %dma_start3A_45 = tpu.memref_slice %arg15[%add3A_27, %dma_start3A_44] : memref<10240x80xf32, #tpu.memory_space<vmem_shared>> -> memref<160x80xf32, #tpu.memory_space<vmem_shared>>
      %dma_start3A_46 = arith.constant 0 : i32
      %dma_start3A_47 = arith.constant 0 : i32
      %dma_start3A_48 = tpu.memref_slice %arg14[%dma_start3A_46, %dma_start3A_47] : memref<160x80xf32, #tpu.memory_space<vmem>> -> memref<160x80xf32, #tpu.memory_space<vmem>>
      %dma_start3A_49 = arith.constant 0 : i32
      %dma_start3A_50 = tpu.memref_slice %arg15[%add3A_27, %dma_start3A_49] : memref<10240x80xf32, #tpu.memory_space<vmem_shared>> -> memref<160x80xf32, #tpu.memory_space<vmem_shared>>
      tpu.enqueue_dma source(%dma_start3A_50 : memref<160x80xf32, #tpu.memory_space<vmem_shared>>) target(%dma_start3A_48 : memref<160x80xf32, #tpu.memory_space<vmem>>) target_semaphore(%run_scoped3A : memref<!tpu.dma_semaphore, #tpu.memory_space<semaphore_mem>>)
      %dma_wait3A = arith.constant 0 : i32
      %dma_wait3A_51 = arith.constant 0 : i32
      %dma_wait3A_52 = tpu.memref_slice %arg14[%dma_wait3A, %dma_wait3A_51] : memref<160x80xf32, #tpu.memory_space<vmem>> -> memref<160x80xf32, #tpu.memory_space<vmem>>
      %dma_wait3A_53 = arith.constant 0 : i32
      %dma_wait3A_54 = tpu.memref_slice %arg15[%add3A_27, %dma_wait3A_53] : memref<10240x80xf32, #tpu.memory_space<vmem_shared>> -> memref<160x80xf32, #tpu.memory_space<vmem_shared>>
      %dma_wait3A_55 = arith.constant 0 : i32
      %dma_wait3A_56 = arith.constant 0 : i32
      %dma_wait3A_57 = tpu.memref_slice %arg14[%dma_wait3A_55, %dma_wait3A_56] : memref<160x80xf32, #tpu.memory_space<vmem>> -> memref<160x80xf32, #tpu.memory_space<vmem>>
      %dma_wait3A_58 = arith.constant 0 : i32
      %dma_wait3A_59 = tpu.memref_slice %arg15[%add3A_27, %dma_wait3A_58] : memref<10240x80xf32, #tpu.memory_space<vmem_shared>> -> memref<160x80xf32, #tpu.memory_space<vmem_shared>>
      tpu.wait_dma2 semaphore(%run_scoped3A : memref<!tpu.dma_semaphore, #tpu.memory_space<semaphore_mem>>) src(%dma_wait3A_59 : memref<160x80xf32, #tpu.memory_space<vmem_shared>>) dst(%dma_wait3A_57 : memref<160x80xf32, #tpu.memory_space<vmem>>)
      tpu.yield
    }) : () -> ()
    %add3A_28 = arith.constant 0 : i32
    %add3A_29 = arith.addi %add3A_25, %add3A_28 : i32
    "tpu.region"() ({
      %run_scoped3A = tpu.sem_alloc : memref<!tpu.dma_semaphore, #tpu.memory_space<semaphore_mem>>
      %dma_start3A = arith.constant 0 : i32
      %dma_start3A_42 = arith.constant 0 : i32
      %dma_start3A_43 = tpu.memref_slice %arg14[%dma_start3A, %dma_start3A_42] : memref<160x80xf32, #tpu.memory_space<vmem>> -> memref<160x80xf32, #tpu.memory_space<vmem>>
      %dma_start3A_44 = arith.constant 0 : i32
      %dma_start3A_45 = tpu.memref_slice %arg7[%add3A_29, %dma_start3A_44] : memref<20480x80xf32, #tpu.memory_space<hbm>> -> memref<160x80xf32, #tpu.memory_space<hbm>>
      %dma_start3A_46 = arith.constant 0 : i32
      %dma_start3A_47 = tpu.memref_slice %arg7[%add3A_29, %dma_start3A_46] : memref<20480x80xf32, #tpu.memory_space<hbm>> -> memref<160x80xf32, #tpu.memory_space<hbm>>
      %dma_start3A_48 = arith.constant 0 : i32
      %dma_start3A_49 = arith.constant 0 : i32
      %dma_start3A_50 = tpu.memref_slice %arg14[%dma_start3A_48, %dma_start3A_49] : memref<160x80xf32, #tpu.memory_space<vmem>> -> memref<160x80xf32, #tpu.memory_space<vmem>>
      tpu.enqueue_dma source(%dma_start3A_50 : memref<160x80xf32, #tpu.memory_space<vmem>>) target(%dma_start3A_47 : memref<160x80xf32, #tpu.memory_space<hbm>>) target_semaphore(%run_scoped3A : memref<!tpu.dma_semaphore, #tpu.memory_space<semaphore_mem>>)
      %dma_wait3A = arith.constant 0 : i32
      %dma_wait3A_51 = arith.constant 0 : i32
      %dma_wait3A_52 = tpu.memref_slice %arg14[%dma_wait3A, %dma_wait3A_51] : memref<160x80xf32, #tpu.memory_space<vmem>> -> memref<160x80xf32, #tpu.memory_space<vmem>>
      %dma_wait3A_53 = arith.constant 0 : i32
      %dma_wait3A_54 = tpu.memref_slice %arg7[%add3A_29, %dma_wait3A_53] : memref<20480x80xf32, #tpu.memory_space<hbm>> -> memref<160x80xf32, #tpu.memory_space<hbm>>
      %dma_wait3A_55 = arith.constant 0 : i32
      %dma_wait3A_56 = tpu.memref_slice %arg7[%add3A_29, %dma_wait3A_55] : memref<20480x80xf32, #tpu.memory_space<hbm>> -> memref<160x80xf32, #tpu.memory_space<hbm>>
      %dma_wait3A_57 = arith.constant 0 : i32
      %dma_wait3A_58 = arith.constant 0 : i32
      %dma_wait3A_59 = tpu.memref_slice %arg14[%dma_wait3A_57, %dma_wait3A_58] : memref<160x80xf32, #tpu.memory_space<vmem>> -> memref<160x80xf32, #tpu.memory_space<vmem>>
      tpu.wait_dma2 semaphore(%run_scoped3A : memref<!tpu.dma_semaphore, #tpu.memory_space<semaphore_mem>>) src(%dma_wait3A_59 : memref<160x80xf32, #tpu.memory_space<vmem>>) dst(%dma_wait3A_56 : memref<160x80xf32, #tpu.memory_space<hbm>>)
      tpu.yield
    }) : () -> ()
    %add3A_30 = arith.constant 160 : i32
    %add3A_31 = arith.addi %mul3A_8, %add3A_30 : i32
    "tpu.region"() ({
      %run_scoped3A = tpu.sem_alloc : memref<!tpu.dma_semaphore, #tpu.memory_space<semaphore_mem>>
      %dma_start3A = arith.constant 0 : i32
      %dma_start3A_42 = arith.constant 0 : i32
      %dma_start3A_43 = tpu.memref_slice %arg14[%dma_start3A, %dma_start3A_42] : memref<160x80xf32, #tpu.memory_space<vmem>> -> memref<160x80xf32, #tpu.memory_space<vmem>>
      %dma_start3A_44 = arith.constant 0 : i32
      %dma_start3A_45 = tpu.memref_slice %arg15[%add3A_31, %dma_start3A_44] : memref<10240x80xf32, #tpu.memory_space<vmem_shared>> -> memref<160x80xf32, #tpu.memory_space<vmem_shared>>
      %dma_start3A_46 = arith.constant 0 : i32
      %dma_start3A_47 = arith.constant 0 : i32
      %dma_start3A_48 = tpu.memref_slice %arg14[%dma_start3A_46, %dma_start3A_47] : memref<160x80xf32, #tpu.memory_space<vmem>> -> memref<160x80xf32, #tpu.memory_space<vmem>>
      %dma_start3A_49 = arith.constant 0 : i32
      %dma_start3A_50 = tpu.memref_slice %arg15[%add3A_31, %dma_start3A_49] : memref<10240x80xf32, #tpu.memory_space<vmem_shared>> -> memref<160x80xf32, #tpu.memory_space<vmem_shared>>
      tpu.enqueue_dma source(%dma_start3A_50 : memref<160x80xf32, #tpu.memory_space<vmem_shared>>) target(%dma_start3A_48 : memref<160x80xf32, #tpu.memory_space<vmem>>) target_semaphore(%run_scoped3A : memref<!tpu.dma_semaphore, #tpu.memory_space<semaphore_mem>>)
      %dma_wait3A = arith.constant 0 : i32
      %dma_wait3A_51 = arith.constant 0 : i32
      %dma_wait3A_52 = tpu.memref_slice %arg14[%dma_wait3A, %dma_wait3A_51] : memref<160x80xf32, #tpu.memory_space<vmem>> -> memref<160x80xf32, #tpu.memory_space<vmem>>
      %dma_wait3A_53 = arith.constant 0 : i32
      %dma_wait3A_54 = tpu.memref_slice %arg15[%add3A_31, %dma_wait3A_53] : memref<10240x80xf32, #tpu.memory_space<vmem_shared>> -> memref<160x80xf32, #tpu.memory_space<vmem_shared>>
      %dma_wait3A_55 = arith.constant 0 : i32
      %dma_wait3A_56 = arith.constant 0 : i32
      %dma_wait3A_57 = tpu.memref_slice %arg14[%dma_wait3A_55, %dma_wait3A_56] : memref<160x80xf32, #tpu.memory_space<vmem>> -> memref<160x80xf32, #tpu.memory_space<vmem>>
      %dma_wait3A_58 = arith.constant 0 : i32
      %dma_wait3A_59 = tpu.memref_slice %arg15[%add3A_31, %dma_wait3A_58] : memref<10240x80xf32, #tpu.memory_space<vmem_shared>> -> memref<160x80xf32, #tpu.memory_space<vmem_shared>>
      tpu.wait_dma2 semaphore(%run_scoped3A : memref<!tpu.dma_semaphore, #tpu.memory_space<semaphore_mem>>) src(%dma_wait3A_59 : memref<160x80xf32, #tpu.memory_space<vmem_shared>>) dst(%dma_wait3A_57 : memref<160x80xf32, #tpu.memory_space<vmem>>)
      tpu.yield
    }) : () -> ()
    %add3A_32 = arith.constant 160 : i32
    %add3A_33 = arith.addi %add3A_25, %add3A_32 : i32
    "tpu.region"() ({
      %run_scoped3A = tpu.sem_alloc : memref<!tpu.dma_semaphore, #tpu.memory_space<semaphore_mem>>
      %dma_start3A = arith.constant 0 : i32
      %dma_start3A_42 = arith.constant 0 : i32
      %dma_start3A_43 = tpu.memref_slice %arg14[%dma_start3A, %dma_start3A_42] : memref<160x80xf32, #tpu.memory_space<vmem>> -> memref<160x80xf32, #tpu.memory_space<vmem>>
      %dma_start3A_44 = arith.constant 0 : i32
      %dma_start3A_45 = tpu.memref_slice %arg7[%add3A_33, %dma_start3A_44] : memref<20480x80xf32, #tpu.memory_space<hbm>> -> memref<160x80xf32, #tpu.memory_space<hbm>>
      %dma_start3A_46 = arith.constant 0 : i32
      %dma_start3A_47 = tpu.memref_slice %arg7[%add3A_33, %dma_start3A_46] : memref<20480x80xf32, #tpu.memory_space<hbm>> -> memref<160x80xf32, #tpu.memory_space<hbm>>
      %dma_start3A_48 = arith.constant 0 : i32
      %dma_start3A_49 = arith.constant 0 : i32
      %dma_start3A_50 = tpu.memref_slice %arg14[%dma_start3A_48, %dma_start3A_49] : memref<160x80xf32, #tpu.memory_space<vmem>> -> memref<160x80xf32, #tpu.memory_space<vmem>>
      tpu.enqueue_dma source(%dma_start3A_50 : memref<160x80xf32, #tpu.memory_space<vmem>>) target(%dma_start3A_47 : memref<160x80xf32, #tpu.memory_space<hbm>>) target_semaphore(%run_scoped3A : memref<!tpu.dma_semaphore, #tpu.memory_space<semaphore_mem>>)
      %dma_wait3A = arith.constant 0 : i32
      %dma_wait3A_51 = arith.constant 0 : i32
      %dma_wait3A_52 = tpu.memref_slice %arg14[%dma_wait3A, %dma_wait3A_51] : memref<160x80xf32, #tpu.memory_space<vmem>> -> memref<160x80xf32, #tpu.memory_space<vmem>>
      %dma_wait3A_53 = arith.constant 0 : i32
      %dma_wait3A_54 = tpu.memref_slice %arg7[%add3A_33, %dma_wait3A_53] : memref<20480x80xf32, #tpu.memory_space<hbm>> -> memref<160x80xf32, #tpu.memory_space<hbm>>
      %dma_wait3A_55 = arith.constant 0 : i32
      %dma_wait3A_56 = tpu.memref_slice %arg7[%add3A_33, %dma_wait3A_55] : memref<20480x80xf32, #tpu.memory_space<hbm>> -> memref<160x80xf32, #tpu.memory_space<hbm>>
      %dma_wait3A_57 = arith.constant 0 : i32
      %dma_wait3A_58 = arith.constant 0 : i32
      %dma_wait3A_59 = tpu.memref_slice %arg14[%dma_wait3A_57, %dma_wait3A_58] : memref<160x80xf32, #tpu.memory_space<vmem>> -> memref<160x80xf32, #tpu.memory_space<vmem>>
      tpu.wait_dma2 semaphore(%run_scoped3A : memref<!tpu.dma_semaphore, #tpu.memory_space<semaphore_mem>>) src(%dma_wait3A_59 : memref<160x80xf32, #tpu.memory_space<vmem>>) dst(%dma_wait3A_56 : memref<160x80xf32, #tpu.memory_space<hbm>>)
      tpu.yield
    }) : () -> ()
    %add3A_34 = arith.constant 320 : i32
    %add3A_35 = arith.addi %mul3A_8, %add3A_34 : i32
    "tpu.region"() ({
      %run_scoped3A = tpu.sem_alloc : memref<!tpu.dma_semaphore, #tpu.memory_space<semaphore_mem>>
      %dma_start3A = arith.constant 0 : i32
      %dma_start3A_42 = arith.constant 0 : i32
      %dma_start3A_43 = tpu.memref_slice %arg14[%dma_start3A, %dma_start3A_42] : memref<160x80xf32, #tpu.memory_space<vmem>> -> memref<160x80xf32, #tpu.memory_space<vmem>>
      %dma_start3A_44 = arith.constant 0 : i32
      %dma_start3A_45 = tpu.memref_slice %arg15[%add3A_35, %dma_start3A_44] : memref<10240x80xf32, #tpu.memory_space<vmem_shared>> -> memref<160x80xf32, #tpu.memory_space<vmem_shared>>
      %dma_start3A_46 = arith.constant 0 : i32
      %dma_start3A_47 = arith.constant 0 : i32
      %dma_start3A_48 = tpu.memref_slice %arg14[%dma_start3A_46, %dma_start3A_47] : memref<160x80xf32, #tpu.memory_space<vmem>> -> memref<160x80xf32, #tpu.memory_space<vmem>>
      %dma_start3A_49 = arith.constant 0 : i32
      %dma_start3A_50 = tpu.memref_slice %arg15[%add3A_35, %dma_start3A_49] : memref<10240x80xf32, #tpu.memory_space<vmem_shared>> -> memref<160x80xf32, #tpu.memory_space<vmem_shared>>
      tpu.enqueue_dma source(%dma_start3A_50 : memref<160x80xf32, #tpu.memory_space<vmem_shared>>) target(%dma_start3A_48 : memref<160x80xf32, #tpu.memory_space<vmem>>) target_semaphore(%run_scoped3A : memref<!tpu.dma_semaphore, #tpu.memory_space<semaphore_mem>>)
      %dma_wait3A = arith.constant 0 : i32
      %dma_wait3A_51 = arith.constant 0 : i32
      %dma_wait3A_52 = tpu.memref_slice %arg14[%dma_wait3A, %dma_wait3A_51] : memref<160x80xf32, #tpu.memory_space<vmem>> -> memref<160x80xf32, #tpu.memory_space<vmem>>
      %dma_wait3A_53 = arith.constant 0 : i32
      %dma_wait3A_54 = tpu.memref_slice %arg15[%add3A_35, %dma_wait3A_53] : memref<10240x80xf32, #tpu.memory_space<vmem_shared>> -> memref<160x80xf32, #tpu.memory_space<vmem_shared>>
      %dma_wait3A_55 = arith.constant 0 : i32
      %dma_wait3A_56 = arith.constant 0 : i32
      %dma_wait3A_57 = tpu.memref_slice %arg14[%dma_wait3A_55, %dma_wait3A_56] : memref<160x80xf32, #tpu.memory_space<vmem>> -> memref<160x80xf32, #tpu.memory_space<vmem>>
      %dma_wait3A_58 = arith.constant 0 : i32
      %dma_wait3A_59 = tpu.memref_slice %arg15[%add3A_35, %dma_wait3A_58] : memref<10240x80xf32, #tpu.memory_space<vmem_shared>> -> memref<160x80xf32, #tpu.memory_space<vmem_shared>>
      tpu.wait_dma2 semaphore(%run_scoped3A : memref<!tpu.dma_semaphore, #tpu.memory_space<semaphore_mem>>) src(%dma_wait3A_59 : memref<160x80xf32, #tpu.memory_space<vmem_shared>>) dst(%dma_wait3A_57 : memref<160x80xf32, #tpu.memory_space<vmem>>)
      tpu.yield
    }) : () -> ()
    %add3A_36 = arith.constant 320 : i32
    %add3A_37 = arith.addi %add3A_25, %add3A_36 : i32
    "tpu.region"() ({
      %run_scoped3A = tpu.sem_alloc : memref<!tpu.dma_semaphore, #tpu.memory_space<semaphore_mem>>
      %dma_start3A = arith.constant 0 : i32
      %dma_start3A_42 = arith.constant 0 : i32
      %dma_start3A_43 = tpu.memref_slice %arg14[%dma_start3A, %dma_start3A_42] : memref<160x80xf32, #tpu.memory_space<vmem>> -> memref<160x80xf32, #tpu.memory_space<vmem>>
      %dma_start3A_44 = arith.constant 0 : i32
      %dma_start3A_45 = tpu.memref_slice %arg7[%add3A_37, %dma_start3A_44] : memref<20480x80xf32, #tpu.memory_space<hbm>> -> memref<160x80xf32, #tpu.memory_space<hbm>>
      %dma_start3A_46 = arith.constant 0 : i32
      %dma_start3A_47 = tpu.memref_slice %arg7[%add3A_37, %dma_start3A_46] : memref<20480x80xf32, #tpu.memory_space<hbm>> -> memref<160x80xf32, #tpu.memory_space<hbm>>
      %dma_start3A_48 = arith.constant 0 : i32
      %dma_start3A_49 = arith.constant 0 : i32
      %dma_start3A_50 = tpu.memref_slice %arg14[%dma_start3A_48, %dma_start3A_49] : memref<160x80xf32, #tpu.memory_space<vmem>> -> memref<160x80xf32, #tpu.memory_space<vmem>>
      tpu.enqueue_dma source(%dma_start3A_50 : memref<160x80xf32, #tpu.memory_space<vmem>>) target(%dma_start3A_47 : memref<160x80xf32, #tpu.memory_space<hbm>>) target_semaphore(%run_scoped3A : memref<!tpu.dma_semaphore, #tpu.memory_space<semaphore_mem>>)
      %dma_wait3A = arith.constant 0 : i32
      %dma_wait3A_51 = arith.constant 0 : i32
      %dma_wait3A_52 = tpu.memref_slice %arg14[%dma_wait3A, %dma_wait3A_51] : memref<160x80xf32, #tpu.memory_space<vmem>> -> memref<160x80xf32, #tpu.memory_space<vmem>>
      %dma_wait3A_53 = arith.constant 0 : i32
      %dma_wait3A_54 = tpu.memref_slice %arg7[%add3A_37, %dma_wait3A_53] : memref<20480x80xf32, #tpu.memory_space<hbm>> -> memref<160x80xf32, #tpu.memory_space<hbm>>
      %dma_wait3A_55 = arith.constant 0 : i32
      %dma_wait3A_56 = tpu.memref_slice %arg7[%add3A_37, %dma_wait3A_55] : memref<20480x80xf32, #tpu.memory_space<hbm>> -> memref<160x80xf32, #tpu.memory_space<hbm>>
      %dma_wait3A_57 = arith.constant 0 : i32
      %dma_wait3A_58 = arith.constant 0 : i32
      %dma_wait3A_59 = tpu.memref_slice %arg14[%dma_wait3A_57, %dma_wait3A_58] : memref<160x80xf32, #tpu.memory_space<vmem>> -> memref<160x80xf32, #tpu.memory_space<vmem>>
      tpu.wait_dma2 semaphore(%run_scoped3A : memref<!tpu.dma_semaphore, #tpu.memory_space<semaphore_mem>>) src(%dma_wait3A_59 : memref<160x80xf32, #tpu.memory_space<vmem>>) dst(%dma_wait3A_56 : memref<160x80xf32, #tpu.memory_space<hbm>>)
      tpu.yield
    }) : () -> ()
    %add3A_38 = arith.constant 480 : i32
    %add3A_39 = arith.addi %mul3A_8, %add3A_38 : i32
    "tpu.region"() ({
      %run_scoped3A = tpu.sem_alloc : memref<!tpu.dma_semaphore, #tpu.memory_space<semaphore_mem>>
      %dma_start3A = arith.constant 0 : i32
      %dma_start3A_42 = arith.constant 0 : i32
      %dma_start3A_43 = tpu.memref_slice %arg14[%dma_start3A, %dma_start3A_42] : memref<160x80xf32, #tpu.memory_space<vmem>> -> memref<160x80xf32, #tpu.memory_space<vmem>>
      %dma_start3A_44 = arith.constant 0 : i32
      %dma_start3A_45 = tpu.memref_slice %arg15[%add3A_39, %dma_start3A_44] : memref<10240x80xf32, #tpu.memory_space<vmem_shared>> -> memref<160x80xf32, #tpu.memory_space<vmem_shared>>
      %dma_start3A_46 = arith.constant 0 : i32
      %dma_start3A_47 = arith.constant 0 : i32
      %dma_start3A_48 = tpu.memref_slice %arg14[%dma_start3A_46, %dma_start3A_47] : memref<160x80xf32, #tpu.memory_space<vmem>> -> memref<160x80xf32, #tpu.memory_space<vmem>>
      %dma_start3A_49 = arith.constant 0 : i32
      %dma_start3A_50 = tpu.memref_slice %arg15[%add3A_39, %dma_start3A_49] : memref<10240x80xf32, #tpu.memory_space<vmem_shared>> -> memref<160x80xf32, #tpu.memory_space<vmem_shared>>
      tpu.enqueue_dma source(%dma_start3A_50 : memref<160x80xf32, #tpu.memory_space<vmem_shared>>) target(%dma_start3A_48 : memref<160x80xf32, #tpu.memory_space<vmem>>) target_semaphore(%run_scoped3A : memref<!tpu.dma_semaphore, #tpu.memory_space<semaphore_mem>>)
      %dma_wait3A = arith.constant 0 : i32
      %dma_wait3A_51 = arith.constant 0 : i32
      %dma_wait3A_52 = tpu.memref_slice %arg14[%dma_wait3A, %dma_wait3A_51] : memref<160x80xf32, #tpu.memory_space<vmem>> -> memref<160x80xf32, #tpu.memory_space<vmem>>
      %dma_wait3A_53 = arith.constant 0 : i32
      %dma_wait3A_54 = tpu.memref_slice %arg15[%add3A_39, %dma_wait3A_53] : memref<10240x80xf32, #tpu.memory_space<vmem_shared>> -> memref<160x80xf32, #tpu.memory_space<vmem_shared>>
      %dma_wait3A_55 = arith.constant 0 : i32
      %dma_wait3A_56 = arith.constant 0 : i32
      %dma_wait3A_57 = tpu.memref_slice %arg14[%dma_wait3A_55, %dma_wait3A_56] : memref<160x80xf32, #tpu.memory_space<vmem>> -> memref<160x80xf32, #tpu.memory_space<vmem>>
      %dma_wait3A_58 = arith.constant 0 : i32
      %dma_wait3A_59 = tpu.memref_slice %arg15[%add3A_39, %dma_wait3A_58] : memref<10240x80xf32, #tpu.memory_space<vmem_shared>> -> memref<160x80xf32, #tpu.memory_space<vmem_shared>>
      tpu.wait_dma2 semaphore(%run_scoped3A : memref<!tpu.dma_semaphore, #tpu.memory_space<semaphore_mem>>) src(%dma_wait3A_59 : memref<160x80xf32, #tpu.memory_space<vmem_shared>>) dst(%dma_wait3A_57 : memref<160x80xf32, #tpu.memory_space<vmem>>)
      tpu.yield
    }) : () -> ()
    %add3A_40 = arith.constant 480 : i32
    %add3A_41 = arith.addi %add3A_25, %add3A_40 : i32
    "tpu.region"() ({
      %run_scoped3A = tpu.sem_alloc : memref<!tpu.dma_semaphore, #tpu.memory_space<semaphore_mem>>
      %dma_start3A = arith.constant 0 : i32
      %dma_start3A_42 = arith.constant 0 : i32
      %dma_start3A_43 = tpu.memref_slice %arg14[%dma_start3A, %dma_start3A_42] : memref<160x80xf32, #tpu.memory_space<vmem>> -> memref<160x80xf32, #tpu.memory_space<vmem>>
      %dma_start3A_44 = arith.constant 0 : i32
      %dma_start3A_45 = tpu.memref_slice %arg7[%add3A_41, %dma_start3A_44] : memref<20480x80xf32, #tpu.memory_space<hbm>> -> memref<160x80xf32, #tpu.memory_space<hbm>>
      %dma_start3A_46 = arith.constant 0 : i32
      %dma_start3A_47 = tpu.memref_slice %arg7[%add3A_41, %dma_start3A_46] : memref<20480x80xf32, #tpu.memory_space<hbm>> -> memref<160x80xf32, #tpu.memory_space<hbm>>
      %dma_start3A_48 = arith.constant 0 : i32
      %dma_start3A_49 = arith.constant 0 : i32
      %dma_start3A_50 = tpu.memref_slice %arg14[%dma_start3A_48, %dma_start3A_49] : memref<160x80xf32, #tpu.memory_space<vmem>> -> memref<160x80xf32, #tpu.memory_space<vmem>>
      tpu.enqueue_dma source(%dma_start3A_50 : memref<160x80xf32, #tpu.memory_space<vmem>>) target(%dma_start3A_47 : memref<160x80xf32, #tpu.memory_space<hbm>>) target_semaphore(%run_scoped3A : memref<!tpu.dma_semaphore, #tpu.memory_space<semaphore_mem>>)
      %dma_wait3A = arith.constant 0 : i32
      %dma_wait3A_51 = arith.constant 0 : i32
      %dma_wait3A_52 = tpu.memref_slice %arg14[%dma_wait3A, %dma_wait3A_51] : memref<160x80xf32, #tpu.memory_space<vmem>> -> memref<160x80xf32, #tpu.memory_space<vmem>>
      %dma_wait3A_53 = arith.constant 0 : i32
      %dma_wait3A_54 = tpu.memref_slice %arg7[%add3A_41, %dma_wait3A_53] : memref<20480x80xf32, #tpu.memory_space<hbm>> -> memref<160x80xf32, #tpu.memory_space<hbm>>
      %dma_wait3A_55 = arith.constant 0 : i32
      %dma_wait3A_56 = tpu.memref_slice %arg7[%add3A_41, %dma_wait3A_55] : memref<20480x80xf32, #tpu.memory_space<hbm>> -> memref<160x80xf32, #tpu.memory_space<hbm>>
      %dma_wait3A_57 = arith.constant 0 : i32
      %dma_wait3A_58 = arith.constant 0 : i32
      %dma_wait3A_59 = tpu.memref_slice %arg14[%dma_wait3A_57, %dma_wait3A_58] : memref<160x80xf32, #tpu.memory_space<vmem>> -> memref<160x80xf32, #tpu.memory_space<vmem>>
      tpu.wait_dma2 semaphore(%run_scoped3A : memref<!tpu.dma_semaphore, #tpu.memory_space<semaphore_mem>>) src(%dma_wait3A_59 : memref<160x80xf32, #tpu.memory_space<vmem>>) dst(%dma_wait3A_56 : memref<160x80xf32, #tpu.memory_space<hbm>>)
      tpu.yield
    }) : () -> ()
    return
  }
}

module attributes {stable_mosaic.version = 14 : i64} {
  func.func @body(%arg0: i32, %arg1: i32, %arg2: memref<400x128xf32, #tpu.memory_space<vmem>>, %arg3: memref<1x128x80xf32, #tpu.memory_space<vmem>>, %arg4: memref<1x1x80xf32, #tpu.memory_space<vmem>>, %arg5: memref<1x128x128xf32, #tpu.memory_space<vmem>>, %arg6: memref<1x1x128xf32, #tpu.memory_space<vmem>>, %arg7: memref<128x128xf32, #tpu.memory_space<vmem>>, %arg8: memref<1x128xf32, #tpu.memory_space<vmem>>, %arg9: memref<400x80xf32, #tpu.memory_space<vmem>>, %arg10: memref<400x128xf32, #tpu.memory_space<vmem>>, %arg11: memref<400x128xf32, #tpu.memory_space<vmem>>) attributes {dimension_semantics = [#tpu.dimension_semantics<arbitrary>, #tpu.dimension_semantics<arbitrary>], iteration_bounds = array<i64: 2, 25>, scalar_prefetch = 0 : i64, scratch_operands = 0 : i64, tpu.core_type = #tpu.core_type<tc>, window_params = [{transform_indices = @transform_0, window_bounds = array<i64: 400, 128>}, {transform_indices = @transform_1, window_bounds = array<i64: 1, 128, 80>}, {transform_indices = @transform_2, window_bounds = array<i64: 1, 1, 80>}, {transform_indices = @transform_3, window_bounds = array<i64: 1, 128, 128>}, {transform_indices = @transform_4, window_bounds = array<i64: 1, 1, 128>}, {pipeline_mode = #tpu.pipeline_mode<synchronous>, transform_indices = @transform_5, window_bounds = array<i64: 128, 128>}, {pipeline_mode = #tpu.pipeline_mode<synchronous>, transform_indices = @transform_6, window_bounds = array<i64: 1, 128>}, {transform_indices = @transform_7, window_bounds = array<i64: 400, 80>}, {transform_indices = @transform_8, window_bounds = array<i64: 400, 128>}, {transform_indices = @transform_9, window_bounds = array<i64: 400, 128>}]} {
    %get3A = arith.constant 0 : index
    %get3A_0 = arith.constant 0 : index
    %get3A_1 = vector.load %arg2[%get3A, %get3A_0] : memref<400x128xf32, #tpu.memory_space<vmem>>, vector<400x128xf32>
    %get3A_2 = arith.constant 0 : index
    %get3A_3 = arith.constant 0 : index
    %get3A_4 = arith.constant 0 : index
    %get3A_5 = vector.load %arg3[%get3A_2, %get3A_3, %get3A_4] : memref<1x128x80xf32, #tpu.memory_space<vmem>>, vector<1x128x80xf32>
    %get3A_6 = vector.shape_cast %get3A_5 : vector<1x128x80xf32> to vector<128x80xf32>
    %dot_general3A = arith.constant dense<0.000000e+00> : vector<400x80xf32>
    %dot_general3A_7 = tpu.matmul %get3A_1, %get3A_6, %dot_general3A {dimension_numbers = #tpu.dot_dimension_numbers<[1], [0], [0], [1], [0, 0, 1, 1], [], []>, transpose_lhs_hint = false} : vector<400x128xf32>, vector<128x80xf32>, vector<400x80xf32> -> vector<400x80xf32>
    %get3A_8 = arith.constant 0 : index
    %get3A_9 = arith.constant 0 : index
    %get3A_10 = arith.constant 0 : index
    %get3A_11 = vector.load %arg4[%get3A_8, %get3A_9, %get3A_10] : memref<1x1x80xf32, #tpu.memory_space<vmem>>, vector<1x1x80xf32>
    %get3A_12 = vector.shape_cast %get3A_11 : vector<1x1x80xf32> to vector<1x80xf32>
    %add3A = vector.broadcast %get3A_12 : vector<1x80xf32> to vector<400x80xf32>
    %add3A_13 = arith.addf %dot_general3A_7, %add3A : vector<400x80xf32>
    %swap3A = arith.constant 0 : index
    %swap3A_14 = arith.constant 0 : index
    %swap3A_15 = vector.load %arg9[%swap3A, %swap3A_14] : memref<400x80xf32, #tpu.memory_space<vmem>>, vector<400x80xf32>
    tpu.vector_store %arg9[%swap3A, %swap3A_14], %add3A_13 {strides = array<i32>} : memref<400x80xf32, #tpu.memory_space<vmem>>, vector<400x80xf32>,
    %get3A_16 = arith.constant 0 : index
    %get3A_17 = arith.constant 0 : index
    %get3A_18 = arith.constant 0 : index
    %get3A_19 = vector.load %arg5[%get3A_16, %get3A_17, %get3A_18] : memref<1x128x128xf32, #tpu.memory_space<vmem>>, vector<1x128x128xf32>
    %get3A_20 = vector.shape_cast %get3A_19 : vector<1x128x128xf32> to vector<128x128xf32>
    %dot_general3A_21 = arith.constant dense<0.000000e+00> : vector<400x128xf32>
    %dot_general3A_22 = tpu.matmul %get3A_1, %get3A_20, %dot_general3A_21 {dimension_numbers = #tpu.dot_dimension_numbers<[1], [0], [0], [1], [0, 0, 1, 1], [], []>, transpose_lhs_hint = false} : vector<400x128xf32>, vector<128x128xf32>, vector<400x128xf32> -> vector<400x128xf32>
    %get3A_23 = arith.constant 0 : index
    %get3A_24 = arith.constant 0 : index
    %get3A_25 = arith.constant 0 : index
    %get3A_26 = vector.load %arg6[%get3A_23, %get3A_24, %get3A_25] : memref<1x1x128xf32, #tpu.memory_space<vmem>>, vector<1x1x128xf32>
    %get3A_27 = vector.shape_cast %get3A_26 : vector<1x1x128xf32> to vector<1x128xf32>
    %add3A_28 = vector.broadcast %get3A_27 : vector<1x128xf32> to vector<400x128xf32>
    %add3A_29 = arith.addf %dot_general3A_22, %add3A_28 : vector<400x128xf32>
    %swap3A_30 = arith.constant 0 : index
    %swap3A_31 = arith.constant 0 : index
    %swap3A_32 = vector.load %arg10[%swap3A_30, %swap3A_31] : memref<400x128xf32, #tpu.memory_space<vmem>>, vector<400x128xf32>
    tpu.vector_store %arg10[%swap3A_30, %swap3A_31], %add3A_29 {strides = array<i32>} : memref<400x128xf32, #tpu.memory_space<vmem>>, vector<400x128xf32>,
    %get3A_33 = arith.constant 0 : index
    %get3A_34 = arith.constant 0 : index
    %get3A_35 = vector.load %arg7[%get3A_33, %get3A_34] : memref<128x128xf32, #tpu.memory_space<vmem>>, vector<128x128xf32>
    %dot_general3A_36 = arith.constant dense<0.000000e+00> : vector<400x128xf32>
    %dot_general3A_37 = tpu.matmul %get3A_1, %get3A_35, %dot_general3A_36 {dimension_numbers = #tpu.dot_dimension_numbers<[1], [0], [0], [1], [0, 0, 1, 1], [], []>, transpose_lhs_hint = false} : vector<400x128xf32>, vector<128x128xf32>, vector<400x128xf32> -> vector<400x128xf32>
    %get3A_38 = arith.constant 0 : index
    %get3A_39 = arith.constant 0 : index
    %get3A_40 = vector.load %arg8[%get3A_38, %get3A_39] : memref<1x128xf32, #tpu.memory_space<vmem>>, vector<1x128xf32>
    %add3A_41 = vector.broadcast %get3A_40 : vector<1x128xf32> to vector<400x128xf32>
    %add3A_42 = arith.addf %dot_general3A_37, %add3A_41 : vector<400x128xf32>
    %swap3A_43 = arith.constant 0 : index
    %swap3A_44 = arith.constant 0 : index
    %swap3A_45 = vector.load %arg11[%swap3A_43, %swap3A_44] : memref<400x128xf32, #tpu.memory_space<vmem>>, vector<400x128xf32>
    tpu.vector_store %arg11[%swap3A_43, %swap3A_44], %add3A_42 {strides = array<i32>} : memref<400x128xf32, #tpu.memory_space<vmem>>, vector<400x128xf32>,
    return
  }
  func.func @transform_0(%arg0: i32, %arg1: i32) -> (i32, i32) {
    %c0_i32 = arith.constant 0 : i32
    %c0_i32_0 = arith.constant 0 : i32
    return %arg1, %c0_i32 : i32, i32
  }
  func.func @transform_1(%arg0: i32, %arg1: i32) -> (i32, i32, i32) {
    %c0_i32 = arith.constant 0 : i32
    %c0_i32_0 = arith.constant 0 : i32
    %c0_i32_1 = arith.constant 0 : i32
    return %arg0, %c0_i32, %c0_i32_0 : i32, i32, i32
  }
  func.func @transform_2(%arg0: i32, %arg1: i32) -> (i32, i32, i32) {
    %c0_i32 = arith.constant 0 : i32
    %c0_i32_0 = arith.constant 0 : i32
    %c0_i32_1 = arith.constant 0 : i32
    return %arg0, %c0_i32, %c0_i32_0 : i32, i32, i32
  }
  func.func @transform_3(%arg0: i32, %arg1: i32) -> (i32, i32, i32) {
    %c0_i32 = arith.constant 0 : i32
    %c0_i32_0 = arith.constant 0 : i32
    %c0_i32_1 = arith.constant 0 : i32
    return %arg0, %c0_i32, %c0_i32_0 : i32, i32, i32
  }
  func.func @transform_4(%arg0: i32, %arg1: i32) -> (i32, i32, i32) {
    %c0_i32 = arith.constant 0 : i32
    %c0_i32_0 = arith.constant 0 : i32
    %c0_i32_1 = arith.constant 0 : i32
    return %arg0, %c0_i32, %c0_i32_0 : i32, i32, i32
  }
  func.func @transform_5(%arg0: i32, %arg1: i32) -> (i32, i32) {
    %c0_i32 = arith.constant 0 : i32
    %c0_i32_0 = arith.constant 0 : i32
    %c0_i32_1 = arith.constant 0 : i32
    return %c0_i32, %c0_i32_0 : i32, i32
  }
  func.func @transform_6(%arg0: i32, %arg1: i32) -> (i32, i32) {
    %c0_i32 = arith.constant 0 : i32
    %c0_i32_0 = arith.constant 0 : i32
    %c0_i32_1 = arith.constant 0 : i32
    return %c0_i32, %c0_i32_0 : i32, i32
  }
  func.func @transform_7(%arg0: i32, %arg1: i32) -> (i32, i32) {
    %mul3A = arith.constant 25 : i32
    %mul3A_0 = arith.muli %arg0, %mul3A : i32
    %add3A = arith.addi %mul3A_0, %arg1 : i32
    %c0_i32 = arith.constant 0 : i32
    %c0_i32_1 = arith.constant 0 : i32
    return %add3A, %c0_i32 : i32, i32
  }
  func.func @transform_8(%arg0: i32, %arg1: i32) -> (i32, i32) {
    %mul3A = arith.constant 25 : i32
    %mul3A_0 = arith.muli %arg0, %mul3A : i32
    %add3A = arith.addi %mul3A_0, %arg1 : i32
    %c0_i32 = arith.constant 0 : i32
    %c0_i32_1 = arith.constant 0 : i32
    return %add3A, %c0_i32 : i32, i32
  }
  func.func @transform_9(%arg0: i32, %arg1: i32) -> (i32, i32) {
    %c0_i32 = arith.constant 0 : i32
    %c0_i32_0 = arith.constant 0 : i32
    return %arg1, %c0_i32 : i32, i32
  }
}

module attributes {stable_mosaic.version = 14 : i64} {
  func.func @body(%arg0: i32, %arg1: memref<1000x80xf32, #tpu.memory_space<vmem>>, %arg2: memref<1000x80xf32, #tpu.memory_space<vmem>>, %arg3: memref<1000x128xf32, #tpu.memory_space<vmem>>, %arg4: memref<4x64xf32, #tpu.memory_space<vmem>>, %arg5: memref<4x64xf32, #tpu.memory_space<vmem>>, %arg6: memref<1000x128xf32, #tpu.memory_space<vmem>>) attributes {dimension_semantics = [#tpu.dimension_semantics<arbitrary>], iteration_bounds = array<i64: 10>, scalar_prefetch = 0 : i64, scratch_operands = 0 : i64, tpu.core_type = #tpu.core_type<tc>, window_params = [{transform_indices = @transform_0, window_bounds = array<i64: 1000, 80>}, {transform_indices = @transform_1, window_bounds = array<i64: 1000, 80>}, {transform_indices = @transform_2, window_bounds = array<i64: 1000, 128>}, {pipeline_mode = #tpu.pipeline_mode<synchronous>, transform_indices = @transform_3, window_bounds = array<i64: 4, 64>}, {pipeline_mode = #tpu.pipeline_mode<synchronous>, transform_indices = @transform_4, window_bounds = array<i64: 4, 64>}, {transform_indices = @transform_5, window_bounds = array<i64: 1000, 128>}]} {
    %get3A = arith.constant 0 : index
    %get3A_0 = arith.constant 0 : index
    %get3A_1 = vector.load %arg1[%get3A, %get3A_0] : memref<1000x80xf32, #tpu.memory_space<vmem>>, vector<1000x80xf32>
    %get3A_2 = arith.constant 0 : index
    %get3A_3 = arith.constant 0 : index
    %get3A_4 = vector.load %arg2[%get3A_2, %get3A_3] : memref<1000x80xf32, #tpu.memory_space<vmem>>, vector<1000x80xf32>
    %slice3A = vector.extract_strided_slice %get3A_1 {offsets = [0, 0], sizes = [1000, 64], strides = [1, 1]} : vector<1000x80xf32> to vector<1000x64xf32>
    %slice3A_5 = vector.extract_strided_slice %get3A_1 {offsets = [0, 64], sizes = [1000, 4], strides = [1, 1]} : vector<1000x80xf32> to vector<1000x4xf32>
    %get3A_6 = arith.constant 0 : index
    %get3A_7 = arith.constant 0 : index
    %get3A_8 = vector.load %arg4[%get3A_6, %get3A_7] : memref<4x64xf32, #tpu.memory_space<vmem>>, vector<4x64xf32>
    %dot_general3A = arith.constant dense<0.000000e+00> : vector<1000x64xf32>
    %dot_general3A_9 = tpu.matmul %slice3A_5, %get3A_8, %dot_general3A {dimension_numbers = #tpu.dot_dimension_numbers<[1], [0], [0], [1], [0, 0, 1, 1], [], []>, transpose_lhs_hint = false} : vector<1000x4xf32>, vector<4x64xf32>, vector<1000x64xf32> -> vector<1000x64xf32>
    %add3A = arith.addf %slice3A, %dot_general3A_9 : vector<1000x64xf32>
    %slice3A_10 = vector.extract_strided_slice %get3A_4 {offsets = [0, 0], sizes = [1000, 64], strides = [1, 1]} : vector<1000x80xf32> to vector<1000x64xf32>
    %slice3A_11 = vector.extract_strided_slice %get3A_4 {offsets = [0, 64], sizes = [1000, 4], strides = [1, 1]} : vector<1000x80xf32> to vector<1000x4xf32>
    %get3A_12 = arith.constant 0 : index
    %get3A_13 = arith.constant 0 : index
    %get3A_14 = vector.load %arg5[%get3A_12, %get3A_13] : memref<4x64xf32, #tpu.memory_space<vmem>>, vector<4x64xf32>
    %dot_general3A_15 = arith.constant dense<0.000000e+00> : vector<1000x64xf32>
    %dot_general3A_16 = tpu.matmul %slice3A_11, %get3A_14, %dot_general3A_15 {dimension_numbers = #tpu.dot_dimension_numbers<[1], [0], [0], [1], [0, 0, 1, 1], [], []>, transpose_lhs_hint = false} : vector<1000x4xf32>, vector<4x64xf32>, vector<1000x64xf32> -> vector<1000x64xf32>
    %add3A_17 = arith.addf %slice3A_10, %dot_general3A_16 : vector<1000x64xf32>
    %slice3A_18 = vector.extract_strided_slice %get3A_1 {offsets = [0, 72], sizes = [1000, 1], strides = [1, 1]} : vector<1000x80xf32> to vector<1000x1xf32>
    %slice3A_19 = vector.extract_strided_slice %get3A_4 {offsets = [0, 72], sizes = [1000, 1], strides = [1, 1]} : vector<1000x80xf32> to vector<1000x1xf32>
    %gt3A = arith.constant 0.000000e+00 : f32
    %gt3A_20 = vector.broadcast %gt3A : f32 to vector<1000x1xf32>
    %gt3A_21 = arith.cmpf ogt, %slice3A_18, %gt3A_20 : vector<1000x1xf32>
    %div3A = vector.broadcast %slice3A_18 : vector<1000x1xf32> to vector<1000x64xf32>
    %div3A_22 = arith.divf %add3A, %div3A : vector<1000x64xf32>
    %jit3A = arith.constant 0.000000e+00 : f32
    %broadcast_in_dim3A = vector.shape_cast %gt3A_21 : vector<1000x1xi1> to vector<1000x1xi1>
    %broadcast_in_dim3A_23 = vector.broadcast %broadcast_in_dim3A : vector<1000x1xi1> to vector<1000x64xi1>
    %broadcast_in_dim3A_24 = vector.broadcast %jit3A : f32 to vector<1000x64xf32>
    %select_n3A = arith.select %broadcast_in_dim3A_23, %div3A_22, %broadcast_in_dim3A_24 : vector<1000x64xi1>, vector<1000x64xf32>
    %gt3A_25 = arith.constant 0.000000e+00 : f32
    %gt3A_26 = vector.broadcast %gt3A_25 : f32 to vector<1000x1xf32>
    %gt3A_27 = arith.cmpf ogt, %slice3A_19, %gt3A_26 : vector<1000x1xf32>
    %div3A_28 = vector.broadcast %slice3A_19 : vector<1000x1xf32> to vector<1000x64xf32>
    %div3A_29 = arith.divf %add3A_17, %div3A_28 : vector<1000x64xf32>
    %jit3A_30 = arith.constant 0.000000e+00 : f32
    %broadcast_in_dim3A_31 = vector.shape_cast %gt3A_27 : vector<1000x1xi1> to vector<1000x1xi1>
    %broadcast_in_dim3A_32 = vector.broadcast %broadcast_in_dim3A_31 : vector<1000x1xi1> to vector<1000x64xi1>
    %broadcast_in_dim3A_33 = vector.broadcast %jit3A_30 : f32 to vector<1000x64xf32>
    %select_n3A_34 = arith.select %broadcast_in_dim3A_32, %div3A_29, %broadcast_in_dim3A_33 : vector<1000x64xi1>, vector<1000x64xf32>
    %concatenate3A = tpu.concatenate %select_n3A, %select_n3A_34 in 1 : vector<1000x64xf32>, vector<1000x64xf32> -> vector<1000x128xf32>
    %get3A_35 = arith.constant 0 : index
    %get3A_36 = arith.constant 0 : index
    %get3A_37 = vector.load %arg3[%get3A_35, %get3A_36] : memref<1000x128xf32, #tpu.memory_space<vmem>>, vector<1000x128xf32>
    %add3A_38 = arith.addf %concatenate3A, %get3A_37 : vector<1000x128xf32>
    %max3A = arith.constant 0.000000e+00 : f32
    %max3A_39 = vector.broadcast %max3A : f32 to vector<1000x128xf32>
    %max3A_40 = arith.maximumf %add3A_38, %max3A_39 : vector<1000x128xf32>
    %swap3A = arith.constant 0 : index
    %swap3A_41 = arith.constant 0 : index
    %swap3A_42 = vector.load %arg6[%swap3A, %swap3A_41] : memref<1000x128xf32, #tpu.memory_space<vmem>>, vector<1000x128xf32>
    tpu.vector_store %arg6[%swap3A, %swap3A_41], %max3A_40 {strides = array<i32>} : memref<1000x128xf32, #tpu.memory_space<vmem>>, vector<1000x128xf32>,
    return
  }
  func.func @transform_0(%arg0: i32) -> (i32, i32) {
    %c0_i32 = arith.constant 0 : i32
    %c0_i32_0 = arith.constant 0 : i32
    return %arg0, %c0_i32 : i32, i32
  }
  func.func @transform_1(%arg0: i32) -> (i32, i32) {
    %c0_i32 = arith.constant 0 : i32
    %c0_i32_0 = arith.constant 0 : i32
    return %arg0, %c0_i32 : i32, i32
  }
  func.func @transform_2(%arg0: i32) -> (i32, i32) {
    %c0_i32 = arith.constant 0 : i32
    %c0_i32_0 = arith.constant 0 : i32
    return %arg0, %c0_i32 : i32, i32
  }
  func.func @transform_3(%arg0: i32) -> (i32, i32) {
    %c0_i32 = arith.constant 0 : i32
    %c0_i32_0 = arith.constant 0 : i32
    %c0_i32_1 = arith.constant 0 : i32
    return %c0_i32, %c0_i32_0 : i32, i32
  }
  func.func @transform_4(%arg0: i32) -> (i32, i32) {
    %c0_i32 = arith.constant 0 : i32
    %c0_i32_0 = arith.constant 0 : i32
    %c0_i32_1 = arith.constant 0 : i32
    return %c0_i32, %c0_i32_0 : i32, i32
  }
  func.func @transform_5(%arg0: i32) -> (i32, i32) {
    %c0_i32 = arith.constant 0 : i32
    %c0_i32_0 = arith.constant 0 : i32
    return %arg0, %c0_i32 : i32, i32
  }
}

module attributes {stable_mosaic.version = 14 : i64} {
  func.func @body(%arg0: i32, %arg1: memref<1000x80xf32, #tpu.memory_space<vmem>>, %arg2: memref<1000x80xf32, #tpu.memory_space<vmem>>, %arg3: memref<1000x128xf32, #tpu.memory_space<vmem>>, %arg4: memref<4x64xf32, #tpu.memory_space<vmem>>, %arg5: memref<4x64xf32, #tpu.memory_space<vmem>>, %arg6: memref<1000x128xf32, #tpu.memory_space<vmem>>) attributes {dimension_semantics = [#tpu.dimension_semantics<arbitrary>], iteration_bounds = array<i64: 10>, scalar_prefetch = 0 : i64, scratch_operands = 0 : i64, tpu.core_type = #tpu.core_type<tc>, window_params = [{transform_indices = @transform_0, window_bounds = array<i64: 1000, 80>}, {transform_indices = @transform_1, window_bounds = array<i64: 1000, 80>}, {transform_indices = @transform_2, window_bounds = array<i64: 1000, 128>}, {pipeline_mode = #tpu.pipeline_mode<synchronous>, transform_indices = @transform_3, window_bounds = array<i64: 4, 64>}, {pipeline_mode = #tpu.pipeline_mode<synchronous>, transform_indices = @transform_4, window_bounds = array<i64: 4, 64>}, {transform_indices = @transform_5, window_bounds = array<i64: 1000, 128>}]} {
    %get3A = arith.constant 0 : index
    %get3A_0 = arith.constant 0 : index
    %get3A_1 = vector.load %arg1[%get3A, %get3A_0] : memref<1000x80xf32, #tpu.memory_space<vmem>>, vector<1000x80xf32>
    %get3A_2 = arith.constant 0 : index
    %get3A_3 = arith.constant 0 : index
    %get3A_4 = vector.load %arg2[%get3A_2, %get3A_3] : memref<1000x80xf32, #tpu.memory_space<vmem>>, vector<1000x80xf32>
    %slice3A = vector.extract_strided_slice %get3A_1 {offsets = [0, 0], sizes = [1000, 64], strides = [1, 1]} : vector<1000x80xf32> to vector<1000x64xf32>
    %slice3A_5 = vector.extract_strided_slice %get3A_1 {offsets = [0, 64], sizes = [1000, 4], strides = [1, 1]} : vector<1000x80xf32> to vector<1000x4xf32>
    %get3A_6 = arith.constant 0 : index
    %get3A_7 = arith.constant 0 : index
    %get3A_8 = vector.load %arg4[%get3A_6, %get3A_7] : memref<4x64xf32, #tpu.memory_space<vmem>>, vector<4x64xf32>
    %dot_general3A = arith.constant dense<0.000000e+00> : vector<1000x64xf32>
    %dot_general3A_9 = tpu.matmul %slice3A_5, %get3A_8, %dot_general3A {dimension_numbers = #tpu.dot_dimension_numbers<[1], [0], [0], [1], [0, 0, 1, 1], [], []>, transpose_lhs_hint = false} : vector<1000x4xf32>, vector<4x64xf32>, vector<1000x64xf32> -> vector<1000x64xf32>
    %add3A = arith.addf %slice3A, %dot_general3A_9 : vector<1000x64xf32>
    %slice3A_10 = vector.extract_strided_slice %get3A_4 {offsets = [0, 0], sizes = [1000, 64], strides = [1, 1]} : vector<1000x80xf32> to vector<1000x64xf32>
    %slice3A_11 = vector.extract_strided_slice %get3A_4 {offsets = [0, 64], sizes = [1000, 4], strides = [1, 1]} : vector<1000x80xf32> to vector<1000x4xf32>
    %get3A_12 = arith.constant 0 : index
    %get3A_13 = arith.constant 0 : index
    %get3A_14 = vector.load %arg5[%get3A_12, %get3A_13] : memref<4x64xf32, #tpu.memory_space<vmem>>, vector<4x64xf32>
    %dot_general3A_15 = arith.constant dense<0.000000e+00> : vector<1000x64xf32>
    %dot_general3A_16 = tpu.matmul %slice3A_11, %get3A_14, %dot_general3A_15 {dimension_numbers = #tpu.dot_dimension_numbers<[1], [0], [0], [1], [0, 0, 1, 1], [], []>, transpose_lhs_hint = false} : vector<1000x4xf32>, vector<4x64xf32>, vector<1000x64xf32> -> vector<1000x64xf32>
    %add3A_17 = arith.addf %slice3A_10, %dot_general3A_16 : vector<1000x64xf32>
    %slice3A_18 = vector.extract_strided_slice %get3A_1 {offsets = [0, 72], sizes = [1000, 1], strides = [1, 1]} : vector<1000x80xf32> to vector<1000x1xf32>
    %slice3A_19 = vector.extract_strided_slice %get3A_4 {offsets = [0, 72], sizes = [1000, 1], strides = [1, 1]} : vector<1000x80xf32> to vector<1000x1xf32>
    %gt3A = arith.constant 0.000000e+00 : f32
    %gt3A_20 = vector.broadcast %gt3A : f32 to vector<1000x1xf32>
    %gt3A_21 = arith.cmpf ogt, %slice3A_18, %gt3A_20 : vector<1000x1xf32>
    %div3A = vector.broadcast %slice3A_18 : vector<1000x1xf32> to vector<1000x64xf32>
    %div3A_22 = arith.divf %add3A, %div3A : vector<1000x64xf32>
    %jit3A = arith.constant 0.000000e+00 : f32
    %broadcast_in_dim3A = vector.shape_cast %gt3A_21 : vector<1000x1xi1> to vector<1000x1xi1>
    %broadcast_in_dim3A_23 = vector.broadcast %broadcast_in_dim3A : vector<1000x1xi1> to vector<1000x64xi1>
    %broadcast_in_dim3A_24 = vector.broadcast %jit3A : f32 to vector<1000x64xf32>
    %select_n3A = arith.select %broadcast_in_dim3A_23, %div3A_22, %broadcast_in_dim3A_24 : vector<1000x64xi1>, vector<1000x64xf32>
    %gt3A_25 = arith.constant 0.000000e+00 : f32
    %gt3A_26 = vector.broadcast %gt3A_25 : f32 to vector<1000x1xf32>
    %gt3A_27 = arith.cmpf ogt, %slice3A_19, %gt3A_26 : vector<1000x1xf32>
    %div3A_28 = vector.broadcast %slice3A_19 : vector<1000x1xf32> to vector<1000x64xf32>
    %div3A_29 = arith.divf %add3A_17, %div3A_28 : vector<1000x64xf32>
    %jit3A_30 = arith.constant 0.000000e+00 : f32
    %broadcast_in_dim3A_31 = vector.shape_cast %gt3A_27 : vector<1000x1xi1> to vector<1000x1xi1>
    %broadcast_in_dim3A_32 = vector.broadcast %broadcast_in_dim3A_31 : vector<1000x1xi1> to vector<1000x64xi1>
    %broadcast_in_dim3A_33 = vector.broadcast %jit3A_30 : f32 to vector<1000x64xf32>
    %select_n3A_34 = arith.select %broadcast_in_dim3A_32, %div3A_29, %broadcast_in_dim3A_33 : vector<1000x64xi1>, vector<1000x64xf32>
    %concatenate3A = tpu.concatenate %select_n3A, %select_n3A_34 in 1 : vector<1000x64xf32>, vector<1000x64xf32> -> vector<1000x128xf32>
    %get3A_35 = arith.constant 0 : index
    %get3A_36 = arith.constant 0 : index
    %get3A_37 = vector.load %arg3[%get3A_35, %get3A_36] : memref<1000x128xf32, #tpu.memory_space<vmem>>, vector<1000x128xf32>
    %add3A_38 = arith.addf %concatenate3A, %get3A_37 : vector<1000x128xf32>
    %swap3A = arith.constant 0 : index
    %swap3A_39 = arith.constant 0 : index
    %swap3A_40 = vector.load %arg6[%swap3A, %swap3A_39] : memref<1000x128xf32, #tpu.memory_space<vmem>>, vector<1000x128xf32>
    tpu.vector_store %arg6[%swap3A, %swap3A_39], %add3A_38 {strides = array<i32>} : memref<1000x128xf32, #tpu.memory_space<vmem>>, vector<1000x128xf32>,
    return
  }
  func.func @transform_0(%arg0: i32) -> (i32, i32) {
    %c0_i32 = arith.constant 0 : i32
    %c0_i32_0 = arith.constant 0 : i32
    return %arg0, %c0_i32 : i32, i32
  }
  func.func @transform_1(%arg0: i32) -> (i32, i32) {
    %c0_i32 = arith.constant 0 : i32
    %c0_i32_0 = arith.constant 0 : i32
    return %arg0, %c0_i32 : i32, i32
  }
  func.func @transform_2(%arg0: i32) -> (i32, i32) {
    %c0_i32 = arith.constant 0 : i32
    %c0_i32_0 = arith.constant 0 : i32
    return %arg0, %c0_i32 : i32, i32
  }
  func.func @transform_3(%arg0: i32) -> (i32, i32) {
    %c0_i32 = arith.constant 0 : i32
    %c0_i32_0 = arith.constant 0 : i32
    %c0_i32_1 = arith.constant 0 : i32
    return %c0_i32, %c0_i32_0 : i32, i32
  }
  func.func @transform_4(%arg0: i32) -> (i32, i32) {
    %c0_i32 = arith.constant 0 : i32
    %c0_i32_0 = arith.constant 0 : i32
    %c0_i32_1 = arith.constant 0 : i32
    return %c0_i32, %c0_i32_0 : i32, i32
  }
  func.func @transform_5(%arg0: i32) -> (i32, i32) {
    %c0_i32 = arith.constant 0 : i32
    %c0_i32_0 = arith.constant 0 : i32
    return %arg0, %c0_i32 : i32, i32
  }
}

module attributes {stable_mosaic.version = 14 : i64} {
  func.func @body(%arg0: i32, %arg1: memref<1x1x1000xi32, #tpu.memory_space<vmem>>, %arg2: memref<1000x128xf32, #tpu.memory_space<vmem>>, %arg3: memref<64x128xf32, #tpu.memory_space<vmem>>, %arg4: memref<64x128xf32, #tpu.memory_space<vmem>>) attributes {dimension_semantics = [#tpu.dimension_semantics<arbitrary>], iteration_bounds = array<i64: 10>, scalar_prefetch = 0 : i64, scratch_operands = 0 : i64, tpu.core_type = #tpu.core_type<tc>, window_params = [{transform_indices = @transform_0, window_bounds = array<i64: 1, 1, 1000>}, {transform_indices = @transform_1, window_bounds = array<i64: 1000, 128>}, {pipeline_mode = #tpu.pipeline_mode<synchronous>, transform_indices = @transform_2, window_bounds = array<i64: 64, 128>}, {pipeline_mode = #tpu.pipeline_mode<synchronous>, transform_indices = @transform_3, window_bounds = array<i64: 64, 128>}]} {
    %eq3A = arith.constant 0 : i32
    %eq3A_0 = arith.cmpi eq, %arg0, %eq3A : i32
    %convert_element_type3A = arith.extui %eq3A_0 : i1 to i32
    %cond3A = arith.constant 0 : i32
    %cond3A_1 = arith.cmpi ne, %convert_element_type3A, %cond3A : i32
    scf.if %cond3A_1 {
      %broadcast_in_dim3A_30 = arith.constant 0.000000e+00 : f32
      %broadcast_in_dim3A_31 = vector.broadcast %broadcast_in_dim3A_30 : f32 to vector<64x128xf32>
      %swap3A_32 = arith.constant 0 : index
      %swap3A_33 = arith.constant 0 : index
      %swap3A_34 = vector.load %arg3[%swap3A_32, %swap3A_33] : memref<64x128xf32, #tpu.memory_space<vmem>>, vector<64x128xf32>
      tpu.vector_store %arg3[%swap3A_32, %swap3A_33], %broadcast_in_dim3A_31 {strides = array<i32>} : memref<64x128xf32, #tpu.memory_space<vmem>>, vector<64x128xf32>,
      %broadcast_in_dim3A_35 = arith.constant 0.000000e+00 : f32
      %broadcast_in_dim3A_36 = vector.broadcast %broadcast_in_dim3A_35 : f32 to vector<64x128xf32>
      %swap3A_37 = arith.constant 0 : index
      %swap3A_38 = arith.constant 0 : index
      %swap3A_39 = vector.load %arg4[%swap3A_37, %swap3A_38] : memref<64x128xf32, #tpu.memory_space<vmem>>, vector<64x128xf32>
      tpu.vector_store %arg4[%swap3A_37, %swap3A_38], %broadcast_in_dim3A_36 {strides = array<i32>} : memref<64x128xf32, #tpu.memory_space<vmem>>, vector<64x128xf32>,
    } else {
    }
    %get3A = arith.constant 0 : index
    %get3A_2 = arith.constant 0 : index
    %get3A_3 = arith.constant 0 : index
    %get3A_4 = vector.load %arg1[%get3A, %get3A_2, %get3A_3] : memref<1x1x1000xi32, #tpu.memory_space<vmem>>, vector<1x1x1000xi32>
    %get3A_5 = vector.shape_cast %get3A_4 : vector<1x1x1000xi32> to vector<1000xi32>
    %broadcast_in_dim3A = vector.shape_cast %get3A_5 : vector<1000xi32> to vector<1x1000xi32>
    %iota3A = tpu.iota {dimensions = array<i32: 0>} : vector<64x1000xi32>
    %eq3A_6 = vector.broadcast %broadcast_in_dim3A : vector<1x1000xi32> to vector<64x1000xi32>
    %eq3A_7 = arith.cmpi eq, %eq3A_6, %iota3A : vector<64x1000xi32>
    %convert_element_type3A_8 = arith.extui %eq3A_7 : vector<64x1000xi1> to vector<64x1000xi32>
    %convert_element_type3A_9 = arith.sitofp %convert_element_type3A_8 : vector<64x1000xi32> to vector<64x1000xf32>
    %get3A_10 = arith.constant 0 : index
    %get3A_11 = arith.constant 0 : index
    %get3A_12 = vector.load %arg3[%get3A_10, %get3A_11] : memref<64x128xf32, #tpu.memory_space<vmem>>, vector<64x128xf32>
    %get3A_13 = arith.constant 0 : index
    %get3A_14 = arith.constant 0 : index
    %get3A_15 = vector.load %arg2[%get3A_13, %get3A_14] : memref<1000x128xf32, #tpu.memory_space<vmem>>, vector<1000x128xf32>
    %dot_general3A = arith.constant dense<0.000000e+00> : vector<64x128xf32>
    %dot_general3A_16 = tpu.matmul %convert_element_type3A_9, %get3A_15, %dot_general3A {dimension_numbers = #tpu.dot_dimension_numbers<[1], [0], [0], [1], [0, 0, 1, 1], [], []>, transpose_lhs_hint = false} : vector<64x1000xf32>, vector<1000x128xf32>, vector<64x128xf32> -> vector<64x128xf32>
    %add3A = arith.addf %get3A_12, %dot_general3A_16 : vector<64x128xf32>
    %swap3A = arith.constant 0 : index
    %swap3A_17 = arith.constant 0 : index
    %swap3A_18 = vector.load %arg3[%swap3A, %swap3A_17] : memref<64x128xf32, #tpu.memory_space<vmem>>, vector<64x128xf32>
    tpu.vector_store %arg3[%swap3A, %swap3A_17], %add3A {strides = array<i32>} : memref<64x128xf32, #tpu.memory_space<vmem>>, vector<64x128xf32>,
    %get3A_19 = arith.constant 0 : index
    %get3A_20 = arith.constant 0 : index
    %get3A_21 = vector.load %arg4[%get3A_19, %get3A_20] : memref<64x128xf32, #tpu.memory_space<vmem>>, vector<64x128xf32>
    %reduce_sum3A = arith.constant dense<0.000000e+00> : vector<64xf32>
    %reduce_sum3A_22 = vector.multi_reduction <add>, %convert_element_type3A_9, %reduce_sum3A [1] : vector<64x1000xf32> to vector<64xf32>
    %broadcast_in_dim3A_23 = vector.shape_cast %reduce_sum3A_22 : vector<64xf32> to vector<64x1xf32>
    %broadcast_in_dim3A_24 = vector.shape_cast %broadcast_in_dim3A_23 : vector<64x1xf32> to vector<64x1xf32>
    %broadcast_in_dim3A_25 = vector.broadcast %broadcast_in_dim3A_24 : vector<64x1xf32> to vector<64x128xf32>
    %add3A_26 = arith.addf %get3A_21, %broadcast_in_dim3A_25 : vector<64x128xf32>
    %swap3A_27 = arith.constant 0 : index
    %swap3A_28 = arith.constant 0 : index
    %swap3A_29 = vector.load %arg4[%swap3A_27, %swap3A_28] : memref<64x128xf32, #tpu.memory_space<vmem>>, vector<64x128xf32>
    tpu.vector_store %arg4[%swap3A_27, %swap3A_28], %add3A_26 {strides = array<i32>} : memref<64x128xf32, #tpu.memory_space<vmem>>, vector<64x128xf32>,
    return
  }
  func.func @transform_0(%arg0: i32) -> (i32, i32, i32) {
    %c0_i32 = arith.constant 0 : i32
    %c0_i32_0 = arith.constant 0 : i32
    %c0_i32_1 = arith.constant 0 : i32
    return %arg0, %c0_i32, %c0_i32_0 : i32, i32, i32
  }
  func.func @transform_1(%arg0: i32) -> (i32, i32) {
    %c0_i32 = arith.constant 0 : i32
    %c0_i32_0 = arith.constant 0 : i32
    return %arg0, %c0_i32 : i32, i32
  }
  func.func @transform_2(%arg0: i32) -> (i32, i32) {
    %c0_i32 = arith.constant 0 : i32
    %c0_i32_0 = arith.constant 0 : i32
    %c0_i32_1 = arith.constant 0 : i32
    return %c0_i32, %c0_i32_0 : i32, i32
  }
  func.func @transform_3(%arg0: i32) -> (i32, i32) {
    %c0_i32 = arith.constant 0 : i32
    %c0_i32_0 = arith.constant 0 : i32
    %c0_i32_1 = arith.constant 0 : i32
    return %c0_i32, %c0_i32_0 : i32, i32
  }
}

module attributes {stable_mosaic.version = 14 : i64} {
  func.func @body(%arg0: memref<64x128xf32, #tpu.memory_space<vmem>>, %arg1: memref<64x128xf32, #tpu.memory_space<vmem>>, %arg2: memref<128x64xf32, #tpu.memory_space<vmem>>, %arg3: memref<1x64xf32, #tpu.memory_space<vmem>>, %arg4: memref<64x32xf32, #tpu.memory_space<vmem>>, %arg5: memref<1x32xf32, #tpu.memory_space<vmem>>, %arg6: memref<32x16xf32, #tpu.memory_space<vmem>>, %arg7: memref<1x16xf32, #tpu.memory_space<vmem>>, %arg8: memref<64x16xf32, #tpu.memory_space<vmem>>) attributes {dimension_semantics = [], scalar_prefetch = 0 : i64, scratch_operands = 0 : i64, tpu.core_type = #tpu.core_type<tc>} {
    %get3A = arith.constant 0 : index
    %get3A_0 = arith.constant 0 : index
    %get3A_1 = vector.load %arg0[%get3A, %get3A_0] : memref<64x128xf32, #tpu.memory_space<vmem>>, vector<64x128xf32>
    %get3A_2 = arith.constant 0 : index
    %get3A_3 = arith.constant 0 : index
    %get3A_4 = vector.load %arg1[%get3A_2, %get3A_3] : memref<64x128xf32, #tpu.memory_space<vmem>>, vector<64x128xf32>
    %max3A = arith.constant 1.000000e+00 : f32
    %max3A_5 = vector.broadcast %max3A : f32 to vector<64x128xf32>
    %max3A_6 = arith.maximumf %get3A_4, %max3A_5 : vector<64x128xf32>
    %div3A = arith.divf %get3A_1, %max3A_6 : vector<64x128xf32>
    %get3A_7 = arith.constant 0 : index
    %get3A_8 = arith.constant 0 : index
    %get3A_9 = vector.load %arg2[%get3A_7, %get3A_8] : memref<128x64xf32, #tpu.memory_space<vmem>>, vector<128x64xf32>
    %dot_general3A = arith.constant dense<0.000000e+00> : vector<64x64xf32>
    %dot_general3A_10 = tpu.matmul %div3A, %get3A_9, %dot_general3A {dimension_numbers = #tpu.dot_dimension_numbers<[1], [0], [0], [1], [0, 0, 1, 1], [], []>, transpose_lhs_hint = false} : vector<64x128xf32>, vector<128x64xf32>, vector<64x64xf32> -> vector<64x64xf32>
    %get3A_11 = arith.constant 0 : index
    %get3A_12 = arith.constant 0 : index
    %get3A_13 = vector.load %arg3[%get3A_11, %get3A_12] : memref<1x64xf32, #tpu.memory_space<vmem>>, vector<1x64xf32>
    %add3A = vector.broadcast %get3A_13 : vector<1x64xf32> to vector<64x64xf32>
    %add3A_14 = arith.addf %dot_general3A_10, %add3A : vector<64x64xf32>
    %max3A_15 = arith.constant 0.000000e+00 : f32
    %max3A_16 = vector.broadcast %max3A_15 : f32 to vector<64x64xf32>
    %max3A_17 = arith.maximumf %add3A_14, %max3A_16 : vector<64x64xf32>
    %get3A_18 = arith.constant 0 : index
    %get3A_19 = arith.constant 0 : index
    %get3A_20 = vector.load %arg4[%get3A_18, %get3A_19] : memref<64x32xf32, #tpu.memory_space<vmem>>, vector<64x32xf32>
    %dot_general3A_21 = arith.constant dense<0.000000e+00> : vector<64x32xf32>
    %dot_general3A_22 = tpu.matmul %max3A_17, %get3A_20, %dot_general3A_21 {dimension_numbers = #tpu.dot_dimension_numbers<[1], [0], [0], [1], [0, 0, 1, 1], [], []>, transpose_lhs_hint = false} : vector<64x64xf32>, vector<64x32xf32>, vector<64x32xf32> -> vector<64x32xf32>
    %get3A_23 = arith.constant 0 : index
    %get3A_24 = arith.constant 0 : index
    %get3A_25 = vector.load %arg5[%get3A_23, %get3A_24] : memref<1x32xf32, #tpu.memory_space<vmem>>, vector<1x32xf32>
    %add3A_26 = vector.broadcast %get3A_25 : vector<1x32xf32> to vector<64x32xf32>
    %add3A_27 = arith.addf %dot_general3A_22, %add3A_26 : vector<64x32xf32>
    %max3A_28 = arith.constant 0.000000e+00 : f32
    %max3A_29 = vector.broadcast %max3A_28 : f32 to vector<64x32xf32>
    %max3A_30 = arith.maximumf %add3A_27, %max3A_29 : vector<64x32xf32>
    %get3A_31 = arith.constant 0 : index
    %get3A_32 = arith.constant 0 : index
    %get3A_33 = vector.load %arg6[%get3A_31, %get3A_32] : memref<32x16xf32, #tpu.memory_space<vmem>>, vector<32x16xf32>
    %dot_general3A_34 = arith.constant dense<0.000000e+00> : vector<64x16xf32>
    %dot_general3A_35 = tpu.matmul %max3A_30, %get3A_33, %dot_general3A_34 {dimension_numbers = #tpu.dot_dimension_numbers<[1], [0], [0], [1], [0, 0, 1, 1], [], []>, transpose_lhs_hint = false} : vector<64x32xf32>, vector<32x16xf32>, vector<64x16xf32> -> vector<64x16xf32>
    %get3A_36 = arith.constant 0 : index
    %get3A_37 = arith.constant 0 : index
    %get3A_38 = vector.load %arg7[%get3A_36, %get3A_37] : memref<1x16xf32, #tpu.memory_space<vmem>>, vector<1x16xf32>
    %add3A_39 = vector.broadcast %get3A_38 : vector<1x16xf32> to vector<64x16xf32>
    %add3A_40 = arith.addf %dot_general3A_35, %add3A_39 : vector<64x16xf32>
    %swap3A = arith.constant 0 : index
    %swap3A_41 = arith.constant 0 : index
    %swap3A_42 = vector.load %arg8[%swap3A, %swap3A_41] : memref<64x16xf32, #tpu.memory_space<vmem>>, vector<64x16xf32>
    tpu.vector_store %arg8[%swap3A, %swap3A_41], %add3A_40 {strides = array<i32>} : memref<64x16xf32, #tpu.memory_space<vmem>>, vector<64x16xf32>,
    return
  }
}

</mosaic_0001>

<sc_bundles>
// kernel: kernel.10.cloned.1.call-start
scs
__scs_entry_jumppad:
0x0: {  	(pc) =	sbr.rel $0x88, $3  }
0x1: {  	(tag) =	ssettag $0x0;
	lr =	simm.s32 $0x1  }
0x2: {  	[smem:$0x3F85] =	sst lr;
	_ =	strace $0xD0000000  }
0x3: {  	_ = 	snop  }
0x4: {  	_ = 	snop  }
0x5: {  	_ = 	snop  }
0x6: {  	_ = 	snop  }
0x7: {  	_ = 	snop  }
__scs_overlays_trampoline_lowered:
0x8: {  	[smem:$0x3F94] =	sst s0  }
0x9: {  	[smem:$0x3F95] =	sst s1  }
0xa: {  	[smem:$0x3F96] =	sst s2  }
0xb: {  	[smem:$0x3F97] =	sst s3  }
0xc: {  	[smem:$0x3F98] =	sst s4  }
0xd: {  	[smem:$0x3F99] =	sst s5  }
0xe: {  	[smem:$0x3F9A] =	sst s6  }
0xf: {  	[smem:$0x3F9B] =	sst s7  }
0x10: {  	[smem:$0x3F9C] =	sst s8  }
0x11: {  	[smem:$0x3F9D] =	sst s9;
	s0 =	simm.s32 @!p0 $0x0  }
0x12: {  	s1 =	sld [smem:$0x3F83];
	s0 =	simm.s32 @p0 $0x1  }
0x13: {  	[smem:$0x3F9E] =	sst s0;
	s0 =	simm.s32 @!p1 $0x0  }
0x14: {  	s2 =	sld [smem:$0x3F82];
	s0 =	simm.s32 @p1 $0x1  }
0x15: {  	[smem:$0x3F9F] =	sst s0;
	s0 =	simm.s32 @!p2 $0x0  }
0x16: {  	s3 =	sld [smem:$0x3FDB];
	s0 =	simm.s32 @p2 $0x1  }
0x17: {  	s4 =	simm.s32 $0x1BF5;
	[smem:$0x3FA1] =	sst s0  }
0x18: {  	s0 =	sld [smem:$0x3F84];
	_ =	swait.ge [sflag:s4], $0x0  }
0x19: {  	s7 =	sld [smem:$0x3F85]  }
0x1a: {  	s8 =	sadd.s32 $0xFFFFE003, lr  }
0x1b: {  	s9 =	sadd.s32 $0xFFFFFEF7, lr;
	s5 =	simm.s32 $0xFFFFFFFF;
	p2 =	slt.u32 s8, $0xFFFFF086  }
0x1c: {  	p1 =	slt.u32 s9, $0xF7A;
	s5 =	simm.s32 @!p2 $0x0  }
0x1d: {  	s5 =	simm.s32 @p1 $0x1;
	p0 =	seq.s32 s7, s2  }
0x1e: {  	s7 =	smul.u32 @!p0 $0xF7A, s2;
	p2 =	seq.s32 @!p0 s5, $0x0  }
0x1f: {  	s9 =	smul.u32 $0xF7A, s1;
	s8 =	simm.s32 @!p0 $0x1BF5;
	p2 =	por !p2, p0  }
0x20: {  	[sflag:s8] =	ssyncset.s32 @!p0 $0xFFFFF086;
	s6 =	sadd.s32 @!p0 s3, s7;
	s7 =	simm.s32 @!p0 $0x108  }
0x21: {  	s3 =	sadd.s32 s3, s9;
	s6 =	sadd.s32 @!p0 $0x88, s6;
	s7 =	simm.s32 @p2 $0x1082  }
0x22: {  	[simem:s7], [sflag:s8] =	dma.local @!p0 [hbm:s6], $0xF7A  }
0x23: {  	s9 =	sor.u32 $0xD0000000, s2;
	s6 =	simm.s32 $0x108;
	_ =	swait.ge @!p0 [sflag:s8], $0x0  }
0x24: {  	s3 =	sadd.s32 $0x88, s3;
	s6 =	simm.s32 @!p1 $0x1082;
	[sflag:s4] =	ssyncset.s32 $0xFFFFF086  }
0x25: {  	[simem:s6], [sflag:s4] =	dma.local [hbm:s3], $0xF7A  }
0x26: {  	[smem:$0x3F85] =	sst s1;
	(tag) =	ssettag s2;
	_ =	strace s9  }
0x27: {  	s1 =	sld [smem:$0x3F95]  }
0x28: {  	s2 =	sld [smem:$0x3F96]  }
0x29: {  	s4 =	sld [smem:$0x3F98]  }
0x2a: {  	p0 =	seq.s32 s5, $0x0;
	s5 =	sld [smem:$0x3F99]  }
0x2b: {  	s6 =	sld [smem:$0x3F9A]  }
0x2c: {  	s7 =	sld [smem:$0x3F9B]  }
0x2d: {  	s3 =	simm.s32 $0x108;
	s8 =	sld [smem:$0x3F9C]  }
0x2e: {  	s3 =	simm.s32 @!p0 $0x1082;
	s9 =	sld [smem:$0x3F9D]  }
0x2f: {  	lr =	sadd.s32 s0, s3;
	s0 =	sld [smem:$0x3F94]  }
0x30: {  	s3 =	sld [smem:$0x3F97]  }
0x31: {  	[smem:$0x3FA0] =	sst s10  }
0x32: {  	s10 =	sld [smem:$0x3F9E];
	_ =	sdelay $0x3  }
0x33: {  	p0 =	seq.s32 s10, $0x1;
	s10 =	sld [smem:$0x3FA0];
	_ =	sdelay $0x3  }
0x34: {  	[smem:$0x3FA0] =	sst s10  }
0x35: {  	s10 =	sld [smem:$0x3F9F];
	_ =	sdelay $0x3  }
0x36: {  	p1 =	seq.s32 s10, $0x1;
	s10 =	sld [smem:$0x3FA0];
	_ =	sdelay $0x3  }
0x37: {  	[smem:$0x3FA0] =	sst s10  }
0x38: {  	s10 =	sld [smem:$0x3FA1]  }
0x39: {  	_ = 	snop;
	(pc) =	sbr.ind lr, $3  }
0x3a: {  	_ = 	snop  }
0x3b: {  	_ = 	snop  }
0x3c: {  	p2 =	seq.s32 s10, $0x1;
	s10 =	sld [smem:$0x3FA0]  }
0x3d: {  	_ =	shalt  }
0x3e: {  	_ =	shalt  }
0x3f: {  	_ =	shalt  }
0x40: {  	_ =	shalt  }
0x41: {  	_ =	shalt  }
0x42: {  	_ =	shalt  }
0x43: {  	_ =	shalt  }
0x44: {  	_ =	shalt  }
0x45: {  	_ =	shalt  }
0x46: {  	_ =	shalt  }
0x47: {  	_ =	shalt  }
0x48: {  	_ =	shalt  }
0x49: {  	_ =	shalt  }
0x4a: {  	_ =	shalt  }
0x4b: {  	_ =	shalt  }
0x4c: {  	_ =	shalt  }
0x4d: {  	_ =	shalt  }
0x4e: {  	_ =	shalt  }
0x4f: {  	_ =	shalt  }
0x50: {  	_ =	shalt  }
0x51: {  	_ =	shalt  }
0x52: {  	_ =	shalt  }
0x53: {  	_ =	shalt  }
0x54: {  	_ =	shalt  }
0x55: {  	_ =	shalt  }
0x56: {  	_ =	shalt  }
0x57: {  	_ =	shalt  }
0x58: {  	_ =	shalt  }
0x59: {  	_ =	shalt  }
0x5a: {  	_ =	shalt  }
0x5b: {  	_ =	shalt  }
0x5c: {  	_ =	shalt  }
0x5d: {  	_ =	shalt  }
0x5e: {  	_ =	shalt  }
0x5f: {  	_ =	shalt  }
0x60: {  	_ =	shalt  }
0x61: {  	_ =	shalt  }
0x62: {  	_ =	shalt  }
0x63: {  	_ =	shalt  }
0x64: {  	_ =	shalt  }
0x65: {  	_ =	shalt  }
0x66: {  	_ =	shalt  }
0x67: {  	_ =	shalt  }
0x68: {  	_ =	shalt  }
0x69: {  	_ =	shalt  }
0x6a: {  	_ =	shalt  }
0x6b: {  	_ =	shalt  }
0x6c: {  	_ =	shalt  }
0x6d: {  	_ =	shalt  }
0x6e: {  	_ =	shalt  }
0x6f: {  	_ =	shalt  }
0x70: {  	_ =	shalt  }
0x71: {  	_ =	shalt  }
0x72: {  	_ =	shalt  }
0x73: {  	_ =	shalt  }
0x74: {  	_ =	shalt  }
0x75: {  	_ =	shalt  }
0x76: {  	_ =	shalt  }
0x77: {  	_ =	shalt  }
0x78: {  	_ =	shalt  }
0x79: {  	_ =	shalt  }
0x7a: {  	_ =	shalt  }
0x7b: {  	_ =	shalt  }
0x7c: {  	_ =	shalt  }
0x7d: {  	_ =	shalt  }
0x7e: {  	_ =	shalt  }
0x7f: {  	_ =	shalt  }
0x80: {  	_ =	shalt  }
0x81: {  	_ =	shalt  }
0x82: {  	_ =	shalt  }
0x83: {  	_ =	shalt  }
0x84: {  	_ =	shalt  }
0x85: {  	_ =	shalt  }
0x86: {  	_ =	shalt  }
0x87: {  	_ =	shalt  }
.Lfunc_end0:
.L_simem_size_0:
called_computation_lowered:
.L_overlay_start_0:
0x88: {  	s2 =	sld [smem:$0x3FD9]  }
0x89: {  	s3 =	sld [smem:$0x3FFE];
	_ =	sdelay $0x1  }
0x8a: {  	s1 =	srdreg.scid  }
0x8b: {  	s0 =	sand.u32 $0x1, s1  }
0x8c: {  	s16 =	sshll.u32 s0, $0xA;
	s2 =	sadd.s32 s3, s2  }
0x8d: {  	s2 =	sadd.s32 s2, s16  }
0x8e: {  	[smem:$0x3FAC] =	sst s2  }
0x8f: {  	_ = 	snop  }
0x90: {  	(tm) =	ssettm $0x1  }
0x91: {  	s17 =	sld [smem:$0x3FFB];
	_ =	sdelay $0x3  }
0x92: {  	_ =	strace s17  }
0x93: {  	s2 =	sld [smem:$0x3FFC];
	_ =	sdelay $0x3  }
0x94: {  	_ =	strace s2  }
0x95: {  	s2 =	sld [smem:$0x3FFD];
	_ =	sdelay $0x3  }
0x96: {  	_ =	strace s2  }
0x97: {  	_ =	strace $0x8FFFFFFF  }
0x98: {  	s18 =	sld [smem:$0x3FDB];
	_ =	sdelay $0x1  }
0x99: {  	s19 =	simm.s32 $_scs_section_size  }
0x9a: {  	s4 =	simm.s32 $_size__tile_overlayer_lowered;
	s5 =	simm.s32 $_tile_overlayer_lowered  }
0x9b: {  	s22 =	simm.s32 $0x1BFF;
	s21 =	sshll.u32 s5, $0x1;
	s2 =	sadd.s32 s19, s18  }
0x9c: {  	s6 =	simm.s32 $0x0;
	s20 =	sshll.u32 s4, $0x1;
	s4 =	sadd.s32 s21, s2  }
0x9d: {  	[timem:s6], [sflag:s22] =	dma.local [hbm:s4], s20  }
0x9e: {  	_ =	swait.ge [sflag:s22], s20  }
0x9f: {  	s3 =	ssub.s32 $0x0, s20;
	[sflag:s22] =	ssyncset.done $0x0  }
0xa0: {  	[sflag:s22] =	ssyncadd.s32 s3;
	_ =	sdelay $0x1  }
0xa1: {  	s23 =	simm.s32 $0x1B8B  }
0xa2: {  	_ =	swait.ge [sflag:s23], $0x1  }
0xa3: {  	[sflag:s23] =	ssyncset.done $0x0  }
0xa4: {  	s25 =	simm.s32 $0x1B8E;
	s24 =	sld [smem:$0x3FFE];
	[sflag:s23] =	ssyncadd.s32 $0xFFFFFFFF  }
0xa5: {  	s26 =	simm.s32 $execute0_lowered;
	[smem:$0x3FD2] =	sst s25  }
0xa6: {  	s4 =	sshll.u32 s26, $0x1;
	_ =	strace $0x80000046;
	[dreg:$0x1] =	wrdreg $0xFFFFFFFF  }
0xa7: {  	s28 =	simm.s32 $_size_execute0_lowered;
	s2 =	sadd.s32 s2, s4;
	[dreg:$0x0] =	wrdreg $0x0  }
0xa8: {  	s4 =	sshll.u32 s28, $0x1;
	[dreg:$0x2] =	wrdreg s2  }
0xa9: {  	[dreg:$0x3] =	wrdreg s4  }
0xaa: {  	[dreg:$0x4] =	wrdreg $0xC0  }
0xab: {  	_ =	task [dreg:s6], $0x5FFFF  }
0xac: {  	[dreg:$0x1] =	wrdreg $0xFFFFFFFF  }
0xad: {  	[dreg:$0x0] =	wrdreg $0x60  }
0xae: {  	[dreg:$0x2] =	wrdreg s24  }
0xaf: {  	[dreg:$0x3] =	wrdreg $0xBFE00  }
0xb0: {  	[dreg:$0x4] =	wrdreg $0x9  }
0xb1: {  	_ =	task.clear_ibuf [dreg:s6], $0x5FFFF;
	_ =	strace $0x90000046  }
0xb2: {  	s29 =	simm.s32 $0x9;
	_ =	strace $0x80000048  }
0xb3: {  	_ =	swait.ge [sflag:s29], $0x1  }
0xb4: {  	[sflag:s29] =	ssyncadd.s32 $0xFFFFFFFF  }
0xb5: {  	_ =	strace $0x90000048  }
0xb6: {  	_ =	sfence  }
0xb7: {  	s30 =	sld [smem:$0x0];
	_ =	sdelay $0x2  }
0xb8: {  	s31 =	sshll.u32 s1, $0xD;
	s1 =	sshrl.u32 s1, $0x2  }
0xb9: {  	s3 =	sand.u32 $0x4000, s31;
	s1 =	sadd.s32 s1, s30  }
0xba: {  	s0 =	sor.u32 s3, s0;
	s1 =	sshll.u32 s1, $0x11  }
0xbb: {  	s0 =	sor.u32 s1, s0  }
0xbc: {  	s0 =	sadd.s32 $0x8F2B, s0  }
0xbd: {  	[sflag:s0] =	ssyncadd.remote.s32 $0x1  }
0xbe: {  	_ =	sfence.sel $0xFFFF  }
0xbf: {  	[dreg:$0x0] =	wrdreg $0xFFFFFFFF;
	(pc) =	sbr.abs _section_cstart, $3  }
0xc0: {  	[dreg:$0x1] =	wrdreg $0xFFFFFFFF  }
0xc1: {  	_ =	task.clear_ibuf [dreg:s6], $0x2FFFF;
	_ =	strace $0x9FFFFFFF  }
0xc2: {  	(tm) =	ssettm $0x7FFFFFFF  }
0xc3: {  	_ =	shalt  }
tec
execute0_lowered:
.L_overlay_start_1:
0x0: {  	(tag) =	ssettag $0x1  }
0x1: {  	s0 =	rddreg [dreg:$0x0]  }
0x2: {  	s1 =	rddreg [dreg:$0x1];
	s2 =	simm.s32 $0x0  }
0x3: {  	s21 =	srdreg.scid;
	s13 =	stileid.u32;
	s19 =	simm.s32 $0x8DE0  }
0x4: {  	s20 =	simm.s32 $0x2;
	s28 =	simm.s32 $0xF0;
	s29 =	simm.s32 $0x1AE0  }
0x5: {  	s30 =	simm.s32 $0x5BE0;
	s31 =	simm.s32 $0x190;
	[smem:$0x7FF] =	sst s2  }
0x6: {  	s2 =	sand.u32 $0x1, s21;
	s3 =	smul.u32 $0x280, s13;
	s4 =	sadd.s32 $0x57A00, s0  }
0x7: {  	s5 =	sadd.s32 $0x9800, s0;
	s7 =	sadd.s32 $0x12EA00, s0;
	s10 =	smul.u32 $0x32000, s13  }
0x8: {  	s6 =	sadd.s32 $0x88800, s0;
	s8 =	sadd.s32 $0x124C00, s0;
	s13 =	smul.u32 $0x4E20, s13  }
0x9: {  	v0 =	vimm.s32 $0xFEDCBA98;
	s0 =	sadd.s32 $0x138800, s0;
	s21 =	simm.s32 $0x140;
	s9 =	smul.u32 $0x2800, s2  }
0xa: {  	v1 =	vimm.s32 $0x76543210;
	v0 =	vunpack.c.l.s4.s8 v0;
	_ =	strace $0x80000047;
	s11 =	ssub.s32 $0x2, s2;
	s2 =	smul.u32 $0x2710, s2  }
0xb: {  	v2 =	vimm.s32 $0x32107654;
	v3 =	vimm.s32 $0xDCFE98BA;
	v1 =	vunpack.c.l.s4.s8 v1;
	s22 =	sshrl.u32 s11, $0x1;
	s10 =	sshrl.u32 s10, $0x2;
	s3 =	sadd.s32 s3, s9  }
0xc: {  	v4 =	vimm.s32 $0x54761032;
	v5 =	vimm.s32 $0xEFCDAB89;
	v0 =	vunpack.c.0.s8.s32 v0;
	s14 =	ssub.s32 s11, s22;
	s18 =	sadd.s32 s10, s1;
	s12 =	smul.u32 $0x50, s3  }
0xd: {  	v6 =	vimm.s32 $0x67452301;
	vm0 =	vmmov $0xf;
	v1 =	vunpack.c.0.s8.s32 v1;
	s22 =	simm.s32 $0x1;
	s3 =	smul.u32 $0xA, s3;
	s26 =	smax.u32 s14, $0x1  }
0xe: {  	v2 =	vunpack.c.l.s4.s8 v2;
	v3 =	vunpack.c.l.s4.s8 v3;
	v0 =	vand.u32 $0xF, v0;
	s17 =	sadd.s32 $0x9600, s18;
	[dreg:$0x8] =	wrdreg s26;
	s12 =	sshrl.u32 s12, $0x3  }
0xf: {  	v4 =	vunpack.c.l.s4.s8 v4;
	v0 =	vcombine.low v0, v1;
	v1 =	vimm.s32 $0xBA98FEDC;
	[dreg:$0x3] =	wrdreg s17;
	s15 =	sadd.s32 s0, s12;
	s0 =	sadd.s32 s0, s3  }
0x10: {  	v5 =	vunpack.c.l.s4.s8 v5;
	v6 =	vunpack.c.l.s4.s8 v6;
	s10 =	sadd.s32 $0x3200, s18;
	v1 =	vunpack.c.l.s4.s8 v1;
	s23 =	sadd.s32 $0x640, s15;
	[dreg:$0x5] =	wrdreg s0  }
0x11: {  	v2 =	vunpack.c.0.s8.s32 v2;
	v3 =	vunpack.c.0.s8.s32 v3;
	v4 =	vunpack.c.0.s8.s32 v4;
	s16 =	sadd.s32 $0x6400, s18;
	s24 =	sadd.s32 $0xC80, s15;
	[dreg:$0x4] =	wrdreg s23  }
0x12: {  	v5 =	vunpack.c.0.s8.s32 v5;
	v6 =	vunpack.c.0.s8.s32 v6;
	s26 =	simm.s32 $0x33E0;
	s25 =	sadd.s32 $0x12C0, s15;
	v7 =	vunpack.c.0.s8.s32 v1;
	[dreg:$0x6] =	wrdreg s24  }
0x13: {  	vm1 =	vcmask $0x1F24;
	v3 =	vcombine.low v4, v3;
	v1 =	vmov s2;
	s0 =	simm.s32 $0xA6E0;
	s2 =	simm.s32 $0x0;
	[dreg:$0x7] =	wrdreg s25  }
0x14: {  	v4 =	vimm.f32 $0.0e+00;
	v5 =	vcombine.low v6, v5;
	s23 =	simm.s32 $0x50;
	s24 =	simm.s32 $0xA0;
	s25 =	simm.s32 $0x1E0;
	v2 =	vcombine.low v2, v7  }
.LBB2_1:
0x15: {  	s14 =	simm.s32 $0x140;
	s3 =	simm.s32 $0x0  }
.LBB2_2:
0x16: {  	p0 =	sne.s32 s14, $0xC6C0;
	[tilespmem:s3+$0x8E20] =	vst v4;
	s15 =	smov.u32 s14;
	s14 =	sadd.s32 $0x140, s14  }
.Ltmp0:
0x17: {  	[tilespmem:s3+$0x8E10] =	vst v4;
	(pc) =	sbr.rel @p0 .LBB2_2-.Ltmp0, $4  }
0x18: {  	[tilespmem:s3+$0x8E00] =	vst v4  }
0x19: {  	[tilespmem:s3+$0x8DE0] =	vst v4  }
0x1a: {  	[tilespmem:s3+$0x8DF0] =	vst v4  }
0x1b: {  	s3 =	sshra.s32 s15, $0x2  }
0x1c: {  	[tilespmem:s3+$0x8E20] =	vst v4  }
0x1d: {  	[tilespmem:s3+$0x8E10] =	vst v4  }
0x1e: {  	[tilespmem:s3+$0x8E00] =	vst v4  }
0x1f: {  	[tilespmem:s3+$0x8DE0] =	vst v4  }
0x20: {  	[tilespmem:s3+$0x8DF0] =	vst v4  }
0x21: {  	[spmem:s18] =	stream.linear.scatter [tilespmem:s19], [sflag:$0x2], $0x3200, $0x38;
	[tilespmem:$0x187E0] =	vst v63  }
0x22: {  	_ =	swait.ge [sflag:s20], $0x3200  }
0x23: {  	[sflag:s20] =	ssyncset.done $0x0  }
0x24: {  	[sflag:s20] =	ssyncadd.s32 $0xFFFFCE00  }
0x25: {  	[spmem:s10] =	stream.linear.scatter [tilespmem:s19], [sflag:$0x2], $0x3200, $0x38;
	[tilespmem:$0x187E0] =	vst v63  }
0x26: {  	_ =	swait.ge [sflag:s20], $0x3200  }
0x27: {  	[sflag:s20] =	ssyncset.done $0x0  }
0x28: {  	[sflag:s20] =	ssyncadd.s32 $0xFFFFCE00  }
0x29: {  	[spmem:s16] =	stream.linear.scatter [tilespmem:s19], [sflag:$0x2], $0x3200, $0x38;
	[tilespmem:$0x187E0] =	vst v63  }
0x2a: {  	_ =	swait.ge [sflag:s20], $0x3200  }
0x2b: {  	[sflag:s20] =	ssyncset.done $0x0  }
0x2c: {  	[sflag:s20] =	ssyncadd.s32 $0xFFFFCE00  }
0x2d: {  	[spmem:s17] =	stream.linear.scatter [tilespmem:s19], [sflag:$0x2], $0x3200, $0x38;
	[tilespmem:$0x187E0] =	vst v63  }
0x2e: {  	_ =	swait.ge [sflag:s20], $0x3200  }
0x2f: {  	s9 =	smov.u32 s18;
	[sflag:s20] =	ssyncset.done $0x0  }
0x30: {  	s11 =	smov.u32 s10;
	s12 =	smov.u32 s16;
	[sflag:s20] =	ssyncadd.s32 $0xFFFFCE00  }
0x31: {  	s14 =	simm.s32 $0x0;
	s15 =	simm.s32 $0x0;
	[bflag:$0x0] =	sbarrier.arrive $0xFFFF  }
.LBB2_4:
0x32: {  	s3 =	smul.u32 $0xA0, s15;
	_ =	sdelay $0x1  }
0x33: {  	s3 =	sadd.s32 s13, s3  }
0x34: {  	s16 =	smulhi.u32 $0xCCCCCCCD, s3;
	_ =	sdelay $0x1  }
0x35: {  	s16 =	sshrl.u32 s16, $0x6  }
0x36: {  	s16 =	smul.u32 $0x50, s16;
	_ =	sdelay $0x1  }
0x37: {  	s16 =	sshrl.u32 s16, $0x3  }
0x38: {  	s3 =	sshll.u32 s3, $0x1;
	s17 =	sadd.s32 s7, s16  }
0x39: {  	[tilespmem:s14], [sflag:$0x1] =	stream.linear.gather [hbm4b:s17+s14], $0xA0, $0x38;
	[tilespmem:$0x187E0] =	vst v63  }
0x3a: {  	s3 =	sand.u32 $0x1FFFFFC0, s3;
	s16 =	sadd.s32 s8, s16  }
0x3b: {  	[tilespmem:s21], [sflag:$0x1] =	stream.linear.gather [hbm4b:s16+s14], $0xA0, $0x38;
	[tilespmem:$0x187E0] =	vst v63  }
0x3c: {  	s3 =	sadd.s32 s6, s3;
	s16 =	simm.s32 $0x83E0  }
0x3d: {  	[tilespmem:s16], [sflag:$0x1] =	stream.linear.gather [hbm4b:s3+s14], $0xA00, $0x38;
	[tilespmem:$0x187E0] =	vst v63  }
0x3e: {  	_ =	swait.ge [sflag:s22], $0xA0  }
0x3f: {  	[sflag:s22] =	ssyncset.done $0x0  }
0x40: {  	[sflag:s22] =	ssyncadd.s32 $0xFFFFFF60  }
0x41: {  	_ =	swait.ge [sflag:s22], $0xA0  }
0x42: {  	[sflag:s22] =	ssyncset.done $0x0  }
0x43: {  	[sflag:s22] =	ssyncadd.s32 $0xFFFFFF60  }
0x44: {  	v6 =	vld [tilespmem:$0x0]  }
0x45: {  	v7 =	vld [tilespmem:$0x140]  }
0x46: {  	v8 =	vld [tilespmem:$0x10]  }
0x47: {  	v9 =	vld [tilespmem:$0x150]  }
0x48: {  	v10 =	vld [tilespmem:$0x20]  }
0x49: {  	v11 =	vld [tilespmem:$0x160];
	v6 =	vadd.s32 v1, v6  }
0x4a: {  	[tilespmem:$0x0] =	vst v6;
	v6 =	vadd.s32 v1, v7;
	v7 =	vld [tilespmem:$0x30]  }
0x4b: {  	[tilespmem:$0xA0] =	vst v6;
	v6 =	vadd.s32 v1, v8;
	v8 =	vld [tilespmem:$0x170]  }
0x4c: {  	[tilespmem:$0x10] =	vst v6;
	v6 =	vadd.s32 v1, v9;
	v9 =	vld [tilespmem:$0x40]  }
0x4d: {  	[tilespmem:$0xB0] =	vst v6;
	v6 =	vadd.s32 v1, v10;
	v10 =	vld [tilespmem:$0x180]  }
0x4e: {  	[tilespmem:$0x20] =	vst v6;
	v6 =	vadd.s32 v1, v11;
	v11 =	vld [tilespmem:$0x50]  }
0x4f: {  	[tilespmem:$0xC0] =	vst v6;
	v6 =	vadd.s32 v1, v7;
	v7 =	vld [tilespmem:$0x190]  }
0x50: {  	[tilespmem:$0x30] =	vst v6;
	v6 =	vadd.s32 v1, v8;
	v8 =	vld [tilespmem:$0x60]  }
0x51: {  	[tilespmem:$0xD0] =	vst v6;
	v6 =	vadd.s32 v1, v9;
	v9 =	vld [tilespmem:$0x1A0]  }
0x52: {  	[tilespmem:$0x40] =	vst v6;
	v6 =	vadd.s32 v1, v10;
	v10 =	vld [tilespmem:$0x70]  }
0x53: {  	[tilespmem:$0xE0] =	vst v6;
	v6 =	vadd.s32 v1, v11;
	v11 =	vld [tilespmem:$0x1B0]  }
0x54: {  	[tilespmem:$0x50] =	vst v6;
	v6 =	vadd.s32 v1, v7;
	v7 =	vld [tilespmem:$0x80]  }
0x55: {  	[tilespmem:$0xF0] =	vst v6;
	v6 =	vadd.s32 v1, v8;
	v8 =	vld [tilespmem:$0x1C0]  }
0x56: {  	[tilespmem:$0x60] =	vst v6;
	v6 =	vadd.s32 v1, v9;
	v9 =	vld [tilespmem:$0x90]  }
0x57: {  	[tilespmem:$0x100] =	vst v6;
	v6 =	vadd.s32 v1, v10;
	v10 =	vld [tilespmem:$0x1D0]  }
0x58: {  	[tilespmem:$0x70] =	vst v6;
	v6 =	vadd.s32 v1, v11  }
0x59: {  	[tilespmem:$0x110] =	vst v6;
	v6 =	vadd.s32 v1, v7  }
0x5a: {  	[tilespmem:$0x80] =	vst v6;
	v6 =	vadd.s32 v1, v8  }
0x5b: {  	[tilespmem:$0x120] =	vst v6;
	v6 =	vadd.s32 v1, v9  }
0x5c: {  	[tilespmem:$0x90] =	vst v6;
	v6 =	vadd.s32 v1, v10  }
0x5d: {  	[tilespmem:$0x130] =	vst v6  }
0x5e: {  	[tilespmem:s25], [sflag:$0x1] =	stream.indirect.gather [hbm4b:s4+s23], $0x50, s24, s23, $0xb8;
	[tilespmem:$0x187E0] =	vst v63  }
0x5f: {  	_ = 	snop  }
0x60: {  	[tilespmem:s26], [sflag:$0x1] =	stream.indirect.gather [hbm4b:s5+s23], $0x80, s14, s23, $0xb8;
	[tilespmem:$0x187E0] =	vst v63  }
0x61: {  	_ = 	snop  }
0x62: {  	[tilespmem:s29], [sflag:$0x1] =	stream.indirect.gather [hbm4b:s4+s23], $0x50, s28, s23, $0xb8;
	[tilespmem:$0x187E0] =	vst v63  }
0x63: {  	_ = 	snop  }
0x64: {  	[tilespmem:s30], [sflag:$0x1] =	stream.indirect.gather [hbm4b:s5+s23], $0x80, s23, s23, $0xb8;
	[tilespmem:$0x187E0] =	vst v63  }
0x65: {  	_ =	swait.ge [sflag:s22], $0xA00  }
0x66: {  	[sflag:s22] =	ssyncset.done $0x0  }
0x67: {  	[sflag:s22] =	ssyncadd.s32 $0xFFFFF600  }
0x68: {  	_ =	swait.ge [sflag:s22], $0x1900  }
0x69: {  	[sflag:s22] =	ssyncset.done $0x0  }
0x6a: {  	[sflag:s22] =	ssyncadd.s32 $0xFFFFE700  }
0x6b: {  	_ =	swait.ge [sflag:s22], $0x2800  }
0x6c: {  	[sflag:s22] =	ssyncset.done $0x0  }
0x6d: {  	[sflag:s22] =	ssyncadd.s32 $0xFFFFD800  }
0x6e: {  	_ =	swait.ge [sflag:s22], $0x1900  }
0x6f: {  	[sflag:s22] =	ssyncset.done $0x0  }
0x70: {  	[sflag:s22] =	ssyncadd.s32 $0xFFFFE700  }
0x71: {  	_ =	swait.ge [sflag:s22], $0x2800  }
0x72: {  	[sflag:s22] =	ssyncset.done $0x0  }
0x73: {  	s10 =	simm.s32 $0x0;
	[sflag:s22] =	ssyncadd.s32 $0xFFFFD800  }
0x74: {  	v6 =	vld [tilespmem:s10+$0x200]  }
0x75: {  	v7 =	vld [tilespmem:s10+$0x1E0]  }
0x76: {  	s18 =	simm.s32 $0x3420;
	v8 =	vld [tilespmem:s10+$0x1F0]  }
0x77: {  	v9 =	vld [tilespmem:s18+$0xFFFFFFD0]  }
0x78: {  	v10 =	vld [tilespmem:s18+$0xFFFFFFC0]  }
0x79: {  	v11 =	vld [tilespmem:s18+$0xFFFFFFE0]  }
0x7a: {  	v12 =	vld [tilespmem:s18+$0xFFFFFFF0]  }
0x7b: {  	v13 =	vld [tilespmem:s16+$0x0]  }
0x7c: {  	v14 =	vld [tilespmem:s10+$0x210]  }
0x7d: {  	v7 =	vmul.f32 v10, v7;
	v8 =	vmul.f32 v9, v8;
	v9 =	vld [tilespmem:s10+$0x220];
	_ =	sdelay $0x1  }
0x7e: {  	v6 =	vmul.f32 v11, v6;
	v7 =	vadd.f32 v8, v7;
	_ =	sdelay $0x1  }
0x7f: {  	v6 =	vadd.f32 v6, v7;
	v7 =	vmul.f32 v12, v14  }
0x80: {  	v8 =	vmul.f32 v9, v13  }
0x81: {  	v6 =	vadd.f32 v7, v6  }
0x82: {  	v7 =	vnsel vm0, $0x0, v8  }
0x83: {  	v6 =	vadd.f32 v7, v6;
	_ =	sdelay $0x1  }
0x84: {  	v7 =	vperm.xlane v6, v0;
	_ =	sdelay $0x1  }
0x85: {  	v6 =	vadd.f32 v6, v7;
	_ =	sdelay $0x1  }
0x86: {  	v7 =	vperm.xlane v6, v2;
	_ =	sdelay $0x1  }
0x87: {  	v6 =	vadd.f32 v6, v7;
	_ =	sdelay $0x1  }
0x88: {  	v7 =	vperm.xlane v6, v3;
	_ =	sdelay $0x1  }
0x89: {  	v6 =	vadd.f32 v6, v7;
	_ =	sdelay $0x1  }
0x8a: {  	v7 =	vperm.xlane v6, v5;
	_ =	sdelay $0x1  }
0x8b: {  	v6 =	vadd.f32 v6, v7;
	_ =	sdelay $0x1  }
0x8c: {  	v6 =	vmul.f32 $1.250000000e-01, v6;
	_ =	sdelay $0x1  }
0x8d: {  	v6 =	vmul.f32 $1.442695020e+00, v6;
	_ =	sdelay $0x1  }
0x8e: {  	(erf) = vpow2.f32 v6;
	_ =	sdelay $0x4  }
0x8f: {  	v6 =	vld [tilespmem:s18+$0x0];
	_ =	sdelay $0x3  }
0x90: {  	v7 =	vpop (erf)  }
0x91: {  	v6 =	vmul.f32 v7, v6;
	_ =	sdelay $0x1  }
0x92: {  	[tilespmem:s10+$0x8DE0] =	vst v6  }
0x93: {  	v6 =	vld [tilespmem:s18+$0x10];
	_ =	sdelay $0x4  }
0x94: {  	v6 =	vmul.f32 v7, v6;
	_ =	sdelay $0x1  }
0x95: {  	[tilespmem:s10+$0x8DF0] =	vst v6  }
0x96: {  	v6 =	vld [tilespmem:s18+$0x20];
	_ =	sdelay $0x4  }
0x97: {  	v6 =	vmul.f32 v7, v6;
	_ =	sdelay $0x1  }
0x98: {  	v8 =	vnsel vm0, $0x0, v7;
	[tilespmem:s10+$0x8E00] =	vst v6  }
0x99: {  	v8 =	vmul.f32 v8, v13;
	v9 =	vld [tilespmem:s18+$0x30]  }
0x9a: {  	v6 =	vsel vm1, $0x0, v7  }
0x9b: {  	v6 =	vadd.f32 v8, v6;
	_ =	sdelay $0x1  }
0x9c: {  	s17 =	simm.s32 $0x50;
	[tilespmem:s10+$0x8E20] =	vst v6  }
0x9d: {  	v6 =	vld [tilespmem:s17+$0x200];
	v9 =	vmul.f32 v9, v7  }
0x9e: {  	v8 =	vld [tilespmem:s17+$0x1F0]  }
0x9f: {  	s18 =	simm.s32 $0x34A0;
	v7 =	vld [tilespmem:s17+$0x1E0];
	[tilespmem:s10+$0x8E10] =	vst v9  }
0xa0: {  	s3 =	simm.s32 $0x280;
	v9 =	vld [tilespmem:s18+$0xFFFFFFD0]  }
.LBB2_5:
0xa1: {  	p0 =	sne.s32 s3, $0xC6C0;
	v10 =	vld [tilespmem:s18+$0xFFFFFFC0]  }
0xa2: {  	v11 =	vld [tilespmem:s18+$0xFFFFFFE0]  }
0xa3: {  	s16 =	sadd.s32 $0x10, s16;
	v12 =	vld [tilespmem:s18+$0xFFFFFFF0]  }
0xa4: {  	v13 =	vld [tilespmem:s16+$0x0]  }
0xa5: {  	v14 =	vld [tilespmem:s17+$0x210]  }
0xa6: {  	v8 =	vmul.f32 v9, v8;
	v7 =	vmul.f32 v10, v7;
	v9 =	vld [tilespmem:s17+$0x220];
	_ =	sdelay $0x1  }
0xa7: {  	v6 =	vmul.f32 v11, v6;
	v7 =	vadd.f32 v8, v7;
	_ =	sdelay $0x1  }
0xa8: {  	v6 =	vadd.f32 v6, v7;
	v7 =	vmul.f32 v12, v14  }
0xa9: {  	v8 =	vmul.f32 v9, v13  }
0xaa: {  	v6 =	vadd.f32 v7, v6  }
0xab: {  	v7 =	vnsel vm0, $0x0, v8  }
0xac: {  	v6 =	vadd.f32 v7, v6;
	_ =	sdelay $0x1  }
0xad: {  	v7 =	vperm.xlane v6, v0;
	_ =	sdelay $0x1  }
0xae: {  	v6 =	vadd.f32 v6, v7;
	_ =	sdelay $0x1  }
0xaf: {  	v7 =	vperm.xlane v6, v2;
	_ =	sdelay $0x1  }
0xb0: {  	v6 =	vadd.f32 v6, v7;
	_ =	sdelay $0x1  }
0xb1: {  	v7 =	vperm.xlane v6, v3;
	_ =	sdelay $0x1  }
0xb2: {  	v6 =	vadd.f32 v6, v7;
	_ =	sdelay $0x1  }
0xb3: {  	v7 =	vperm.xlane v6, v5;
	_ =	sdelay $0x1  }
0xb4: {  	v6 =	vadd.f32 v6, v7;
	_ =	sdelay $0x1  }
0xb5: {  	v6 =	vmul.f32 $1.250000000e-01, v6;
	_ =	sdelay $0x1  }
0xb6: {  	v6 =	vmul.f32 $1.442695020e+00, v6;
	_ =	sdelay $0x1  }
0xb7: {  	(erf) = vpow2.f32 v6;
	_ =	sdelay $0x4  }
0xb8: {  	v6 =	vld [tilespmem:s18+$0x0];
	_ =	sdelay $0x3  }
0xb9: {  	v7 =	vpop (erf)  }
0xba: {  	v6 =	vmul.f32 v7, v6;
	v8 =	vnsel vm0, $0x0, v7;
	v9 =	vsel vm1, $0x0, v7  }
0xbb: {  	v8 =	vmul.f32 v8, v13  }
0xbc: {  	[tilespmem:s17+$0x8DE0] =	vst v6  }
0xbd: {  	v6 =	vld [tilespmem:s18+$0x10];
	v8 =	vadd.f32 v8, v9;
	_ =	sdelay $0x4  }
0xbe: {  	v6 =	vmul.f32 v7, v6;
	_ =	sdelay $0x1  }
0xbf: {  	[tilespmem:s17+$0x8DF0] =	vst v6  }
0xc0: {  	v6 =	vld [tilespmem:s18+$0x20];
	_ =	sdelay $0x4  }
0xc1: {  	v6 =	vmul.f32 v7, v6;
	_ =	sdelay $0x1  }
0xc2: {  	[tilespmem:s17+$0x8E00] =	vst v6  }
0xc3: {  	v9 =	vld [tilespmem:s18+$0x30];
	[tilespmem:s17+$0x8E20] =	vst v8;
	_ =	sdelay $0x3  }
.Ltmp1:
0xc4: {  	s10 =	sshra.s32 s3, $0x2;
	(pc) =	sbr.rel @p0 .LBB2_5-.Ltmp1, $4  }
0xc5: {  	v6 =	vld [tilespmem:s10+$0x200];
	v9 =	vmul.f32 v9, v7  }
0xc6: {  	v7 =	vld [tilespmem:s10+$0x1E0]  }
0xc7: {  	s18 =	sadd.s32 $0x80, s18;
	v8 =	vld [tilespmem:s10+$0x1F0];
	[tilespmem:s17+$0x8E10] =	vst v9;
	s17 =	smov.u32 s10  }
0xc8: {  	s3 =	sadd.s32 $0x140, s3;
	v9 =	vld [tilespmem:s18+$0xFFFFFFD0]  }
0xc9: {  	v10 =	vld [tilespmem:s18+$0xFFFFFFC0]  }
0xca: {  	v11 =	vld [tilespmem:s18+$0xFFFFFFE0]  }
0xcb: {  	v12 =	vld [tilespmem:s18+$0xFFFFFFF0]  }
0xcc: {  	v14 =	vld [tilespmem:s17+$0x210]  }
0xcd: {  	s3 =	sadd.s32 $0x10, s16;
	v60 =	vld [tilespmem:s17+$0x220]  }
0xce: {  	v13 =	vld [tilespmem:s3+$0x0];
	v8 =	vmul.f32 v9, v8;
	v7 =	vmul.f32 v10, v7;
	_ =	sdelay $0x1  }
0xcf: {  	v6 =	vmul.f32 v11, v6;
	v7 =	vadd.f32 v8, v7;
	_ =	sdelay $0x1  }
0xd0: {  	v6 =	vadd.f32 v6, v7;
	v7 =	vmul.f32 v12, v14  }
0xd1: {  	v61 =	vmul.f32 v60, v13  }
0xd2: {  	v6 =	vadd.f32 v7, v6  }
0xd3: {  	v7 =	vnsel vm0, $0x0, v61  }
0xd4: {  	v6 =	vadd.f32 v7, v6;
	_ =	sdelay $0x1  }
0xd5: {  	v7 =	vperm.xlane v6, v0;
	_ =	sdelay $0x1  }
0xd6: {  	v6 =	vadd.f32 v6, v7;
	_ =	sdelay $0x1  }
0xd7: {  	v7 =	vperm.xlane v6, v2;
	_ =	sdelay $0x1  }
0xd8: {  	v6 =	vadd.f32 v6, v7;
	_ =	sdelay $0x1  }
0xd9: {  	v7 =	vperm.xlane v6, v3;
	_ =	sdelay $0x1  }
0xda: {  	v6 =	vadd.f32 v6, v7;
	_ =	sdelay $0x1  }
0xdb: {  	v7 =	vperm.xlane v6, v5;
	_ =	sdelay $0x1  }
0xdc: {  	v6 =	vadd.f32 v6, v7;
	_ =	sdelay $0x1  }
0xdd: {  	v6 =	vmul.f32 $1.250000000e-01, v6;
	_ =	sdelay $0x1  }
0xde: {  	v6 =	vmul.f32 $1.442695020e+00, v6;
	_ =	sdelay $0x1  }
0xdf: {  	(erf) = vpow2.f32 v6;
	_ =	sdelay $0x4  }
0xe0: {  	v6 =	vld [tilespmem:s18+$0x0];
	_ =	sdelay $0x3  }
0xe1: {  	v7 =	vpop (erf)  }
0xe2: {  	v6 =	vmul.f32 v7, v6;
	_ =	sdelay $0x1  }
0xe3: {  	[tilespmem:s17+$0x8DE0] =	vst v6  }
0xe4: {  	v6 =	vld [tilespmem:s18+$0x10];
	_ =	sdelay $0x4  }
0xe5: {  	v6 =	vmul.f32 v7, v6;
	_ =	sdelay $0x1  }
0xe6: {  	[tilespmem:s17+$0x8DF0] =	vst v6  }
0xe7: {  	v6 =	vld [tilespmem:s18+$0x20];
	_ =	sdelay $0x4  }
0xe8: {  	v6 =	vmul.f32 v7, v6;
	_ =	sdelay $0x1  }
0xe9: {  	[tilespmem:s17+$0x8E00] =	vst v6  }
0xea: {  	v6 =	vld [tilespmem:s18+$0x30]  }
0xeb: {  	v62 =	vnsel vm0, $0x0, v7  }
0xec: {  	v8 =	vmul.f32 v62, v13  }
0xed: {  	v63 =	vsel vm1, $0x0, v7  }
0xee: {  	v8 =	vadd.f32 v8, v63  }
0xef: {  	v6 =	vmul.f32 v6, v7  }
0xf0: {  	[tilespmem:s17+$0x8E20] =	vst v8  }
0xf1: {  	[tilespmem:s17+$0x8E10] =	vst v6  }
0xf2: {  	[spmem:s1] =	stream.indirect.scatter.add.f32 [tilespmem:s19], [sflag:$0x1], $0x50, s21, s23, $0xb8;
	[tilespmem:$0x187E0] =	vst v63  }
0xf3: {  	s15 =	sadd.s32 $0x1, s15  }
0xf4: {  	[spmem:s1] =	stream.indirect.scatter.add.f32 [tilespmem:s0], [sflag:$0x1], $0x50, s31, s23, $0xb8;
	[tilespmem:$0x187E0] =	vst v63  }
0xf5: {  	p0 =	sne.s32 s15, $0x7D;
	_ =	swait.ge [sflag:s22], $0x1900  }
.Ltmp2:
0xf6: {  	[sflag:s22] =	ssyncset.done $0x0;
	(pc) =	sbr.rel @p0 .LBB2_4-.Ltmp2, $4  }
0xf7: {  	[sflag:s22] =	ssyncadd.s32 $0xFFFFE700  }
0xf8: {  	_ =	swait.ge [sflag:s22], $0x1900  }
0xf9: {  	[sflag:s22] =	ssyncset.done $0x0  }
0xfa: {  	[sflag:s22] =	ssyncadd.s32 $0xFFFFE700  }
0xfb: {  	[bflag:$0x0] =	sbarrier.arrive $0xFFFF  }
0xfc: {  	[tilespmem:s19], [sflag:$0x2] =	stream.linear.gather [spmem:s9], $0x3200, $0x38;
	[tilespmem:$0x187E0] =	vst v63  }
0xfd: {  	_ =	swait.ge [sflag:s20], $0x3200  }
0xfe: {  	[sflag:s20] =	ssyncset.done $0x0  }
0xff: {  	s3 =	simm.s32 $0x0;
	s10 =	rddreg [dreg:$0x5];
	[sflag:s20] =	ssyncadd.s32 $0xFFFFCE00  }
0x100: {  	[hbm4b:s10+s3] =	stream.linear.scatter [tilespmem:s19], [sflag:$0x2], $0x3200, $0x38;
	[tilespmem:$0x187E0] =	vst v63  }
0x101: {  	_ =	swait.ge [sflag:s20], $0x3200  }
0x102: {  	[sflag:s20] =	ssyncset.done $0x0  }
0x103: {  	[sflag:s20] =	ssyncadd.s32 $0xFFFFCE00  }
0x104: {  	[tilespmem:s19], [sflag:$0x2] =	stream.linear.gather [spmem:s11], $0x3200, $0x38;
	[tilespmem:$0x187E0] =	vst v63  }
0x105: {  	_ =	swait.ge [sflag:s20], $0x3200  }
0x106: {  	[sflag:s20] =	ssyncset.done $0x0  }
0x107: {  	s10 =	smov.u32 s11;
	s11 =	rddreg [dreg:$0x4];
	[sflag:s20] =	ssyncadd.s32 $0xFFFFCE00  }
0x108: {  	[hbm4b:s11+s3] =	stream.linear.scatter [tilespmem:s19], [sflag:$0x2], $0x3200, $0x38;
	[tilespmem:$0x187E0] =	vst v63  }
0x109: {  	_ =	swait.ge [sflag:s20], $0x3200  }
0x10a: {  	[sflag:s20] =	ssyncset.done $0x0  }
0x10b: {  	[sflag:s20] =	ssyncadd.s32 $0xFFFFCE00  }
0x10c: {  	[tilespmem:s19], [sflag:$0x2] =	stream.linear.gather [spmem:s12], $0x3200, $0x38;
	[tilespmem:$0x187E0] =	vst v63  }
0x10d: {  	_ =	swait.ge [sflag:s20], $0x3200  }
0x10e: {  	[sflag:s20] =	ssyncset.done $0x0  }
0x10f: {  	s16 =	smov.u32 s12;
	s12 =	rddreg [dreg:$0x6];
	[sflag:s20] =	ssyncadd.s32 $0xFFFFCE00  }
0x110: {  	[hbm4b:s12+s3] =	stream.linear.scatter [tilespmem:s19], [sflag:$0x2], $0x3200, $0x38;
	[tilespmem:$0x187E0] =	vst v63  }
0x111: {  	_ =	swait.ge [sflag:s20], $0x3200  }
0x112: {  	[sflag:s20] =	ssyncset.done $0x0  }
0x113: {  	s17 =	rddreg [dreg:$0x3];
	[sflag:s20] =	ssyncadd.s32 $0xFFFFCE00  }
0x114: {  	[tilespmem:s19], [sflag:$0x2] =	stream.linear.gather [spmem:s17], $0x3200, $0x38;
	[tilespmem:$0x187E0] =	vst v63  }
0x115: {  	_ =	swait.ge [sflag:s20], $0x3200  }
0x116: {  	[sflag:s20] =	ssyncset.done $0x0  }
0x117: {  	s14 =	rddreg [dreg:$0x7];
	[sflag:s20] =	ssyncadd.s32 $0xFFFFCE00  }
0x118: {  	[hbm4b:s14+s3] =	stream.linear.scatter [tilespmem:s19], [sflag:$0x2], $0x3200, $0x38;
	[tilespmem:$0x187E0] =	vst v63  }
0x119: {  	_ =	swait.ge [sflag:s20], $0x3200  }
0x11a: {  	s2 =	sadd.s32 $0x1, s2;
	s15 =	rddreg [dreg:$0x8]  }
0x11b: {  	p0 =	sne.s32 s2, s15  }
.Ltmp3:
0x11c: {  	_ = 	snop;
	(pc) =	sbr.rel @p0 .LBB2_1-.Ltmp3, $3  }
0x11d: {  	_ =	sdelay $0x1  }
0x11e: {  	[sflag:s20] =	ssyncset.done $0x0  }
0x11f: {  	s18 =	smov.u32 s9;
	[sflag:s20] =	ssyncadd.s32 $0xFFFFCE00  }
0x120: {  	_ =	sfence.sel $0x180000  }
0x121: {  	[bflag:$0x0] =	sbarrier.arrive $0xFFFF  }
0x122: {  	_ =	strace $0x90000047  }
0x123: {  	s0 =	stileid.u32;
	[bflag:$0x2] =	sbarrier.arrive $0xFFFF  }
0x124: {  	p0 =	sne.s32 s0, $0x0;
	s0 =	rddreg [dreg:$0x2]  }
0x125: {  	s0 =	sadd.s32 @!p0 $0x100000, s0  }
0x126: {  	[sflag:s0] =	ssyncadd.tile.s32 @!p0 $0x1;
	_ =	shalt  }
.Lfunc_end2:
_tile_overlayer_lowered:
.L_overlay_start_2:
0x127: {  	(tag) =	ssettag $0x2  }
0x128: {  	s0 =	rddreg [dreg:$0x0];
	s2 =	stileid.u32  }
0x129: {  	s1 =	rddreg [dreg:$0x1];
	p0 =	sne.s32 s2, $0x0  }
0x12a: {  	s3 =	rddreg [dreg:$0x2];
	[bflag:$0x3] =	sbarrier.arrive $0xFFFF;
	s2 =	simm.s32 @!p0 $0x1C02  }
0x12b: {  	[timem:s3], [sflag:s2] =	dma.local @!p0 [hbm:s0], s1  }
0x12c: {  	s0 =	simm.s32 @!p0 $0x2  }
0x12d: {  	_ =	swait.ge @!p0 [sflag:s0], s1  }
0x12e: {  	s1 =	ssub.s32 @!p0 $0x0, s1;
	[sflag:s0] =	ssyncset.done @!p0 $0x0  }
0x12f: {  	[sflag:s0] =	ssyncadd.s32 @!p0 s1  }
0x130: {  	[bflag:$0x3] =	sbarrier.arrive $0xFFFF  }
0x131: {  	_ =	shalt  }

// kernel: kernel.13.cloned.1.call-start
scs
__scs_entry_jumppad:
0x0: {  	(pc) =	sbr.rel $0x88, $3  }
0x1: {  	(tag) =	ssettag $0x0;
	lr =	simm.s32 $0x1  }
0x2: {  	[smem:$0x3F85] =	sst lr;
	_ =	strace $0xD0000000  }
0x3: {  	_ = 	snop  }
0x4: {  	_ = 	snop  }
0x5: {  	_ = 	snop  }
0x6: {  	_ = 	snop  }
0x7: {  	_ = 	snop  }
__scs_overlays_trampoline_lowered:
0x8: {  	[smem:$0x3F94] =	sst s0  }
0x9: {  	[smem:$0x3F95] =	sst s1  }
0xa: {  	[smem:$0x3F96] =	sst s2  }
0xb: {  	[smem:$0x3F97] =	sst s3  }
0xc: {  	[smem:$0x3F98] =	sst s4  }
0xd: {  	[smem:$0x3F99] =	sst s5  }
0xe: {  	[smem:$0x3F9A] =	sst s6  }
0xf: {  	[smem:$0x3F9B] =	sst s7  }
0x10: {  	[smem:$0x3F9C] =	sst s8  }
0x11: {  	[smem:$0x3F9D] =	sst s9;
	s0 =	simm.s32 @!p0 $0x0  }
0x12: {  	s1 =	sld [smem:$0x3F83];
	s0 =	simm.s32 @p0 $0x1  }
0x13: {  	[smem:$0x3F9E] =	sst s0;
	s0 =	simm.s32 @!p1 $0x0  }
0x14: {  	s2 =	sld [smem:$0x3F82];
	s0 =	simm.s32 @p1 $0x1  }
0x15: {  	[smem:$0x3F9F] =	sst s0;
	s0 =	simm.s32 @!p2 $0x0  }
0x16: {  	s3 =	sld [smem:$0x3FDB];
	s0 =	simm.s32 @p2 $0x1  }
0x17: {  	s4 =	simm.s32 $0x1BF5;
	[smem:$0x3FA1] =	sst s0  }
0x18: {  	s0 =	sld [smem:$0x3F84];
	_ =	swait.ge [sflag:s4], $0x0  }
0x19: {  	s7 =	sld [smem:$0x3F85]  }
0x1a: {  	s8 =	sadd.s32 $0xFFFFE003, lr  }
0x1b: {  	s9 =	sadd.s32 $0xFFFFFEF7, lr;
	s5 =	simm.s32 $0xFFFFFFFF;
	p2 =	slt.u32 s8, $0xFFFFF086  }
0x1c: {  	p1 =	slt.u32 s9, $0xF7A;
	s5 =	simm.s32 @!p2 $0x0  }
0x1d: {  	s5 =	simm.s32 @p1 $0x1;
	p0 =	seq.s32 s7, s2  }
0x1e: {  	s7 =	smul.u32 @!p0 $0xF7A, s2;
	p2 =	seq.s32 @!p0 s5, $0x0  }
0x1f: {  	s9 =	smul.u32 $0xF7A, s1;
	s8 =	simm.s32 @!p0 $0x1BF5;
	p2 =	por !p2, p0  }
0x20: {  	[sflag:s8] =	ssyncset.s32 @!p0 $0xFFFFF086;
	s6 =	sadd.s32 @!p0 s3, s7;
	s7 =	simm.s32 @!p0 $0x108  }
0x21: {  	s3 =	sadd.s32 s3, s9;
	s6 =	sadd.s32 @!p0 $0x88, s6;
	s7 =	simm.s32 @p2 $0x1082  }
0x22: {  	[simem:s7], [sflag:s8] =	dma.local @!p0 [hbm:s6], $0xF7A  }
0x23: {  	s9 =	sor.u32 $0xD0000000, s2;
	s6 =	simm.s32 $0x108;
	_ =	swait.ge @!p0 [sflag:s8], $0x0  }
0x24: {  	s3 =	sadd.s32 $0x88, s3;
	s6 =	simm.s32 @!p1 $0x1082;
	[sflag:s4] =	ssyncset.s32 $0xFFFFF086  }
0x25: {  	[simem:s6], [sflag:s4] =	dma.local [hbm:s3], $0xF7A  }
0x26: {  	[smem:$0x3F85] =	sst s1;
	(tag) =	ssettag s2;
	_ =	strace s9  }
0x27: {  	s1 =	sld [smem:$0x3F95]  }
0x28: {  	s2 =	sld [smem:$0x3F96]  }
0x29: {  	s4 =	sld [smem:$0x3F98]  }
0x2a: {  	p0 =	seq.s32 s5, $0x0;
	s5 =	sld [smem:$0x3F99]  }
0x2b: {  	s6 =	sld [smem:$0x3F9A]  }
0x2c: {  	s7 =	sld [smem:$0x3F9B]  }
0x2d: {  	s3 =	simm.s32 $0x108;
	s8 =	sld [smem:$0x3F9C]  }
0x2e: {  	s3 =	simm.s32 @!p0 $0x1082;
	s9 =	sld [smem:$0x3F9D]  }
0x2f: {  	lr =	sadd.s32 s0, s3;
	s0 =	sld [smem:$0x3F94]  }
0x30: {  	s3 =	sld [smem:$0x3F97]  }
0x31: {  	[smem:$0x3FA0] =	sst s10  }
0x32: {  	s10 =	sld [smem:$0x3F9E];
	_ =	sdelay $0x3  }
0x33: {  	p0 =	seq.s32 s10, $0x1;
	s10 =	sld [smem:$0x3FA0];
	_ =	sdelay $0x3  }
0x34: {  	[smem:$0x3FA0] =	sst s10  }
0x35: {  	s10 =	sld [smem:$0x3F9F];
	_ =	sdelay $0x3  }
0x36: {  	p1 =	seq.s32 s10, $0x1;
	s10 =	sld [smem:$0x3FA0];
	_ =	sdelay $0x3  }
0x37: {  	[smem:$0x3FA0] =	sst s10  }
0x38: {  	s10 =	sld [smem:$0x3FA1]  }
0x39: {  	_ = 	snop;
	(pc) =	sbr.ind lr, $3  }
0x3a: {  	_ = 	snop  }
0x3b: {  	_ = 	snop  }
0x3c: {  	p2 =	seq.s32 s10, $0x1;
	s10 =	sld [smem:$0x3FA0]  }
0x3d: {  	_ =	shalt  }
0x3e: {  	_ =	shalt  }
0x3f: {  	_ =	shalt  }
0x40: {  	_ =	shalt  }
0x41: {  	_ =	shalt  }
0x42: {  	_ =	shalt  }
0x43: {  	_ =	shalt  }
0x44: {  	_ =	shalt  }
0x45: {  	_ =	shalt  }
0x46: {  	_ =	shalt  }
0x47: {  	_ =	shalt  }
0x48: {  	_ =	shalt  }
0x49: {  	_ =	shalt  }
0x4a: {  	_ =	shalt  }
0x4b: {  	_ =	shalt  }
0x4c: {  	_ =	shalt  }
0x4d: {  	_ =	shalt  }
0x4e: {  	_ =	shalt  }
0x4f: {  	_ =	shalt  }
0x50: {  	_ =	shalt  }
0x51: {  	_ =	shalt  }
0x52: {  	_ =	shalt  }
0x53: {  	_ =	shalt  }
0x54: {  	_ =	shalt  }
0x55: {  	_ =	shalt  }
0x56: {  	_ =	shalt  }
0x57: {  	_ =	shalt  }
0x58: {  	_ =	shalt  }
0x59: {  	_ =	shalt  }
0x5a: {  	_ =	shalt  }
0x5b: {  	_ =	shalt  }
0x5c: {  	_ =	shalt  }
0x5d: {  	_ =	shalt  }
0x5e: {  	_ =	shalt  }
0x5f: {  	_ =	shalt  }
0x60: {  	_ =	shalt  }
0x61: {  	_ =	shalt  }
0x62: {  	_ =	shalt  }
0x63: {  	_ =	shalt  }
0x64: {  	_ =	shalt  }
0x65: {  	_ =	shalt  }
0x66: {  	_ =	shalt  }
0x67: {  	_ =	shalt  }
0x68: {  	_ =	shalt  }
0x69: {  	_ =	shalt  }
0x6a: {  	_ =	shalt  }
0x6b: {  	_ =	shalt  }
0x6c: {  	_ =	shalt  }
0x6d: {  	_ =	shalt  }
0x6e: {  	_ =	shalt  }
0x6f: {  	_ =	shalt  }
0x70: {  	_ =	shalt  }
0x71: {  	_ =	shalt  }
0x72: {  	_ =	shalt  }
0x73: {  	_ =	shalt  }
0x74: {  	_ =	shalt  }
0x75: {  	_ =	shalt  }
0x76: {  	_ =	shalt  }
0x77: {  	_ =	shalt  }
0x78: {  	_ =	shalt  }
0x79: {  	_ =	shalt  }
0x7a: {  	_ =	shalt  }
0x7b: {  	_ =	shalt  }
0x7c: {  	_ =	shalt  }
0x7d: {  	_ =	shalt  }
0x7e: {  	_ =	shalt  }
0x7f: {  	_ =	shalt  }
0x80: {  	_ =	shalt  }
0x81: {  	_ =	shalt  }
0x82: {  	_ =	shalt  }
0x83: {  	_ =	shalt  }
0x84: {  	_ =	shalt  }
0x85: {  	_ =	shalt  }
0x86: {  	_ =	shalt  }
0x87: {  	_ =	shalt  }
.Lfunc_end0:
.L_simem_size_0:
called_computation.1_lowered:
.L_overlay_start_0:
0x88: {  	s2 =	sld [smem:$0x3FD9]  }
0x89: {  	s3 =	sld [smem:$0x3FFE];
	_ =	sdelay $0x1  }
0x8a: {  	s1 =	srdreg.scid  }
0x8b: {  	s0 =	sand.u32 $0x1, s1  }
0x8c: {  	s16 =	sshll.u32 s0, $0xA;
	s2 =	sadd.s32 s3, s2  }
0x8d: {  	s2 =	sadd.s32 s2, s16  }
0x8e: {  	[smem:$0x3FAC] =	sst s2  }
0x8f: {  	_ = 	snop  }
0x90: {  	(tm) =	ssettm $0x1  }
0x91: {  	s17 =	sld [smem:$0x3FFB];
	_ =	sdelay $0x3  }
0x92: {  	_ =	strace s17  }
0x93: {  	s2 =	sld [smem:$0x3FFC];
	_ =	sdelay $0x3  }
0x94: {  	_ =	strace s2  }
0x95: {  	s2 =	sld [smem:$0x3FFD];
	_ =	sdelay $0x3  }
0x96: {  	_ =	strace s2  }
0x97: {  	_ =	strace $0x8FFFFFFF  }
0x98: {  	s18 =	sld [smem:$0x3FDB];
	_ =	sdelay $0x1  }
0x99: {  	s19 =	simm.s32 $_scs_section_size  }
0x9a: {  	s4 =	simm.s32 $_size__tile_overlayer_lowered;
	s5 =	simm.s32 $_tile_overlayer_lowered  }
0x9b: {  	s22 =	simm.s32 $0x1BFF;
	s21 =	sshll.u32 s5, $0x1;
	s2 =	sadd.s32 s19, s18  }
0x9c: {  	s6 =	simm.s32 $0x0;
	s20 =	sshll.u32 s4, $0x1;
	s4 =	sadd.s32 s21, s2  }
0x9d: {  	[timem:s6], [sflag:s22] =	dma.local [hbm:s4], s20  }
0x9e: {  	_ =	swait.ge [sflag:s22], s20  }
0x9f: {  	s3 =	ssub.s32 $0x0, s20;
	[sflag:s22] =	ssyncset.done $0x0  }
0xa0: {  	[sflag:s22] =	ssyncadd.s32 s3;
	_ =	sdelay $0x1  }
0xa1: {  	s23 =	simm.s32 $0x1B8B  }
0xa2: {  	_ =	swait.ge [sflag:s23], $0x1  }
0xa3: {  	[sflag:s23] =	ssyncset.done $0x0  }
0xa4: {  	s25 =	simm.s32 $0x1B8E;
	s24 =	sld [smem:$0x3FFE];
	[sflag:s23] =	ssyncadd.s32 $0xFFFFFFFF  }
0xa5: {  	s26 =	simm.s32 $execute0_lowered;
	[smem:$0x3FD2] =	sst s25  }
0xa6: {  	s4 =	sshll.u32 s26, $0x1;
	_ =	strace $0x80000049;
	[dreg:$0x1] =	wrdreg $0xFFFFFFFF  }
0xa7: {  	s28 =	simm.s32 $_size_execute0_lowered;
	s2 =	sadd.s32 s2, s4;
	[dreg:$0x0] =	wrdreg $0x0  }
0xa8: {  	s4 =	sshll.u32 s28, $0x1;
	[dreg:$0x2] =	wrdreg s2  }
0xa9: {  	[dreg:$0x3] =	wrdreg s4  }
0xaa: {  	[dreg:$0x4] =	wrdreg $0xC0  }
0xab: {  	_ =	task [dreg:s6], $0x5FFFF  }
0xac: {  	[dreg:$0x1] =	wrdreg $0xFFFFFFFF  }
0xad: {  	[dreg:$0x0] =	wrdreg $0x60  }
0xae: {  	[dreg:$0x2] =	wrdreg s24  }
0xaf: {  	[dreg:$0x3] =	wrdreg $0xBFE00  }
0xb0: {  	[dreg:$0x4] =	wrdreg $0x9  }
0xb1: {  	_ =	task.clear_ibuf [dreg:s6], $0x5FFFF;
	_ =	strace $0x90000049  }
0xb2: {  	s29 =	simm.s32 $0x9;
	_ =	strace $0x8000004B  }
0xb3: {  	_ =	swait.ge [sflag:s29], $0x1  }
0xb4: {  	[sflag:s29] =	ssyncadd.s32 $0xFFFFFFFF  }
0xb5: {  	_ =	strace $0x9000004B  }
0xb6: {  	_ =	sfence  }
0xb7: {  	s30 =	sld [smem:$0x0];
	_ =	sdelay $0x2  }
0xb8: {  	s31 =	sshll.u32 s1, $0xD;
	s1 =	sshrl.u32 s1, $0x2  }
0xb9: {  	s3 =	sand.u32 $0x4000, s31;
	s1 =	sadd.s32 s1, s30  }
0xba: {  	s0 =	sor.u32 s3, s0;
	s1 =	sshll.u32 s1, $0x11  }
0xbb: {  	s0 =	sor.u32 s1, s0  }
0xbc: {  	s0 =	sadd.s32 $0x8F2B, s0  }
0xbd: {  	[sflag:s0] =	ssyncadd.remote.s32 $0x1  }
0xbe: {  	_ =	sfence.sel $0xFFFF  }
0xbf: {  	[dreg:$0x0] =	wrdreg $0xFFFFFFFF;
	(pc) =	sbr.abs _section_cstart, $3  }
0xc0: {  	[dreg:$0x1] =	wrdreg $0xFFFFFFFF  }
0xc1: {  	_ =	task.clear_ibuf [dreg:s6], $0x2FFFF;
	_ =	strace $0x9FFFFFFF  }
0xc2: {  	(tm) =	ssettm $0x7FFFFFFF  }
0xc3: {  	_ =	shalt  }
tec
execute0_lowered:
.L_overlay_start_1:
0x0: {  	(tag) =	ssettag $0x1  }
0x1: {  	s0 =	rddreg [dreg:$0x0]  }
0x2: {  	s1 =	rddreg [dreg:$0x1];
	s2 =	simm.s32 $0x0  }
0x3: {  	s21 =	srdreg.scid;
	s13 =	stileid.u32;
	s19 =	simm.s32 $0x8DE0  }
0x4: {  	s20 =	simm.s32 $0x2;
	s28 =	simm.s32 $0xF0;
	s29 =	simm.s32 $0x1AE0  }
0x5: {  	s30 =	simm.s32 $0x5BE0;
	s31 =	simm.s32 $0x190;
	[smem:$0x7FF] =	sst s2  }
0x6: {  	s2 =	sand.u32 $0x1, s21;
	s3 =	smul.u32 $0x280, s13;
	s4 =	sadd.s32 $0x56600, s0  }
0x7: {  	s5 =	sadd.s32 $0x8400, s0;
	s7 =	sadd.s32 $0x12EA00, s0;
	s10 =	smul.u32 $0x32000, s13  }
0x8: {  	s6 =	sadd.s32 $0x88800, s0;
	s8 =	sadd.s32 $0x124C00, s0;
	s13 =	smul.u32 $0x4E20, s13  }
0x9: {  	v0 =	vimm.s32 $0xFEDCBA98;
	s0 =	sadd.s32 $0x138800, s0;
	s21 =	simm.s32 $0x140;
	s9 =	smul.u32 $0x2800, s2  }
0xa: {  	v1 =	vimm.s32 $0x76543210;
	v0 =	vunpack.c.l.s4.s8 v0;
	_ =	strace $0x8000004A;
	s11 =	ssub.s32 $0x2, s2;
	s2 =	smul.u32 $0x2710, s2  }
0xb: {  	v2 =	vimm.s32 $0x32107654;
	v3 =	vimm.s32 $0xDCFE98BA;
	v1 =	vunpack.c.l.s4.s8 v1;
	s22 =	sshrl.u32 s11, $0x1;
	s10 =	sshrl.u32 s10, $0x2;
	s3 =	sadd.s32 s3, s9  }
0xc: {  	v4 =	vimm.s32 $0x54761032;
	v5 =	vimm.s32 $0xEFCDAB89;
	v0 =	vunpack.c.0.s8.s32 v0;
	s14 =	ssub.s32 s11, s22;
	s18 =	sadd.s32 s10, s1;
	s12 =	smul.u32 $0x50, s3  }
0xd: {  	v6 =	vimm.s32 $0x67452301;
	vm0 =	vmmov $0xf;
	v1 =	vunpack.c.0.s8.s32 v1;
	s22 =	simm.s32 $0x1;
	s3 =	smul.u32 $0xA, s3;
	s26 =	smax.u32 s14, $0x1  }
0xe: {  	v2 =	vunpack.c.l.s4.s8 v2;
	v3 =	vunpack.c.l.s4.s8 v3;
	v0 =	vand.u32 $0xF, v0;
	s17 =	sadd.s32 $0x9600, s18;
	[dreg:$0x8] =	wrdreg s26;
	s12 =	sshrl.u32 s12, $0x3  }
0xf: {  	v4 =	vunpack.c.l.s4.s8 v4;
	v0 =	vcombine.low v0, v1;
	v1 =	vimm.s32 $0xBA98FEDC;
	[dreg:$0x3] =	wrdreg s17;
	s15 =	sadd.s32 s0, s12;
	s0 =	sadd.s32 s0, s3  }
0x10: {  	v5 =	vunpack.c.l.s4.s8 v5;
	v6 =	vunpack.c.l.s4.s8 v6;
	s10 =	sadd.s32 $0x3200, s18;
	v1 =	vunpack.c.l.s4.s8 v1;
	s23 =	sadd.s32 $0x640, s15;
	[dreg:$0x5] =	wrdreg s0  }
0x11: {  	v2 =	vunpack.c.0.s8.s32 v2;
	v3 =	vunpack.c.0.s8.s32 v3;
	v4 =	vunpack.c.0.s8.s32 v4;
	s16 =	sadd.s32 $0x6400, s18;
	s24 =	sadd.s32 $0xC80, s15;
	[dreg:$0x4] =	wrdreg s23  }
0x12: {  	v5 =	vunpack.c.0.s8.s32 v5;
	v6 =	vunpack.c.0.s8.s32 v6;
	s26 =	simm.s32 $0x33E0;
	s25 =	sadd.s32 $0x12C0, s15;
	v7 =	vunpack.c.0.s8.s32 v1;
	[dreg:$0x6] =	wrdreg s24  }
0x13: {  	vm1 =	vcmask $0x1F24;
	v3 =	vcombine.low v4, v3;
	v1 =	vmov s2;
	s0 =	simm.s32 $0xA6E0;
	s2 =	simm.s32 $0x0;
	[dreg:$0x7] =	wrdreg s25  }
0x14: {  	v4 =	vimm.f32 $0.0e+00;
	v5 =	vcombine.low v6, v5;
	s23 =	simm.s32 $0x50;
	s24 =	simm.s32 $0xA0;
	s25 =	simm.s32 $0x1E0;
	v2 =	vcombine.low v2, v7  }
.LBB2_1:
0x15: {  	s14 =	simm.s32 $0x140;
	s3 =	simm.s32 $0x0  }
.LBB2_2:
0x16: {  	p0 =	sne.s32 s14, $0xC6C0;
	[tilespmem:s3+$0x8E20] =	vst v4;
	s15 =	smov.u32 s14;
	s14 =	sadd.s32 $0x140, s14  }
.Ltmp0:
0x17: {  	[tilespmem:s3+$0x8E10] =	vst v4;
	(pc) =	sbr.rel @p0 .LBB2_2-.Ltmp0, $4  }
0x18: {  	[tilespmem:s3+$0x8E00] =	vst v4  }
0x19: {  	[tilespmem:s3+$0x8DE0] =	vst v4  }
0x1a: {  	[tilespmem:s3+$0x8DF0] =	vst v4  }
0x1b: {  	s3 =	sshra.s32 s15, $0x2  }
0x1c: {  	[tilespmem:s3+$0x8E20] =	vst v4  }
0x1d: {  	[tilespmem:s3+$0x8E10] =	vst v4  }
0x1e: {  	[tilespmem:s3+$0x8E00] =	vst v4  }
0x1f: {  	[tilespmem:s3+$0x8DE0] =	vst v4  }
0x20: {  	[tilespmem:s3+$0x8DF0] =	vst v4  }
0x21: {  	[spmem:s18] =	stream.linear.scatter [tilespmem:s19], [sflag:$0x2], $0x3200, $0x38;
	[tilespmem:$0x187E0] =	vst v63  }
0x22: {  	_ =	swait.ge [sflag:s20], $0x3200  }
0x23: {  	[sflag:s20] =	ssyncset.done $0x0  }
0x24: {  	[sflag:s20] =	ssyncadd.s32 $0xFFFFCE00  }
0x25: {  	[spmem:s10] =	stream.linear.scatter [tilespmem:s19], [sflag:$0x2], $0x3200, $0x38;
	[tilespmem:$0x187E0] =	vst v63  }
0x26: {  	_ =	swait.ge [sflag:s20], $0x3200  }
0x27: {  	[sflag:s20] =	ssyncset.done $0x0  }
0x28: {  	[sflag:s20] =	ssyncadd.s32 $0xFFFFCE00  }
0x29: {  	[spmem:s16] =	stream.linear.scatter [tilespmem:s19], [sflag:$0x2], $0x3200, $0x38;
	[tilespmem:$0x187E0] =	vst v63  }
0x2a: {  	_ =	swait.ge [sflag:s20], $0x3200  }
0x2b: {  	[sflag:s20] =	ssyncset.done $0x0  }
0x2c: {  	[sflag:s20] =	ssyncadd.s32 $0xFFFFCE00  }
0x2d: {  	[spmem:s17] =	stream.linear.scatter [tilespmem:s19], [sflag:$0x2], $0x3200, $0x38;
	[tilespmem:$0x187E0] =	vst v63  }
0x2e: {  	_ =	swait.ge [sflag:s20], $0x3200  }
0x2f: {  	s9 =	smov.u32 s18;
	[sflag:s20] =	ssyncset.done $0x0  }
0x30: {  	s11 =	smov.u32 s10;
	s12 =	smov.u32 s16;
	[sflag:s20] =	ssyncadd.s32 $0xFFFFCE00  }
0x31: {  	s14 =	simm.s32 $0x0;
	s15 =	simm.s32 $0x0;
	[bflag:$0x0] =	sbarrier.arrive $0xFFFF  }
.LBB2_4:
0x32: {  	s3 =	smul.u32 $0xA0, s15;
	_ =	sdelay $0x1  }
0x33: {  	s3 =	sadd.s32 s13, s3  }
0x34: {  	s16 =	smulhi.u32 $0xCCCCCCCD, s3;
	_ =	sdelay $0x1  }
0x35: {  	s16 =	sshrl.u32 s16, $0x6  }
0x36: {  	s16 =	smul.u32 $0x50, s16;
	_ =	sdelay $0x1  }
0x37: {  	s16 =	sshrl.u32 s16, $0x3  }
0x38: {  	s3 =	sshll.u32 s3, $0x1;
	s17 =	sadd.s32 s7, s16  }
0x39: {  	[tilespmem:s14], [sflag:$0x1] =	stream.linear.gather [hbm4b:s17+s14], $0xA0, $0x38;
	[tilespmem:$0x187E0] =	vst v63  }
0x3a: {  	s3 =	sand.u32 $0x1FFFFFC0, s3;
	s16 =	sadd.s32 s8, s16  }
0x3b: {  	[tilespmem:s21], [sflag:$0x1] =	stream.linear.gather [hbm4b:s16+s14], $0xA0, $0x38;
	[tilespmem:$0x187E0] =	vst v63  }
0x3c: {  	s3 =	sadd.s32 s6, s3;
	s16 =	simm.s32 $0x83E0  }
0x3d: {  	[tilespmem:s16], [sflag:$0x1] =	stream.linear.gather [hbm4b:s3+s14], $0xA00, $0x38;
	[tilespmem:$0x187E0] =	vst v63  }
0x3e: {  	_ =	swait.ge [sflag:s22], $0xA0  }
0x3f: {  	[sflag:s22] =	ssyncset.done $0x0  }
0x40: {  	[sflag:s22] =	ssyncadd.s32 $0xFFFFFF60  }
0x41: {  	_ =	swait.ge [sflag:s22], $0xA0  }
0x42: {  	[sflag:s22] =	ssyncset.done $0x0  }
0x43: {  	[sflag:s22] =	ssyncadd.s32 $0xFFFFFF60  }
0x44: {  	v6 =	vld [tilespmem:$0x0]  }
0x45: {  	v7 =	vld [tilespmem:$0x140]  }
0x46: {  	v8 =	vld [tilespmem:$0x10]  }
0x47: {  	v9 =	vld [tilespmem:$0x150]  }
0x48: {  	v10 =	vld [tilespmem:$0x20]  }
0x49: {  	v11 =	vld [tilespmem:$0x160];
	v6 =	vadd.s32 v1, v6  }
0x4a: {  	[tilespmem:$0x0] =	vst v6;
	v6 =	vadd.s32 v1, v7;
	v7 =	vld [tilespmem:$0x30]  }
0x4b: {  	[tilespmem:$0xA0] =	vst v6;
	v6 =	vadd.s32 v1, v8;
	v8 =	vld [tilespmem:$0x170]  }
0x4c: {  	[tilespmem:$0x10] =	vst v6;
	v6 =	vadd.s32 v1, v9;
	v9 =	vld [tilespmem:$0x40]  }
0x4d: {  	[tilespmem:$0xB0] =	vst v6;
	v6 =	vadd.s32 v1, v10;
	v10 =	vld [tilespmem:$0x180]  }
0x4e: {  	[tilespmem:$0x20] =	vst v6;
	v6 =	vadd.s32 v1, v11;
	v11 =	vld [tilespmem:$0x50]  }
0x4f: {  	[tilespmem:$0xC0] =	vst v6;
	v6 =	vadd.s32 v1, v7;
	v7 =	vld [tilespmem:$0x190]  }
0x50: {  	[tilespmem:$0x30] =	vst v6;
	v6 =	vadd.s32 v1, v8;
	v8 =	vld [tilespmem:$0x60]  }
0x51: {  	[tilespmem:$0xD0] =	vst v6;
	v6 =	vadd.s32 v1, v9;
	v9 =	vld [tilespmem:$0x1A0]  }
0x52: {  	[tilespmem:$0x40] =	vst v6;
	v6 =	vadd.s32 v1, v10;
	v10 =	vld [tilespmem:$0x70]  }
0x53: {  	[tilespmem:$0xE0] =	vst v6;
	v6 =	vadd.s32 v1, v11;
	v11 =	vld [tilespmem:$0x1B0]  }
0x54: {  	[tilespmem:$0x50] =	vst v6;
	v6 =	vadd.s32 v1, v7;
	v7 =	vld [tilespmem:$0x80]  }
0x55: {  	[tilespmem:$0xF0] =	vst v6;
	v6 =	vadd.s32 v1, v8;
	v8 =	vld [tilespmem:$0x1C0]  }
0x56: {  	[tilespmem:$0x60] =	vst v6;
	v6 =	vadd.s32 v1, v9;
	v9 =	vld [tilespmem:$0x90]  }
0x57: {  	[tilespmem:$0x100] =	vst v6;
	v6 =	vadd.s32 v1, v10;
	v10 =	vld [tilespmem:$0x1D0]  }
0x58: {  	[tilespmem:$0x70] =	vst v6;
	v6 =	vadd.s32 v1, v11  }
0x59: {  	[tilespmem:$0x110] =	vst v6;
	v6 =	vadd.s32 v1, v7  }
0x5a: {  	[tilespmem:$0x80] =	vst v6;
	v6 =	vadd.s32 v1, v8  }
0x5b: {  	[tilespmem:$0x120] =	vst v6;
	v6 =	vadd.s32 v1, v9  }
0x5c: {  	[tilespmem:$0x90] =	vst v6;
	v6 =	vadd.s32 v1, v10  }
0x5d: {  	[tilespmem:$0x130] =	vst v6  }
0x5e: {  	[tilespmem:s25], [sflag:$0x1] =	stream.indirect.gather [hbm4b:s4+s23], $0x50, s24, s23, $0xb8;
	[tilespmem:$0x187E0] =	vst v63  }
0x5f: {  	_ = 	snop  }
0x60: {  	[tilespmem:s26], [sflag:$0x1] =	stream.indirect.gather [hbm4b:s5+s23], $0x80, s14, s23, $0xb8;
	[tilespmem:$0x187E0] =	vst v63  }
0x61: {  	_ = 	snop  }
0x62: {  	[tilespmem:s29], [sflag:$0x1] =	stream.indirect.gather [hbm4b:s4+s23], $0x50, s28, s23, $0xb8;
	[tilespmem:$0x187E0] =	vst v63  }
0x63: {  	_ = 	snop  }
0x64: {  	[tilespmem:s30], [sflag:$0x1] =	stream.indirect.gather [hbm4b:s5+s23], $0x80, s23, s23, $0xb8;
	[tilespmem:$0x187E0] =	vst v63  }
0x65: {  	_ =	swait.ge [sflag:s22], $0xA00  }
0x66: {  	[sflag:s22] =	ssyncset.done $0x0  }
0x67: {  	[sflag:s22] =	ssyncadd.s32 $0xFFFFF600  }
0x68: {  	_ =	swait.ge [sflag:s22], $0x1900  }
0x69: {  	[sflag:s22] =	ssyncset.done $0x0  }
0x6a: {  	[sflag:s22] =	ssyncadd.s32 $0xFFFFE700  }
0x6b: {  	_ =	swait.ge [sflag:s22], $0x2800  }
0x6c: {  	[sflag:s22] =	ssyncset.done $0x0  }
0x6d: {  	[sflag:s22] =	ssyncadd.s32 $0xFFFFD800  }
0x6e: {  	_ =	swait.ge [sflag:s22], $0x1900  }
0x6f: {  	[sflag:s22] =	ssyncset.done $0x0  }
0x70: {  	[sflag:s22] =	ssyncadd.s32 $0xFFFFE700  }
0x71: {  	_ =	swait.ge [sflag:s22], $0x2800  }
0x72: {  	[sflag:s22] =	ssyncset.done $0x0  }
0x73: {  	s10 =	simm.s32 $0x0;
	[sflag:s22] =	ssyncadd.s32 $0xFFFFD800  }
0x74: {  	v6 =	vld [tilespmem:s10+$0x200]  }
0x75: {  	v7 =	vld [tilespmem:s10+$0x1E0]  }
0x76: {  	s18 =	simm.s32 $0x3420;
	v8 =	vld [tilespmem:s10+$0x1F0]  }
0x77: {  	v9 =	vld [tilespmem:s18+$0xFFFFFFD0]  }
0x78: {  	v10 =	vld [tilespmem:s18+$0xFFFFFFC0]  }
0x79: {  	v11 =	vld [tilespmem:s18+$0xFFFFFFE0]  }
0x7a: {  	v12 =	vld [tilespmem:s18+$0xFFFFFFF0]  }
0x7b: {  	v13 =	vld [tilespmem:s16+$0x0]  }
0x7c: {  	v14 =	vld [tilespmem:s10+$0x210]  }
0x7d: {  	v7 =	vmul.f32 v10, v7;
	v8 =	vmul.f32 v9, v8;
	v9 =	vld [tilespmem:s10+$0x220];
	_ =	sdelay $0x1  }
0x7e: {  	v6 =	vmul.f32 v11, v6;
	v7 =	vadd.f32 v8, v7;
	_ =	sdelay $0x1  }
0x7f: {  	v6 =	vadd.f32 v6, v7;
	v7 =	vmul.f32 v12, v14  }
0x80: {  	v8 =	vmul.f32 v9, v13  }
0x81: {  	v6 =	vadd.f32 v7, v6  }
0x82: {  	v7 =	vnsel vm0, $0x0, v8  }
0x83: {  	v6 =	vadd.f32 v7, v6;
	_ =	sdelay $0x1  }
0x84: {  	v7 =	vperm.xlane v6, v0;
	_ =	sdelay $0x1  }
0x85: {  	v6 =	vadd.f32 v6, v7;
	_ =	sdelay $0x1  }
0x86: {  	v7 =	vperm.xlane v6, v2;
	_ =	sdelay $0x1  }
0x87: {  	v6 =	vadd.f32 v6, v7;
	_ =	sdelay $0x1  }
0x88: {  	v7 =	vperm.xlane v6, v3;
	_ =	sdelay $0x1  }
0x89: {  	v6 =	vadd.f32 v6, v7;
	_ =	sdelay $0x1  }
0x8a: {  	v7 =	vperm.xlane v6, v5;
	_ =	sdelay $0x1  }
0x8b: {  	v6 =	vadd.f32 v6, v7;
	_ =	sdelay $0x1  }
0x8c: {  	v6 =	vmul.f32 $1.250000000e-01, v6;
	_ =	sdelay $0x1  }
0x8d: {  	v6 =	vmul.f32 $1.442695020e+00, v6;
	_ =	sdelay $0x1  }
0x8e: {  	(erf) = vpow2.f32 v6;
	_ =	sdelay $0x4  }
0x8f: {  	v6 =	vld [tilespmem:s18+$0x0];
	_ =	sdelay $0x3  }
0x90: {  	v7 =	vpop (erf)  }
0x91: {  	v6 =	vmul.f32 v7, v6;
	_ =	sdelay $0x1  }
0x92: {  	[tilespmem:s10+$0x8DE0] =	vst v6  }
0x93: {  	v6 =	vld [tilespmem:s18+$0x10];
	_ =	sdelay $0x4  }
0x94: {  	v6 =	vmul.f32 v7, v6;
	_ =	sdelay $0x1  }
0x95: {  	[tilespmem:s10+$0x8DF0] =	vst v6  }
0x96: {  	v6 =	vld [tilespmem:s18+$0x20];
	_ =	sdelay $0x4  }
0x97: {  	v6 =	vmul.f32 v7, v6;
	_ =	sdelay $0x1  }
0x98: {  	v8 =	vnsel vm0, $0x0, v7;
	[tilespmem:s10+$0x8E00] =	vst v6  }
0x99: {  	v8 =	vmul.f32 v8, v13;
	v9 =	vld [tilespmem:s18+$0x30]  }
0x9a: {  	v6 =	vsel vm1, $0x0, v7  }
0x9b: {  	v6 =	vadd.f32 v8, v6;
	_ =	sdelay $0x1  }
0x9c: {  	s17 =	simm.s32 $0x50;
	[tilespmem:s10+$0x8E20] =	vst v6  }
0x9d: {  	v6 =	vld [tilespmem:s17+$0x200];
	v9 =	vmul.f32 v9, v7  }
0x9e: {  	v8 =	vld [tilespmem:s17+$0x1F0]  }
0x9f: {  	s18 =	simm.s32 $0x34A0;
	v7 =	vld [tilespmem:s17+$0x1E0];
	[tilespmem:s10+$0x8E10] =	vst v9  }
0xa0: {  	s3 =	simm.s32 $0x280;
	v9 =	vld [tilespmem:s18+$0xFFFFFFD0]  }
.LBB2_5:
0xa1: {  	p0 =	sne.s32 s3, $0xC6C0;
	v10 =	vld [tilespmem:s18+$0xFFFFFFC0]  }
0xa2: {  	v11 =	vld [tilespmem:s18+$0xFFFFFFE0]  }
0xa3: {  	s16 =	sadd.s32 $0x10, s16;
	v12 =	vld [tilespmem:s18+$0xFFFFFFF0]  }
0xa4: {  	v13 =	vld [tilespmem:s16+$0x0]  }
0xa5: {  	v14 =	vld [tilespmem:s17+$0x210]  }
0xa6: {  	v8 =	vmul.f32 v9, v8;
	v7 =	vmul.f32 v10, v7;
	v9 =	vld [tilespmem:s17+$0x220];
	_ =	sdelay $0x1  }
0xa7: {  	v6 =	vmul.f32 v11, v6;
	v7 =	vadd.f32 v8, v7;
	_ =	sdelay $0x1  }
0xa8: {  	v6 =	vadd.f32 v6, v7;
	v7 =	vmul.f32 v12, v14  }
0xa9: {  	v8 =	vmul.f32 v9, v13  }
0xaa: {  	v6 =	vadd.f32 v7, v6  }
0xab: {  	v7 =	vnsel vm0, $0x0, v8  }
0xac: {  	v6 =	vadd.f32 v7, v6;
	_ =	sdelay $0x1  }
0xad: {  	v7 =	vperm.xlane v6, v0;
	_ =	sdelay $0x1  }
0xae: {  	v6 =	vadd.f32 v6, v7;
	_ =	sdelay $0x1  }
0xaf: {  	v7 =	vperm.xlane v6, v2;
	_ =	sdelay $0x1  }
0xb0: {  	v6 =	vadd.f32 v6, v7;
	_ =	sdelay $0x1  }
0xb1: {  	v7 =	vperm.xlane v6, v3;
	_ =	sdelay $0x1  }
0xb2: {  	v6 =	vadd.f32 v6, v7;
	_ =	sdelay $0x1  }
0xb3: {  	v7 =	vperm.xlane v6, v5;
	_ =	sdelay $0x1  }
0xb4: {  	v6 =	vadd.f32 v6, v7;
	_ =	sdelay $0x1  }
0xb5: {  	v6 =	vmul.f32 $1.250000000e-01, v6;
	_ =	sdelay $0x1  }
0xb6: {  	v6 =	vmul.f32 $1.442695020e+00, v6;
	_ =	sdelay $0x1  }
0xb7: {  	(erf) = vpow2.f32 v6;
	_ =	sdelay $0x4  }
0xb8: {  	v6 =	vld [tilespmem:s18+$0x0];
	_ =	sdelay $0x3  }
0xb9: {  	v7 =	vpop (erf)  }
0xba: {  	v6 =	vmul.f32 v7, v6;
	v8 =	vnsel vm0, $0x0, v7;
	v9 =	vsel vm1, $0x0, v7  }
0xbb: {  	v8 =	vmul.f32 v8, v13  }
0xbc: {  	[tilespmem:s17+$0x8DE0] =	vst v6  }
0xbd: {  	v6 =	vld [tilespmem:s18+$0x10];
	v8 =	vadd.f32 v8, v9;
	_ =	sdelay $0x4  }
0xbe: {  	v6 =	vmul.f32 v7, v6;
	_ =	sdelay $0x1  }
0xbf: {  	[tilespmem:s17+$0x8DF0] =	vst v6  }
0xc0: {  	v6 =	vld [tilespmem:s18+$0x20];
	_ =	sdelay $0x4  }
0xc1: {  	v6 =	vmul.f32 v7, v6;
	_ =	sdelay $0x1  }
0xc2: {  	[tilespmem:s17+$0x8E00] =	vst v6  }
0xc3: {  	v9 =	vld [tilespmem:s18+$0x30];
	[tilespmem:s17+$0x8E20] =	vst v8;
	_ =	sdelay $0x3  }
.Ltmp1:
0xc4: {  	s10 =	sshra.s32 s3, $0x2;
	(pc) =	sbr.rel @p0 .LBB2_5-.Ltmp1, $4  }
0xc5: {  	v6 =	vld [tilespmem:s10+$0x200];
	v9 =	vmul.f32 v9, v7  }
0xc6: {  	v7 =	vld [tilespmem:s10+$0x1E0]  }
0xc7: {  	s18 =	sadd.s32 $0x80, s18;
	v8 =	vld [tilespmem:s10+$0x1F0];
	[tilespmem:s17+$0x8E10] =	vst v9;
	s17 =	smov.u32 s10  }
0xc8: {  	s3 =	sadd.s32 $0x140, s3;
	v9 =	vld [tilespmem:s18+$0xFFFFFFD0]  }
0xc9: {  	v10 =	vld [tilespmem:s18+$0xFFFFFFC0]  }
0xca: {  	v11 =	vld [tilespmem:s18+$0xFFFFFFE0]  }
0xcb: {  	v12 =	vld [tilespmem:s18+$0xFFFFFFF0]  }
0xcc: {  	v14 =	vld [tilespmem:s17+$0x210]  }
0xcd: {  	s3 =	sadd.s32 $0x10, s16;
	v60 =	vld [tilespmem:s17+$0x220]  }
0xce: {  	v13 =	vld [tilespmem:s3+$0x0];
	v8 =	vmul.f32 v9, v8;
	v7 =	vmul.f32 v10, v7;
	_ =	sdelay $0x1  }
0xcf: {  	v6 =	vmul.f32 v11, v6;
	v7 =	vadd.f32 v8, v7;
	_ =	sdelay $0x1  }
0xd0: {  	v6 =	vadd.f32 v6, v7;
	v7 =	vmul.f32 v12, v14  }
0xd1: {  	v61 =	vmul.f32 v60, v13  }
0xd2: {  	v6 =	vadd.f32 v7, v6  }
0xd3: {  	v7 =	vnsel vm0, $0x0, v61  }
0xd4: {  	v6 =	vadd.f32 v7, v6;
	_ =	sdelay $0x1  }
0xd5: {  	v7 =	vperm.xlane v6, v0;
	_ =	sdelay $0x1  }
0xd6: {  	v6 =	vadd.f32 v6, v7;
	_ =	sdelay $0x1  }
0xd7: {  	v7 =	vperm.xlane v6, v2;
	_ =	sdelay $0x1  }
0xd8: {  	v6 =	vadd.f32 v6, v7;
	_ =	sdelay $0x1  }
0xd9: {  	v7 =	vperm.xlane v6, v3;
	_ =	sdelay $0x1  }
0xda: {  	v6 =	vadd.f32 v6, v7;
	_ =	sdelay $0x1  }
0xdb: {  	v7 =	vperm.xlane v6, v5;
	_ =	sdelay $0x1  }
0xdc: {  	v6 =	vadd.f32 v6, v7;
	_ =	sdelay $0x1  }
0xdd: {  	v6 =	vmul.f32 $1.250000000e-01, v6;
	_ =	sdelay $0x1  }
0xde: {  	v6 =	vmul.f32 $1.442695020e+00, v6;
	_ =	sdelay $0x1  }
0xdf: {  	(erf) = vpow2.f32 v6;
	_ =	sdelay $0x4  }
0xe0: {  	v6 =	vld [tilespmem:s18+$0x0];
	_ =	sdelay $0x3  }
0xe1: {  	v7 =	vpop (erf)  }
0xe2: {  	v6 =	vmul.f32 v7, v6;
	_ =	sdelay $0x1  }
0xe3: {  	[tilespmem:s17+$0x8DE0] =	vst v6  }
0xe4: {  	v6 =	vld [tilespmem:s18+$0x10];
	_ =	sdelay $0x4  }
0xe5: {  	v6 =	vmul.f32 v7, v6;
	_ =	sdelay $0x1  }
0xe6: {  	[tilespmem:s17+$0x8DF0] =	vst v6  }
0xe7: {  	v6 =	vld [tilespmem:s18+$0x20];
	_ =	sdelay $0x4  }
0xe8: {  	v6 =	vmul.f32 v7, v6;
	_ =	sdelay $0x1  }
0xe9: {  	[tilespmem:s17+$0x8E00] =	vst v6  }
0xea: {  	v6 =	vld [tilespmem:s18+$0x30]  }
0xeb: {  	v62 =	vnsel vm0, $0x0, v7  }
0xec: {  	v8 =	vmul.f32 v62, v13  }
0xed: {  	v63 =	vsel vm1, $0x0, v7  }
0xee: {  	v8 =	vadd.f32 v8, v63  }
0xef: {  	v6 =	vmul.f32 v6, v7  }
0xf0: {  	[tilespmem:s17+$0x8E20] =	vst v8  }
0xf1: {  	[tilespmem:s17+$0x8E10] =	vst v6  }
0xf2: {  	[spmem:s1] =	stream.indirect.scatter.add.f32 [tilespmem:s19], [sflag:$0x1], $0x50, s21, s23, $0xb8;
	[tilespmem:$0x187E0] =	vst v63  }
0xf3: {  	s15 =	sadd.s32 $0x1, s15  }
0xf4: {  	[spmem:s1] =	stream.indirect.scatter.add.f32 [tilespmem:s0], [sflag:$0x1], $0x50, s31, s23, $0xb8;
	[tilespmem:$0x187E0] =	vst v63  }
0xf5: {  	p0 =	sne.s32 s15, $0x7D;
	_ =	swait.ge [sflag:s22], $0x1900  }
.Ltmp2:
0xf6: {  	[sflag:s22] =	ssyncset.done $0x0;
	(pc) =	sbr.rel @p0 .LBB2_4-.Ltmp2, $4  }
0xf7: {  	[sflag:s22] =	ssyncadd.s32 $0xFFFFE700  }
0xf8: {  	_ =	swait.ge [sflag:s22], $0x1900  }
0xf9: {  	[sflag:s22] =	ssyncset.done $0x0  }
0xfa: {  	[sflag:s22] =	ssyncadd.s32 $0xFFFFE700  }
0xfb: {  	[bflag:$0x0] =	sbarrier.arrive $0xFFFF  }
0xfc: {  	[tilespmem:s19], [sflag:$0x2] =	stream.linear.gather [spmem:s9], $0x3200, $0x38;
	[tilespmem:$0x187E0] =	vst v63  }
0xfd: {  	_ =	swait.ge [sflag:s20], $0x3200  }
0xfe: {  	[sflag:s20] =	ssyncset.done $0x0  }
0xff: {  	s3 =	simm.s32 $0x0;
	s10 =	rddreg [dreg:$0x5];
	[sflag:s20] =	ssyncadd.s32 $0xFFFFCE00  }
0x100: {  	[hbm4b:s10+s3] =	stream.linear.scatter [tilespmem:s19], [sflag:$0x2], $0x3200, $0x38;
	[tilespmem:$0x187E0] =	vst v63  }
0x101: {  	_ =	swait.ge [sflag:s20], $0x3200  }
0x102: {  	[sflag:s20] =	ssyncset.done $0x0  }
0x103: {  	[sflag:s20] =	ssyncadd.s32 $0xFFFFCE00  }
0x104: {  	[tilespmem:s19], [sflag:$0x2] =	stream.linear.gather [spmem:s11], $0x3200, $0x38;
	[tilespmem:$0x187E0] =	vst v63  }
0x105: {  	_ =	swait.ge [sflag:s20], $0x3200  }
0x106: {  	[sflag:s20] =	ssyncset.done $0x0  }
0x107: {  	s10 =	smov.u32 s11;
	s11 =	rddreg [dreg:$0x4];
	[sflag:s20] =	ssyncadd.s32 $0xFFFFCE00  }
0x108: {  	[hbm4b:s11+s3] =	stream.linear.scatter [tilespmem:s19], [sflag:$0x2], $0x3200, $0x38;
	[tilespmem:$0x187E0] =	vst v63  }
0x109: {  	_ =	swait.ge [sflag:s20], $0x3200  }
0x10a: {  	[sflag:s20] =	ssyncset.done $0x0  }
0x10b: {  	[sflag:s20] =	ssyncadd.s32 $0xFFFFCE00  }
0x10c: {  	[tilespmem:s19], [sflag:$0x2] =	stream.linear.gather [spmem:s12], $0x3200, $0x38;
	[tilespmem:$0x187E0] =	vst v63  }
0x10d: {  	_ =	swait.ge [sflag:s20], $0x3200  }
0x10e: {  	[sflag:s20] =	ssyncset.done $0x0  }
0x10f: {  	s16 =	smov.u32 s12;
	s12 =	rddreg [dreg:$0x6];
	[sflag:s20] =	ssyncadd.s32 $0xFFFFCE00  }
0x110: {  	[hbm4b:s12+s3] =	stream.linear.scatter [tilespmem:s19], [sflag:$0x2], $0x3200, $0x38;
	[tilespmem:$0x187E0] =	vst v63  }
0x111: {  	_ =	swait.ge [sflag:s20], $0x3200  }
0x112: {  	[sflag:s20] =	ssyncset.done $0x0  }
0x113: {  	s17 =	rddreg [dreg:$0x3];
	[sflag:s20] =	ssyncadd.s32 $0xFFFFCE00  }
0x114: {  	[tilespmem:s19], [sflag:$0x2] =	stream.linear.gather [spmem:s17], $0x3200, $0x38;
	[tilespmem:$0x187E0] =	vst v63  }
0x115: {  	_ =	swait.ge [sflag:s20], $0x3200  }
0x116: {  	[sflag:s20] =	ssyncset.done $0x0  }
0x117: {  	s14 =	rddreg [dreg:$0x7];
	[sflag:s20] =	ssyncadd.s32 $0xFFFFCE00  }
0x118: {  	[hbm4b:s14+s3] =	stream.linear.scatter [tilespmem:s19], [sflag:$0x2], $0x3200, $0x38;
	[tilespmem:$0x187E0] =	vst v63  }
0x119: {  	_ =	swait.ge [sflag:s20], $0x3200  }
0x11a: {  	s2 =	sadd.s32 $0x1, s2;
	s15 =	rddreg [dreg:$0x8]  }
0x11b: {  	p0 =	sne.s32 s2, s15  }
.Ltmp3:
0x11c: {  	_ = 	snop;
	(pc) =	sbr.rel @p0 .LBB2_1-.Ltmp3, $3  }
0x11d: {  	_ =	sdelay $0x1  }
0x11e: {  	[sflag:s20] =	ssyncset.done $0x0  }
0x11f: {  	s18 =	smov.u32 s9;
	[sflag:s20] =	ssyncadd.s32 $0xFFFFCE00  }
0x120: {  	_ =	sfence.sel $0x180000  }
0x121: {  	[bflag:$0x0] =	sbarrier.arrive $0xFFFF  }
0x122: {  	_ =	strace $0x9000004A  }
0x123: {  	s0 =	stileid.u32;
	[bflag:$0x2] =	sbarrier.arrive $0xFFFF  }
0x124: {  	p0 =	sne.s32 s0, $0x0;
	s0 =	rddreg [dreg:$0x2]  }
0x125: {  	s0 =	sadd.s32 @!p0 $0x100000, s0  }
0x126: {  	[sflag:s0] =	ssyncadd.tile.s32 @!p0 $0x1;
	_ =	shalt  }
.Lfunc_end2:
_tile_overlayer_lowered:
.L_overlay_start_2:
0x127: {  	(tag) =	ssettag $0x2  }
0x128: {  	s0 =	rddreg [dreg:$0x0];
	s2 =	stileid.u32  }
0x129: {  	s1 =	rddreg [dreg:$0x1];
	p0 =	sne.s32 s2, $0x0  }
0x12a: {  	s3 =	rddreg [dreg:$0x2];
	[bflag:$0x3] =	sbarrier.arrive $0xFFFF;
	s2 =	simm.s32 @!p0 $0x1C02  }
0x12b: {  	[timem:s3], [sflag:s2] =	dma.local @!p0 [hbm:s0], s1  }
0x12c: {  	s0 =	simm.s32 @!p0 $0x2  }
0x12d: {  	_ =	swait.ge @!p0 [sflag:s0], s1  }
0x12e: {  	s1 =	ssub.s32 @!p0 $0x0, s1;
	[sflag:s0] =	ssyncset.done @!p0 $0x0  }
0x12f: {  	[sflag:s0] =	ssyncadd.s32 @!p0 s1  }
0x130: {  	[bflag:$0x3] =	sbarrier.arrive $0xFFFF  }
0x131: {  	_ =	shalt  }

</sc_bundles>
